<compile_context>
chip_gen: v7x
topology: tpu7x:2x2x1
jax: 0.10.2.dev20260603
libtpu: 0.0.44.dev20260713+nightly
codegen_flags: <defaults>
</compile_context>

<pallas_src>
import functools

import jax
import jax.numpy as jnp
from jax import lax
from jax.experimental import pallas as pl
from jax.experimental.pallas import tpu as pltpu
from jax.experimental.pallas import tpu_sc as plsc

N = 10000
E = 320000
P = 100000
IN_DIM = 128
D = 256
H = 128
NC = 2
NS = 16
CH = 128
NP = 10240
RT = NP // NS
ECH = 160
EG = ECH // 4
EPAD = ECH * NS * CH
PCH = 52
PG = PCH // 4
PPAD = PCH * NS * CH
PCHH = PCH // 2
PPADH = PPAD // 2
DBN = 1024
EC = E // CH
EPS = 1e-5
BN = 1000

@functools.lru_cache(maxsize=None)
def _mesh():
    return plsc.VectorSubcoreMesh(core_axis_name="c", subcore_axis_name="s",
                                  num_cores=NC, num_subcores=NS)



def _bdot(a, w):
    return jnp.dot(a.astype(jnp.bfloat16), w.astype(jnp.bfloat16),
                   preferred_element_type=jnp.float32)


def _ln(t, g, b):
    mu = jnp.mean(t, axis=-1, keepdims=True)
    var = jnp.mean((t - mu) ** 2, axis=-1, keepdims=True)
    return (t - mu) * lax.rsqrt(var + EPS) * g + b


def _enc_body(x_ref, w_ref, b_ref, g_ref, be_ref, o_ref):
    t = _bdot(x_ref[...], w_ref[...])
    t = jnp.maximum(_ln(t + b_ref[...], g_ref[...], be_ref[...]), 0.0)
    o_ref[0] = t[:, :H]
    o_ref[1] = t[:, H:]


def _encode(x, W_in, b_in, g_in, be_in):
    return pl.pallas_call(
        _enc_body,
        grid=(N // BN,),
        in_specs=[
            pl.BlockSpec((BN, IN_DIM), lambda i: (i, 0)),
            pl.BlockSpec((IN_DIM, D), lambda i: (0, 0)),
            pl.BlockSpec((1, D), lambda i: (0, 0)),
            pl.BlockSpec((1, D), lambda i: (0, 0)),
            pl.BlockSpec((1, D), lambda i: (0, 0)),
        ],
        out_specs=pl.BlockSpec((2, BN, H), lambda i: (0, i, 0)),
        out_shape=jax.ShapeDtypeStruct((2, N, H), jnp.float32),
    )(x, W_in, b_in.reshape(1, D), g_in.reshape(1, D), be_in.reshape(1, D))


def _conv_body(h_ref, a_ref, c_ref, wl_ref, bl_ref, wr_ref, g_ref, b_ref,
               o_ref, *, residual):
    h = jnp.concatenate([h_ref[0], h_ref[1]], axis=1)
    agg = jnp.concatenate([a_ref[0], a_ref[1]], axis=1)
    cnt = jnp.maximum(c_ref[0, :, 0:1] + c_ref[1, :, 0:1], 1.0)
    t = _bdot(agg / cnt, wl_ref[...]) + bl_ref[...] + _bdot(h, wr_ref[...])
    t = jnp.maximum(_ln(t, g_ref[...], b_ref[...]), 0.0)
    if residual:
        t = t + h
    o_ref[0] = t[:, :H]
    o_ref[1] = t[:, H:]


def _conv(h2, agg2, cnt2, Wl, bl, Wr, gn, bn, residual):
    return pl.pallas_call(
        functools.partial(_conv_body, residual=residual),
        grid=(N // BN,),
        in_specs=[
            pl.BlockSpec((2, BN, H), lambda i: (0, i, 0)),
            pl.BlockSpec((2, BN, H), lambda i: (0, i, 0)),
            pl.BlockSpec((2, BN, H), lambda i: (0, i, 0)),
            pl.BlockSpec((D, D), lambda i: (0, 0)),
            pl.BlockSpec((1, D), lambda i: (0, 0)),
            pl.BlockSpec((D, D), lambda i: (0, 0)),
            pl.BlockSpec((1, D), lambda i: (0, 0)),
            pl.BlockSpec((1, D), lambda i: (0, 0)),
        ],
        out_specs=pl.BlockSpec((2, BN, H), lambda i: (0, i, 0)),
        out_shape=jax.ShapeDtypeStruct((2, N, H), jnp.float32),
    )(h2, agg2, cnt2, Wl, bl.reshape(1, D), Wr, gn.reshape(1, D),
      bn.reshape(1, D))


def _dec_body(u_ref, v_ref, w0_ref, b0_ref, g0_ref, be0_ref,
              w1_ref, b1_ref, g1_ref, be1_ref, w2_ref, b2_ref, o_ref):
    zu = jnp.concatenate([u_ref[0], u_ref[1]], axis=1)
    zv = jnp.concatenate([v_ref[0], v_ref[1]], axis=1)
    t = _bdot(zu * zv, w0_ref[...])
    t = jnp.maximum(_ln(t + b0_ref[...], g0_ref[...], be0_ref[...]), 0.0)
    t = _bdot(t, w1_ref[...])
    t = jnp.maximum(_ln(t + b1_ref[...], g1_ref[...], be1_ref[...]), 0.0)
    o_ref[...] = _bdot(t, w2_ref[...]) + b2_ref[...]


def _decode(zu2, zv2, Wd0, bd0, gd0, bed0, Wd1, bd1, gd1, bed1, Wd2, bd2):
    return pl.pallas_call(
        _dec_body,
        grid=(PPADH // DBN,),
        in_specs=[
            pl.BlockSpec((2, DBN, H), lambda i: (0, i, 0)),
            pl.BlockSpec((2, DBN, H), lambda i: (0, i, 0)),
            pl.BlockSpec((D, D), lambda i: (0, 0)),
            pl.BlockSpec((1, D), lambda i: (0, 0)),
            pl.BlockSpec((1, D), lambda i: (0, 0)),
            pl.BlockSpec((1, D), lambda i: (0, 0)),
            pl.BlockSpec((D, D), lambda i: (0, 0)),
            pl.BlockSpec((1, D), lambda i: (0, 0)),
            pl.BlockSpec((1, D), lambda i: (0, 0)),
            pl.BlockSpec((1, D), lambda i: (0, 0)),
            pl.BlockSpec((D, 1), lambda i: (0, 0)),
            pl.BlockSpec((1, 1), lambda i: (0, 0)),
        ],
        out_specs=pl.BlockSpec((DBN, 1), lambda i: (i, 0)),
        out_shape=jax.ShapeDtypeStruct((PPADH, 1), jnp.float32),
    )(zu2, zv2, Wd0, bd0.reshape(1, D), gd0.reshape(1, D), bed0.reshape(1, D),
      Wd1, bd1.reshape(1, D), gd1.reshape(1, D), bed1.reshape(1, D),
      Wd2, bd2.reshape(1, 1))



def _fill_rows(buf, nrows, width, value):
    def body(i, carry):
        for j in range(width // 16):
            buf[i, pl.ds(j * 16, 16)] = jnp.full((16,), value, jnp.float32)
        return carry
    lax.fori_loop(0, nrows, body, 0)


def _agg_body(h2_hbm, src2_hbm, dst2_hbm, out_hbm, idx_s, idx_d, rows,
              acc_sh, sem):
    c = lax.axis_index("c")
    s = lax.axis_index("s")
    _fill_rows(rows, CH, H, 0.0)
    for k in range(RT // CH):
        pltpu.sync_copy(rows, acc_sh.at[pl.ds(s * RT + k * CH, CH)])
    plsc.subcore_barrier()

    def step(i, carry):
        ch = i * NS + s
        pltpu.sync_copy(src2_hbm.at[c, pl.ds(ch * CH, CH)], idx_s)
        pltpu.sync_copy(dst2_hbm.at[pl.ds(ch * CH, CH)], idx_d)
        pltpu.async_copy(h2_hbm.at[idx_s], rows, sem).wait()
        pltpu.sync_copy(rows, acc_sh.at[idx_d], add=True)
        return carry

    lax.fori_loop(0, ECH, step, 0)
    plsc.subcore_barrier()
    pltpu.sync_copy(acc_sh.at[pl.ds(s * RT, RT)],
                    out_hbm.at[pl.ds(c * NP + s * RT, RT)])


@functools.lru_cache(maxsize=None)
def _sc_agg():
    return pl.kernel(
        _agg_body,
        out_type=jax.ShapeDtypeStruct((2 * NP, H), jnp.float32),
        mesh=_mesh(),
        scratch_types=[
            pltpu.VMEM((CH,), jnp.int32),
            pltpu.VMEM((CH,), jnp.int32),
            pltpu.VMEM((CH, H), jnp.float32),
            pltpu.VMEM_SHARED((NP, H), jnp.float32),
            pltpu.SemaphoreType.DMA,
        ],
    )


def _cnt_body(dst_hbm, out_hbm, idx_d, ones_v, cnt_sh):
    c = lax.axis_index("c")
    s = lax.axis_index("s")
    wid = s * NC + c
    _fill_rows(ones_v, CH, H, 0.0)
    for k in range(RT // CH):
        pltpu.sync_copy(ones_v, cnt_sh.at[pl.ds(s * RT + k * CH, CH)])
    _fill_rows(ones_v, CH, H, 1.0)
    plsc.subcore_barrier()

    def step(i, carry):
        ch = i * (NC * NS) + wid

        @pl.when(ch < EC)
        def _():
            pltpu.sync_copy(dst_hbm.at[pl.ds(ch * CH, CH)], idx_d)
            pltpu.sync_copy(ones_v, cnt_sh.at[idx_d], add=True)
        return carry

    lax.fori_loop(0, (EC + NC * NS - 1) // (NC * NS), step, 0)
    plsc.subcore_barrier()
    pltpu.sync_copy(cnt_sh.at[pl.ds(s * RT, RT)],
                    out_hbm.at[pl.ds(c * NP + s * RT, RT)])


@functools.lru_cache(maxsize=None)
def _sc_counts():
    return pl.kernel(
        _cnt_body,
        out_type=jax.ShapeDtypeStruct((2 * NP, H), jnp.float32),
        mesh=_mesh(),
        scratch_types=[
            pltpu.VMEM((CH,), jnp.int32),
            pltpu.VMEM((CH, H), jnp.float32),
            pltpu.VMEM_SHARED((NP, H), jnp.float32),
        ],
    )


def _pair_body(z2_hbm, u2_hbm, v2_hbm, zu_hbm, zv_hbm, idx_u, idx_v,
               rows_u, rows_v, sem_u, sem_v, *, part):
    c = lax.axis_index("c")
    s = lax.axis_index("s")

    def step(i, carry):
        chl = i * NS + s
        ch = part * (PCHH * NS) + chl
        pltpu.sync_copy(u2_hbm.at[c, pl.ds(ch * CH, CH)], idx_u)
        pltpu.sync_copy(v2_hbm.at[c, pl.ds(ch * CH, CH)], idx_v)
        cu = pltpu.async_copy(z2_hbm.at[idx_u], rows_u, sem_u)
        cv = pltpu.async_copy(z2_hbm.at[idx_v], rows_v, sem_v)
        cu.wait()
        cv.wait()
        pltpu.sync_copy(rows_u, zu_hbm.at[pl.ds(c * PPADH + chl * CH, CH)])
        pltpu.sync_copy(rows_v, zv_hbm.at[pl.ds(c * PPADH + chl * CH, CH)])
        return carry

    lax.fori_loop(0, PCHH, step, 0)


@functools.lru_cache(maxsize=None)
def _sc_pair(part):
    return pl.kernel(
        functools.partial(_pair_body, part=part),
        out_type=(jax.ShapeDtypeStruct((2 * PPADH, H), jnp.float32),
                  jax.ShapeDtypeStruct((2 * PPADH, H), jnp.float32)),
        mesh=_mesh(),
        scratch_types=[
            pltpu.VMEM((CH,), jnp.int32),
            pltpu.VMEM((CH,), jnp.int32),
            pltpu.VMEM((CH, H), jnp.float32),
            pltpu.VMEM((CH, H), jnp.float32),
            pltpu.SemaphoreType.DMA,
            pltpu.SemaphoreType.DMA,
        ],
    )



def kernel(x, edge_index, edge_pairs, W_in, b_in, g_in, be_in,
           Wl0, bl0, Wr0, gn0, bn0,
           Wl1, bl1, Wr1, gn1, bn1,
           Wl2, bl2, Wr2, gn2, bn2,
           Wd0, bd0, gd0, bed0, Wd1, bd1, gd1, bed1, Wd2, bd2):
    src = edge_index[0]
    dst = edge_index[1]
    epi = jnp.arange(EPAD - E, dtype=jnp.int32)
    srcp = jnp.concatenate([src, epi % N])
    dstp = jnp.concatenate([dst, N + epi % (NP - N)])
    src2 = jnp.stack([srcp, srcp + N])
    dst2 = dstp
    u = edge_pairs[:, 0]
    v = edge_pairs[:, 1]
    ppi = jnp.arange(PPAD - P, dtype=jnp.int32) % N
    upad = jnp.concatenate([u, ppi])
    vpad = jnp.concatenate([v, ppi])
    u2 = jnp.stack([upad, upad + N])
    v2 = jnp.stack([vpad, vpad + N])

    cnt2 = _sc_counts()(dst).reshape(2, NP, H)
    h2 = _encode(x, W_in, b_in, g_in, be_in)

    convs = [(Wl0, bl0, Wr0, gn0, bn0),
             (Wl1, bl1, Wr1, gn1, bn1),
             (Wl2, bl2, Wr2, gn2, bn2)]
    for i, (Wl, bl, Wr, gn, bn) in enumerate(convs):
        agg = _sc_agg()(h2.reshape(2 * N, H), src2, dst2)
        h2 = _conv(h2, agg.reshape(2, NP, H), cnt2, Wl, bl, Wr, gn, bn,
                   residual=(i > 0))

    z2f = h2.reshape(2 * N, H)
    zu0, zv0 = _sc_pair(0)(z2f, u2, v2)
    zu1, zv1 = _sc_pair(1)(z2f, u2, v2)
    dec_w = (Wd0, bd0, gd0, bed0, Wd1, bd1, gd1, bed1, Wd2, bd2)
    out0 = _decode(zu0.reshape(2, PPADH, H), zv0.reshape(2, PPADH, H), *dec_w)
    out1 = _decode(zu1.reshape(2, PPADH, H), zv1.reshape(2, PPADH, H), *dec_w)
    return jnp.concatenate([out0[:, 0], out1[:, 0]])[:P]

# --- scband reference (transcript-rebuilt; emitter-appended) ---
"""Pipeline reference for scband-link-predictor-13993003451016 (READ-ONLY COPY).

The authoritative reference and input builder live on the scoring server;
editing this copy changes nothing except your own understanding.
"""

import jax, jax.numpy as jnp
import numpy as np

N = 10000
E = 320000
P = 100000
IN_DIM = 128
D = 256


def layer_norm(h, g, b):
    mu = jnp.mean(h, axis=-1, keepdims=True)
    var = jnp.var(h, axis=-1, keepdims=True)
    return (h - mu) / jnp.sqrt(var + 1e-5) * g + b


def sage_conv(h, src, dst, Wl, bl, Wr):
    # PyG SAGEConv(aggr='mean'): out = lin_l(mean_{j->i} h_j) + lin_r(h_i)
    msg = h[src]
    agg = jax.ops.segment_sum(msg, dst, num_segments=N)
    cnt = jax.ops.segment_sum(jnp.ones((src.shape[0],), dtype=h.dtype), dst, num_segments=N)
    agg = agg / jnp.maximum(cnt, 1.0)[:, None]
    return agg @ Wl + bl + h @ Wr


def setup_inputs(seed: int = 0) -> dict:
    key = jax.random.key(seed)
    c = [0]
    def nk():
        c[0] += 1
        return jax.random.fold_in(key, c[0])
    def rn(shape, scale=0.05):
        return jax.random.normal(nk(), shape, dtype=jnp.float32) * scale
    inp = {}
    inp["x"] = jax.random.normal(nk(), (N, IN_DIM), dtype=jnp.float32)
    inp["edge_index"] = jax.random.randint(nk(), (2, E), 0, N, dtype=jnp.int32)
    inp["edge_pairs"] = jax.random.randint(nk(), (P, 2), 0, N, dtype=jnp.int32)
    # input projection params
    inp["W_in"] = rn((IN_DIM, D)); inp["b_in"] = jnp.zeros((D,), jnp.float32)
    inp["g_in"] = jnp.ones((D,), jnp.float32); inp["be_in"] = jnp.zeros((D,), jnp.float32)
    # 3 SAGEConv layers + LayerNorms
    for i in range(3):
        inp[f"Wl{i}"] = rn((D, D)); inp[f"bl{i}"] = jnp.zeros((D,), jnp.float32)
        inp[f"Wr{i}"] = rn((D, D))
        inp[f"gn{i}"] = jnp.ones((D,), jnp.float32); inp[f"bn{i}"] = jnp.zeros((D,), jnp.float32)
    # decoder MLP: Linear->LN->ReLU, Linear->LN->ReLU, Linear(1)
    inp["Wd0"] = rn((D, D)); inp["bd0"] = jnp.zeros((D,), jnp.float32)
    inp["gd0"] = jnp.ones((D,), jnp.float32); inp["bed0"] = jnp.zeros((D,), jnp.float32)
    inp["Wd1"] = rn((D, D)); inp["bd1"] = jnp.zeros((D,), jnp.float32)
    inp["gd1"] = jnp.ones((D,), jnp.float32); inp["bed1"] = jnp.zeros((D,), jnp.float32)
    inp["Wd2"] = rn((D, 1)); inp["bd2"] = jnp.zeros((1,), jnp.float32)
    return inp


def _forward(x, edge_index, edge_pairs, W_in, b_in, g_in, be_in,
             Wl0, bl0, Wr0, gn0, bn0,
             Wl1, bl1, Wr1, gn1, bn1,
             Wl2, bl2, Wr2, gn2, bn2,
             Wd0, bd0, gd0, bed0, Wd1, bd1, gd1, bed1, Wd2, bd2):
    src = edge_index[0]
    dst = edge_index[1]
    # encode: input_proj (dropout is identity in eval / p=0)
    h = jax.nn.relu(layer_norm(x @ W_in + b_in, g_in, be_in))
    convs = [(Wl0, bl0, Wr0, gn0, bn0), (Wl1, bl1, Wr1, gn1, bn1), (Wl2, bl2, Wr2, gn2, bn2)]
    for i, (Wl, bl, Wr, gn, bn) in enumerate(convs):
        residual = h
        h = sage_conv(h, src, dst, Wl, bl, Wr)
        h = jax.nn.relu(layer_norm(h, gn, bn))
        if i > 0:
            h = h + residual
    z = h
    # decode: hadamard pairing
    u = edge_pairs[:, 0]
    v = edge_pairs[:, 1]
    pair = z[u] * z[v]
    d = jax.nn.relu(layer_norm(pair @ Wd0 + bd0, gd0, bed0))
    d = jax.nn.relu(layer_norm(d @ Wd1 + bd1, gd1, bed1))
    return (d @ Wd2 + bd2)[:, 0]


def reference(x, edge_index, edge_pairs, W_in, b_in, g_in, be_in,
              Wl0, bl0, Wr0, gn0, bn0,
              Wl1, bl1, Wr1, gn1, bn1,
              Wl2, bl2, Wr2, gn2, bn2,
              Wd0, bd0, gd0, bed0, Wd1, bd1, gd1, bed1, Wd2, bd2):
    return _forward(x, edge_index, edge_pairs, W_in, b_in, g_in, be_in,
                    Wl0, bl0, Wr0, gn0, bn0,
                    Wl1, bl1, Wr1, gn1, bn1,
                    Wl2, bl2, Wr2, gn2, bn2,
                    Wd0, bd0, gd0, bed0, Wd1, bd1, gd1, bed1, Wd2, bd2)

if __name__ == "__main__":
    import jax
    _d = setup_inputs()
    print(jax.jit(kernel)(*tuple(_d.values())))

</pallas_src>

<mosaic_0001>
#map = affine_map<(d0, d1) -> (0, 0)>
#map1 = affine_map<(d0, d1) -> (0)>
module attributes {stable_mosaic.version = 14 : i64} {
  func.func @_agg_body(%arg0: i32, %arg1: i32, %arg2: memref<20000x128xf32, #tpu.memory_space<hbm>>, %arg3: memref<2x327680xi32, #tpu.memory_space<hbm>>, %arg4: memref<327680xi32, #tpu.memory_space<hbm>>, %arg5: memref<20480x128xf32, #tpu.memory_space<hbm>>, %arg6: memref<128xi32, #tpu.memory_space<vmem>>, %arg7: memref<128xi32, #tpu.memory_space<vmem>>, %arg8: memref<128x128xf32, #tpu.memory_space<vmem>>, %arg9: memref<10240x128xf32, #tpu.memory_space<vmem_shared>>, %arg10: memref<!tpu.dma_semaphore, #tpu.memory_space<semaphore_mem>>) attributes {dimension_semantics = [#tpu.dimension_semantics<core_parallel>, #tpu.dimension_semantics<subcore_parallel>], iteration_bounds = array<i64: 2, 16>, scalar_prefetch = 0 : i64, scratch_operands = 5 : i64, tpu.core_type = #tpu.core_type<sc_vector_subcore>, window_params = [{transform_indices = #map}, {transform_indices = #map}, {transform_indices = #map1}, {transform_indices = #map}]} {
    %scan3A = arith.constant 0 : i32
    %scan3A_0 = arith.constant 0 : i32
    %scan3A_1 = arith.constant 128 : i32
    %scan3A_2 = arith.addi %scan3A_0, %scan3A_1 : i32
    %scan3A_3 = arith.constant 1 : i32
    scf.for %scan3A_37 = %scan3A_0 to %scan3A_2 step %scan3A_3  : i32 {
      %broadcast_in_dim3A = arith.constant 0.000000e+00 : f32
      %broadcast_in_dim3A_38 = vector.broadcast %broadcast_in_dim3A : f32 to vector<16xf32>
      %swap3A = arith.index_cast %scan3A_37 : i32 to index
      %swap3A_39 = arith.constant 0 : index
      %swap3A_40 = tpu.vector_load %arg8[%swap3A, %swap3A_39] {strides = array<i32>} : memref<128x128xf32, #tpu.memory_space<vmem>>, vector<1x16xf32>,
      %swap3A_41 = vector.shape_cast %swap3A_40 : vector<1x16xf32> to vector<16xf32>
      %swap3A_42 = vector.shape_cast %broadcast_in_dim3A_38 : vector<16xf32> to vector<1x16xf32>
      tpu.vector_store %arg8[%swap3A, %swap3A_39], %swap3A_42 {strides = array<i32>} : memref<128x128xf32, #tpu.memory_space<vmem>>, vector<1x16xf32>,
      %broadcast_in_dim3A_43 = arith.constant 0.000000e+00 : f32
      %broadcast_in_dim3A_44 = vector.broadcast %broadcast_in_dim3A_43 : f32 to vector<16xf32>
      %swap3A_45 = arith.index_cast %scan3A_37 : i32 to index
      %swap3A_46 = arith.constant 16 : index
      %swap3A_47 = tpu.vector_load %arg8[%swap3A_45, %swap3A_46] {strides = array<i32>} : memref<128x128xf32, #tpu.memory_space<vmem>>, vector<1x16xf32>,
      %swap3A_48 = vector.shape_cast %swap3A_47 : vector<1x16xf32> to vector<16xf32>
      %swap3A_49 = vector.shape_cast %broadcast_in_dim3A_44 : vector<16xf32> to vector<1x16xf32>
      tpu.vector_store %arg8[%swap3A_45, %swap3A_46], %swap3A_49 {strides = array<i32>} : memref<128x128xf32, #tpu.memory_space<vmem>>, vector<1x16xf32>,
      %broadcast_in_dim3A_50 = arith.constant 0.000000e+00 : f32
      %broadcast_in_dim3A_51 = vector.broadcast %broadcast_in_dim3A_50 : f32 to vector<16xf32>
      %swap3A_52 = arith.index_cast %scan3A_37 : i32 to index
      %swap3A_53 = arith.constant 32 : index
      %swap3A_54 = tpu.vector_load %arg8[%swap3A_52, %swap3A_53] {strides = array<i32>} : memref<128x128xf32, #tpu.memory_space<vmem>>, vector<1x16xf32>,
      %swap3A_55 = vector.shape_cast %swap3A_54 : vector<1x16xf32> to vector<16xf32>
      %swap3A_56 = vector.shape_cast %broadcast_in_dim3A_51 : vector<16xf32> to vector<1x16xf32>
      tpu.vector_store %arg8[%swap3A_52, %swap3A_53], %swap3A_56 {strides = array<i32>} : memref<128x128xf32, #tpu.memory_space<vmem>>, vector<1x16xf32>,
      %broadcast_in_dim3A_57 = arith.constant 0.000000e+00 : f32
      %broadcast_in_dim3A_58 = vector.broadcast %broadcast_in_dim3A_57 : f32 to vector<16xf32>
      %swap3A_59 = arith.index_cast %scan3A_37 : i32 to index
      %swap3A_60 = arith.constant 48 : index
      %swap3A_61 = tpu.vector_load %arg8[%swap3A_59, %swap3A_60] {strides = array<i32>} : memref<128x128xf32, #tpu.memory_space<vmem>>, vector<1x16xf32>,
      %swap3A_62 = vector.shape_cast %swap3A_61 : vector<1x16xf32> to vector<16xf32>
      %swap3A_63 = vector.shape_cast %broadcast_in_dim3A_58 : vector<16xf32> to vector<1x16xf32>
      tpu.vector_store %arg8[%swap3A_59, %swap3A_60], %swap3A_63 {strides = array<i32>} : memref<128x128xf32, #tpu.memory_space<vmem>>, vector<1x16xf32>,
      %broadcast_in_dim3A_64 = arith.constant 0.000000e+00 : f32
      %broadcast_in_dim3A_65 = vector.broadcast %broadcast_in_dim3A_64 : f32 to vector<16xf32>
      %swap3A_66 = arith.index_cast %scan3A_37 : i32 to index
      %swap3A_67 = arith.constant 64 : index
      %swap3A_68 = tpu.vector_load %arg8[%swap3A_66, %swap3A_67] {strides = array<i32>} : memref<128x128xf32, #tpu.memory_space<vmem>>, vector<1x16xf32>,
      %swap3A_69 = vector.shape_cast %swap3A_68 : vector<1x16xf32> to vector<16xf32>
      %swap3A_70 = vector.shape_cast %broadcast_in_dim3A_65 : vector<16xf32> to vector<1x16xf32>
      tpu.vector_store %arg8[%swap3A_66, %swap3A_67], %swap3A_70 {strides = array<i32>} : memref<128x128xf32, #tpu.memory_space<vmem>>, vector<1x16xf32>,
      %broadcast_in_dim3A_71 = arith.constant 0.000000e+00 : f32
      %broadcast_in_dim3A_72 = vector.broadcast %broadcast_in_dim3A_71 : f32 to vector<16xf32>
      %swap3A_73 = arith.index_cast %scan3A_37 : i32 to index
      %swap3A_74 = arith.constant 80 : index
      %swap3A_75 = tpu.vector_load %arg8[%swap3A_73, %swap3A_74] {strides = array<i32>} : memref<128x128xf32, #tpu.memory_space<vmem>>, vector<1x16xf32>,
      %swap3A_76 = vector.shape_cast %swap3A_75 : vector<1x16xf32> to vector<16xf32>
      %swap3A_77 = vector.shape_cast %broadcast_in_dim3A_72 : vector<16xf32> to vector<1x16xf32>
      tpu.vector_store %arg8[%swap3A_73, %swap3A_74], %swap3A_77 {strides = array<i32>} : memref<128x128xf32, #tpu.memory_space<vmem>>, vector<1x16xf32>,
      %broadcast_in_dim3A_78 = arith.constant 0.000000e+00 : f32
      %broadcast_in_dim3A_79 = vector.broadcast %broadcast_in_dim3A_78 : f32 to vector<16xf32>
      %swap3A_80 = arith.index_cast %scan3A_37 : i32 to index
      %swap3A_81 = arith.constant 96 : index
      %swap3A_82 = tpu.vector_load %arg8[%swap3A_80, %swap3A_81] {strides = array<i32>} : memref<128x128xf32, #tpu.memory_space<vmem>>, vector<1x16xf32>,
      %swap3A_83 = vector.shape_cast %swap3A_82 : vector<1x16xf32> to vector<16xf32>
      %swap3A_84 = vector.shape_cast %broadcast_in_dim3A_79 : vector<16xf32> to vector<1x16xf32>
      tpu.vector_store %arg8[%swap3A_80, %swap3A_81], %swap3A_84 {strides = array<i32>} : memref<128x128xf32, #tpu.memory_space<vmem>>, vector<1x16xf32>,
      %broadcast_in_dim3A_85 = arith.constant 0.000000e+00 : f32
      %broadcast_in_dim3A_86 = vector.broadcast %broadcast_in_dim3A_85 : f32 to vector<16xf32>
      %swap3A_87 = arith.index_cast %scan3A_37 : i32 to index
      %swap3A_88 = arith.constant 112 : index
      %swap3A_89 = tpu.vector_load %arg8[%swap3A_87, %swap3A_88] {strides = array<i32>} : memref<128x128xf32, #tpu.memory_space<vmem>>, vector<1x16xf32>,
      %swap3A_90 = vector.shape_cast %swap3A_89 : vector<1x16xf32> to vector<16xf32>
      %swap3A_91 = vector.shape_cast %broadcast_in_dim3A_86 : vector<16xf32> to vector<1x16xf32>
      tpu.vector_store %arg8[%swap3A_87, %swap3A_88], %swap3A_91 {strides = array<i32>} : memref<128x128xf32, #tpu.memory_space<vmem>>, vector<1x16xf32>,
    }
    %scan3A_4 = arith.constant 128 : i32
    %mul3A = arith.constant 640 : i32
    %mul3A_5 = arith.muli %arg1, %mul3A : i32
    %add3A = arith.constant 0 : i32
    %add3A_6 = arith.addi %mul3A_5, %add3A : i32
    "tpu.region"() ({
      %run_scoped3A = tpu.sem_alloc : memref<!tpu.dma_semaphore, #tpu.memory_space<semaphore_mem>>
      %dma_start3A = arith.constant 0 : i32
      %dma_start3A_37 = tpu.memref_slice %arg9[%add3A_6, %dma_start3A] : memref<10240x128xf32, #tpu.memory_space<vmem_shared>> -> memref<128x128xf32, #tpu.memory_space<vmem_shared>>
      %dma_start3A_38 = arith.constant 0 : i32
      %dma_start3A_39 = tpu.memref_slice %arg9[%add3A_6, %dma_start3A_38] : memref<10240x128xf32, #tpu.memory_space<vmem_shared>> -> memref<128x128xf32, #tpu.memory_space<vmem_shared>>
      tpu.enqueue_dma source(%arg8 : memref<128x128xf32, #tpu.memory_space<vmem>>) target(%dma_start3A_39 : memref<128x128xf32, #tpu.memory_space<vmem_shared>>) target_semaphore(%run_scoped3A : memref<!tpu.dma_semaphore, #tpu.memory_space<semaphore_mem>>)
      %dma_wait3A = arith.constant 0 : i32
      %dma_wait3A_40 = tpu.memref_slice %arg9[%add3A_6, %dma_wait3A] : memref<10240x128xf32, #tpu.memory_space<vmem_shared>> -> memref<128x128xf32, #tpu.memory_space<vmem_shared>>
      %dma_wait3A_41 = arith.constant 0 : i32
      %dma_wait3A_42 = tpu.memref_slice %arg9[%add3A_6, %dma_wait3A_41] : memref<10240x128xf32, #tpu.memory_space<vmem_shared>> -> memref<128x128xf32, #tpu.memory_space<vmem_shared>>
      tpu.wait_dma2 semaphore(%run_scoped3A : memref<!tpu.dma_semaphore, #tpu.memory_space<semaphore_mem>>) src(%arg8 : memref<128x128xf32, #tpu.memory_space<vmem>>) dst(%dma_wait3A_42 : memref<128x128xf32, #tpu.memory_space<vmem_shared>>)
      tpu.yield
    }) : () -> ()
    %mul3A_7 = arith.constant 640 : i32
    %mul3A_8 = arith.muli %arg1, %mul3A_7 : i32
    %add3A_9 = arith.constant 128 : i32
    %add3A_10 = arith.addi %mul3A_8, %add3A_9 : i32
    "tpu.region"() ({
      %run_scoped3A = tpu.sem_alloc : memref<!tpu.dma_semaphore, #tpu.memory_space<semaphore_mem>>
      %dma_start3A = arith.constant 0 : i32
      %dma_start3A_37 = tpu.memref_slice %arg9[%add3A_10, %dma_start3A] : memref<10240x128xf32, #tpu.memory_space<vmem_shared>> -> memref<128x128xf32, #tpu.memory_space<vmem_shared>>
      %dma_start3A_38 = arith.constant 0 : i32
      %dma_start3A_39 = tpu.memref_slice %arg9[%add3A_10, %dma_start3A_38] : memref<10240x128xf32, #tpu.memory_space<vmem_shared>> -> memref<128x128xf32, #tpu.memory_space<vmem_shared>>
      tpu.enqueue_dma source(%arg8 : memref<128x128xf32, #tpu.memory_space<vmem>>) target(%dma_start3A_39 : memref<128x128xf32, #tpu.memory_space<vmem_shared>>) target_semaphore(%run_scoped3A : memref<!tpu.dma_semaphore, #tpu.memory_space<semaphore_mem>>)
      %dma_wait3A = arith.constant 0 : i32
      %dma_wait3A_40 = tpu.memref_slice %arg9[%add3A_10, %dma_wait3A] : memref<10240x128xf32, #tpu.memory_space<vmem_shared>> -> memref<128x128xf32, #tpu.memory_space<vmem_shared>>
      %dma_wait3A_41 = arith.constant 0 : i32
      %dma_wait3A_42 = tpu.memref_slice %arg9[%add3A_10, %dma_wait3A_41] : memref<10240x128xf32, #tpu.memory_space<vmem_shared>> -> memref<128x128xf32, #tpu.memory_space<vmem_shared>>
      tpu.wait_dma2 semaphore(%run_scoped3A : memref<!tpu.dma_semaphore, #tpu.memory_space<semaphore_mem>>) src(%arg8 : memref<128x128xf32, #tpu.memory_space<vmem>>) dst(%dma_wait3A_42 : memref<128x128xf32, #tpu.memory_space<vmem_shared>>)
      tpu.yield
    }) : () -> ()
    %mul3A_11 = arith.constant 640 : i32
    %mul3A_12 = arith.muli %arg1, %mul3A_11 : i32
    %add3A_13 = arith.constant 256 : i32
    %add3A_14 = arith.addi %mul3A_12, %add3A_13 : i32
    "tpu.region"() ({
      %run_scoped3A = tpu.sem_alloc : memref<!tpu.dma_semaphore, #tpu.memory_space<semaphore_mem>>
      %dma_start3A = arith.constant 0 : i32
      %dma_start3A_37 = tpu.memref_slice %arg9[%add3A_14, %dma_start3A] : memref<10240x128xf32, #tpu.memory_space<vmem_shared>> -> memref<128x128xf32, #tpu.memory_space<vmem_shared>>
      %dma_start3A_38 = arith.constant 0 : i32
      %dma_start3A_39 = tpu.memref_slice %arg9[%add3A_14, %dma_start3A_38] : memref<10240x128xf32, #tpu.memory_space<vmem_shared>> -> memref<128x128xf32, #tpu.memory_space<vmem_shared>>
      tpu.enqueue_dma source(%arg8 : memref<128x128xf32, #tpu.memory_space<vmem>>) target(%dma_start3A_39 : memref<128x128xf32, #tpu.memory_space<vmem_shared>>) target_semaphore(%run_scoped3A : memref<!tpu.dma_semaphore, #tpu.memory_space<semaphore_mem>>)
      %dma_wait3A = arith.constant 0 : i32
      %dma_wait3A_40 = tpu.memref_slice %arg9[%add3A_14, %dma_wait3A] : memref<10240x128xf32, #tpu.memory_space<vmem_shared>> -> memref<128x128xf32, #tpu.memory_space<vmem_shared>>
      %dma_wait3A_41 = arith.constant 0 : i32
      %dma_wait3A_42 = tpu.memref_slice %arg9[%add3A_14, %dma_wait3A_41] : memref<10240x128xf32, #tpu.memory_space<vmem_shared>> -> memref<128x128xf32, #tpu.memory_space<vmem_shared>>
      tpu.wait_dma2 semaphore(%run_scoped3A : memref<!tpu.dma_semaphore, #tpu.memory_space<semaphore_mem>>) src(%arg8 : memref<128x128xf32, #tpu.memory_space<vmem>>) dst(%dma_wait3A_42 : memref<128x128xf32, #tpu.memory_space<vmem_shared>>)
      tpu.yield
    }) : () -> ()
    %mul3A_15 = arith.constant 640 : i32
    %mul3A_16 = arith.muli %arg1, %mul3A_15 : i32
    %add3A_17 = arith.constant 384 : i32
    %add3A_18 = arith.addi %mul3A_16, %add3A_17 : i32
    "tpu.region"() ({
      %run_scoped3A = tpu.sem_alloc : memref<!tpu.dma_semaphore, #tpu.memory_space<semaphore_mem>>
      %dma_start3A = arith.constant 0 : i32
      %dma_start3A_37 = tpu.memref_slice %arg9[%add3A_18, %dma_start3A] : memref<10240x128xf32, #tpu.memory_space<vmem_shared>> -> memref<128x128xf32, #tpu.memory_space<vmem_shared>>
      %dma_start3A_38 = arith.constant 0 : i32
      %dma_start3A_39 = tpu.memref_slice %arg9[%add3A_18, %dma_start3A_38] : memref<10240x128xf32, #tpu.memory_space<vmem_shared>> -> memref<128x128xf32, #tpu.memory_space<vmem_shared>>
      tpu.enqueue_dma source(%arg8 : memref<128x128xf32, #tpu.memory_space<vmem>>) target(%dma_start3A_39 : memref<128x128xf32, #tpu.memory_space<vmem_shared>>) target_semaphore(%run_scoped3A : memref<!tpu.dma_semaphore, #tpu.memory_space<semaphore_mem>>)
      %dma_wait3A = arith.constant 0 : i32
      %dma_wait3A_40 = tpu.memref_slice %arg9[%add3A_18, %dma_wait3A] : memref<10240x128xf32, #tpu.memory_space<vmem_shared>> -> memref<128x128xf32, #tpu.memory_space<vmem_shared>>
      %dma_wait3A_41 = arith.constant 0 : i32
      %dma_wait3A_42 = tpu.memref_slice %arg9[%add3A_18, %dma_wait3A_41] : memref<10240x128xf32, #tpu.memory_space<vmem_shared>> -> memref<128x128xf32, #tpu.memory_space<vmem_shared>>
      tpu.wait_dma2 semaphore(%run_scoped3A : memref<!tpu.dma_semaphore, #tpu.memory_space<semaphore_mem>>) src(%arg8 : memref<128x128xf32, #tpu.memory_space<vmem>>) dst(%dma_wait3A_42 : memref<128x128xf32, #tpu.memory_space<vmem_shared>>)
      tpu.yield
    }) : () -> ()
    %mul3A_19 = arith.constant 640 : i32
    %mul3A_20 = arith.muli %arg1, %mul3A_19 : i32
    %add3A_21 = arith.constant 512 : i32
    %add3A_22 = arith.addi %mul3A_20, %add3A_21 : i32
    "tpu.region"() ({
      %run_scoped3A = tpu.sem_alloc : memref<!tpu.dma_semaphore, #tpu.memory_space<semaphore_mem>>
      %dma_start3A = arith.constant 0 : i32
      %dma_start3A_37 = tpu.memref_slice %arg9[%add3A_22, %dma_start3A] : memref<10240x128xf32, #tpu.memory_space<vmem_shared>> -> memref<128x128xf32, #tpu.memory_space<vmem_shared>>
      %dma_start3A_38 = arith.constant 0 : i32
      %dma_start3A_39 = tpu.memref_slice %arg9[%add3A_22, %dma_start3A_38] : memref<10240x128xf32, #tpu.memory_space<vmem_shared>> -> memref<128x128xf32, #tpu.memory_space<vmem_shared>>
      tpu.enqueue_dma source(%arg8 : memref<128x128xf32, #tpu.memory_space<vmem>>) target(%dma_start3A_39 : memref<128x128xf32, #tpu.memory_space<vmem_shared>>) target_semaphore(%run_scoped3A : memref<!tpu.dma_semaphore, #tpu.memory_space<semaphore_mem>>)
      %dma_wait3A = arith.constant 0 : i32
      %dma_wait3A_40 = tpu.memref_slice %arg9[%add3A_22, %dma_wait3A] : memref<10240x128xf32, #tpu.memory_space<vmem_shared>> -> memref<128x128xf32, #tpu.memory_space<vmem_shared>>
      %dma_wait3A_41 = arith.constant 0 : i32
      %dma_wait3A_42 = tpu.memref_slice %arg9[%add3A_22, %dma_wait3A_41] : memref<10240x128xf32, #tpu.memory_space<vmem_shared>> -> memref<128x128xf32, #tpu.memory_space<vmem_shared>>
      tpu.wait_dma2 semaphore(%run_scoped3A : memref<!tpu.dma_semaphore, #tpu.memory_space<semaphore_mem>>) src(%arg8 : memref<128x128xf32, #tpu.memory_space<vmem>>) dst(%dma_wait3A_42 : memref<128x128xf32, #tpu.memory_space<vmem_shared>>)
      tpu.yield
    }) : () -> ()
    %barrier3A = arith.constant 0 : index
    tpu.barrier barrier_id(%barrier3A)
    %scan3A_23 = arith.constant 0 : i32
    %scan3A_24 = arith.constant 0 : i32
    %scan3A_25 = arith.constant 160 : i32
    %scan3A_26 = arith.addi %scan3A_24, %scan3A_25 : i32
    %scan3A_27 = arith.constant 1 : i32
    scf.for %scan3A_37 = %scan3A_24 to %scan3A_26 step %scan3A_27  : i32 {
      %mul3A_38 = arith.constant 16 : i32
      %mul3A_39 = arith.muli %scan3A_37, %mul3A_38 : i32
      %add3A_40 = arith.addi %mul3A_39, %arg1 : i32
      %mul3A_41 = arith.constant 128 : i32
      %mul3A_42 = arith.muli %add3A_40, %mul3A_41 : i32
      "tpu.region"() ({
        %run_scoped3A = tpu.sem_alloc : memref<!tpu.dma_semaphore, #tpu.memory_space<semaphore_mem>>
        %dma_start3A_49 = tpu.memref_slice %arg3[%arg0, %mul3A_42] : memref<2x327680xi32, #tpu.memory_space<hbm>> -> memref<1x128xi32, #tpu.memory_space<hbm>>
        %dma_start3A_50 = tpu.memref_squeeze %dma_start3A_49 : memref<1x128xi32, #tpu.memory_space<hbm>> -> memref<128xi32, #tpu.memory_space<hbm>>
        %dma_start3A_51 = tpu.memref_slice %arg3[%arg0, %mul3A_42] : memref<2x327680xi32, #tpu.memory_space<hbm>> -> memref<1x128xi32, #tpu.memory_space<hbm>>
        %dma_start3A_52 = tpu.memref_squeeze %dma_start3A_51 : memref<1x128xi32, #tpu.memory_space<hbm>> -> memref<128xi32, #tpu.memory_space<hbm>>
        tpu.enqueue_dma source(%dma_start3A_52 : memref<128xi32, #tpu.memory_space<hbm>>) target(%arg6 : memref<128xi32, #tpu.memory_space<vmem>>) target_semaphore(%run_scoped3A : memref<!tpu.dma_semaphore, #tpu.memory_space<semaphore_mem>>)
        %dma_wait3A_53 = tpu.memref_slice %arg3[%arg0, %mul3A_42] : memref<2x327680xi32, #tpu.memory_space<hbm>> -> memref<1x128xi32, #tpu.memory_space<hbm>>
        %dma_wait3A_54 = tpu.memref_squeeze %dma_wait3A_53 : memref<1x128xi32, #tpu.memory_space<hbm>> -> memref<128xi32, #tpu.memory_space<hbm>>
        %dma_wait3A_55 = tpu.memref_slice %arg3[%arg0, %mul3A_42] : memref<2x327680xi32, #tpu.memory_space<hbm>> -> memref<1x128xi32, #tpu.memory_space<hbm>>
        %dma_wait3A_56 = tpu.memref_squeeze %dma_wait3A_55 : memref<1x128xi32, #tpu.memory_space<hbm>> -> memref<128xi32, #tpu.memory_space<hbm>>
        tpu.wait_dma2 semaphore(%run_scoped3A : memref<!tpu.dma_semaphore, #tpu.memory_space<semaphore_mem>>) src(%dma_wait3A_56 : memref<128xi32, #tpu.memory_space<hbm>>) dst(%arg6 : memref<128xi32, #tpu.memory_space<vmem>>)
        tpu.yield
      }) : () -> ()
      %mul3A_43 = arith.constant 128 : i32
      %mul3A_44 = arith.muli %add3A_40, %mul3A_43 : i32
      "tpu.region"() ({
        %run_scoped3A = tpu.sem_alloc : memref<!tpu.dma_semaphore, #tpu.memory_space<semaphore_mem>>
        %dma_start3A_49 = tpu.memref_slice %arg4[%mul3A_44] : memref<327680xi32, #tpu.memory_space<hbm>> -> memref<128xi32, #tpu.memory_space<hbm>>
        %dma_start3A_50 = tpu.memref_slice %arg4[%mul3A_44] : memref<327680xi32, #tpu.memory_space<hbm>> -> memref<128xi32, #tpu.memory_space<hbm>>
        tpu.enqueue_dma source(%dma_start3A_50 : memref<128xi32, #tpu.memory_space<hbm>>) target(%arg7 : memref<128xi32, #tpu.memory_space<vmem>>) target_semaphore(%run_scoped3A : memref<!tpu.dma_semaphore, #tpu.memory_space<semaphore_mem>>)
        %dma_wait3A_51 = tpu.memref_slice %arg4[%mul3A_44] : memref<327680xi32, #tpu.memory_space<hbm>> -> memref<128xi32, #tpu.memory_space<hbm>>
        %dma_wait3A_52 = tpu.memref_slice %arg4[%mul3A_44] : memref<327680xi32, #tpu.memory_space<hbm>> -> memref<128xi32, #tpu.memory_space<hbm>>
        tpu.wait_dma2 semaphore(%run_scoped3A : memref<!tpu.dma_semaphore, #tpu.memory_space<semaphore_mem>>) src(%dma_wait3A_52 : memref<128xi32, #tpu.memory_space<hbm>>) dst(%arg7 : memref<128xi32, #tpu.memory_space<vmem>>)
        tpu.yield
      }) : () -> ()
      %dma_start3A = arith.constant 0 : i32
      %dma_start3A_45 = arith.constant 0 : i32
      %dma_start3A_46 = tpu.memref_slice %arg2[%dma_start3A, %dma_start3A_45] : memref<20000x128xf32, #tpu.memory_space<hbm>> -> memref<20000x128xf32, #tpu.memory_space<hbm>>
      tpu.enqueue_indirect_dma source(%dma_start3A_46 : memref<20000x128xf32, #tpu.memory_space<hbm>>) target(%arg8 : memref<128x128xf32, #tpu.memory_space<vmem>>) offsets(%arg6 : memref<128xi32, #tpu.memory_space<vmem>>) semaphore(%arg10 : memref<!tpu.dma_semaphore, #tpu.memory_space<semaphore_mem>>)
      %dma_wait3A = arith.constant 0 : i32
      %dma_wait3A_47 = arith.constant 0 : i32
      %dma_wait3A_48 = tpu.memref_slice %arg2[%dma_wait3A, %dma_wait3A_47] : memref<20000x128xf32, #tpu.memory_space<hbm>> -> memref<20000x128xf32, #tpu.memory_space<hbm>>
      tpu.wait_indirect_dma semaphore(%arg10 : memref<!tpu.dma_semaphore, #tpu.memory_space<semaphore_mem>>) src(%dma_wait3A_48 : memref<20000x128xf32, #tpu.memory_space<hbm>>) dst(%arg8 : memref<128x128xf32, #tpu.memory_space<vmem>>)
      "tpu.region"() ({
        %run_scoped3A = tpu.sem_alloc : memref<!tpu.dma_semaphore, #tpu.memory_space<semaphore_mem>>
        %dma_start3A_49 = arith.constant 0 : i32
        %dma_start3A_50 = arith.constant 0 : i32
        %dma_start3A_51 = tpu.memref_slice %arg9[%dma_start3A_49, %dma_start3A_50] : memref<10240x128xf32, #tpu.memory_space<vmem_shared>> -> memref<10240x128xf32, #tpu.memory_space<vmem_shared>>
        tpu.enqueue_indirect_dma source(%arg8 : memref<128x128xf32, #tpu.memory_space<vmem>>) target(%dma_start3A_51 : memref<10240x128xf32, #tpu.memory_space<vmem_shared>>) offsets(%arg7 : memref<128xi32, #tpu.memory_space<vmem>>) semaphore(%run_scoped3A : memref<!tpu.dma_semaphore, #tpu.memory_space<semaphore_mem>>) {add = true}
        %dma_wait3A_52 = arith.constant 0 : i32
        %dma_wait3A_53 = arith.constant 0 : i32
        %dma_wait3A_54 = tpu.memref_slice %arg9[%dma_wait3A_52, %dma_wait3A_53] : memref<10240x128xf32, #tpu.memory_space<vmem_shared>> -> memref<10240x128xf32, #tpu.memory_space<vmem_shared>>
        tpu.wait_indirect_dma semaphore(%run_scoped3A : memref<!tpu.dma_semaphore, #tpu.memory_space<semaphore_mem>>) src(%arg8 : memref<128x128xf32, #tpu.memory_space<vmem>>) dst(%dma_wait3A_54 : memref<10240x128xf32, #tpu.memory_space<vmem_shared>>)
        tpu.yield
      }) : () -> ()
    }
    %scan3A_28 = arith.constant 160 : i32
    %barrier3A_29 = arith.constant 0 : index
    tpu.barrier barrier_id(%barrier3A_29)
    %mul3A_30 = arith.constant 640 : i32
    %mul3A_31 = arith.muli %arg1, %mul3A_30 : i32
    %mul3A_32 = arith.constant 10240 : i32
    %mul3A_33 = arith.muli %arg0, %mul3A_32 : i32
    %mul3A_34 = arith.constant 640 : i32
    %mul3A_35 = arith.muli %arg1, %mul3A_34 : i32
    %add3A_36 = arith.addi %mul3A_33, %mul3A_35 : i32
    "tpu.region"() ({
      %run_scoped3A = tpu.sem_alloc : memref<!tpu.dma_semaphore, #tpu.memory_space<semaphore_mem>>
      %dma_start3A = arith.constant 0 : i32
      %dma_start3A_37 = tpu.memref_slice %arg5[%add3A_36, %dma_start3A] : memref<20480x128xf32, #tpu.memory_space<hbm>> -> memref<640x128xf32, #tpu.memory_space<hbm>>
      %dma_start3A_38 = arith.constant 0 : i32
      %dma_start3A_39 = tpu.memref_slice %arg9[%mul3A_31, %dma_start3A_38] : memref<10240x128xf32, #tpu.memory_space<vmem_shared>> -> memref<640x128xf32, #tpu.memory_space<vmem_shared>>
      tpu.enqueue_dma source(%dma_start3A_39 : memref<640x128xf32, #tpu.memory_space<vmem_shared>>) target(%dma_start3A_37 : memref<640x128xf32, #tpu.memory_space<hbm>>) target_semaphore(%run_scoped3A : memref<!tpu.dma_semaphore, #tpu.memory_space<semaphore_mem>>)
      %dma_wait3A = arith.constant 0 : i32
      %dma_wait3A_40 = tpu.memref_slice %arg5[%add3A_36, %dma_wait3A] : memref<20480x128xf32, #tpu.memory_space<hbm>> -> memref<640x128xf32, #tpu.memory_space<hbm>>
      %dma_wait3A_41 = arith.constant 0 : i32
      %dma_wait3A_42 = tpu.memref_slice %arg9[%mul3A_31, %dma_wait3A_41] : memref<10240x128xf32, #tpu.memory_space<vmem_shared>> -> memref<640x128xf32, #tpu.memory_space<vmem_shared>>
      tpu.wait_dma2 semaphore(%run_scoped3A : memref<!tpu.dma_semaphore, #tpu.memory_space<semaphore_mem>>) src(%dma_wait3A_42 : memref<640x128xf32, #tpu.memory_space<vmem_shared>>) dst(%dma_wait3A_40 : memref<640x128xf32, #tpu.memory_space<hbm>>)
      tpu.yield
    }) : () -> ()
    return
  }
}

#map = affine_map<(d0, d1) -> (0, 0)>
#map1 = affine_map<(d0, d1) -> (0)>
module attributes {stable_mosaic.version = 14 : i64} {
  func.func @_agg_body(%arg0: i32, %arg1: i32, %arg2: memref<20000x128xf32, #tpu.memory_space<hbm>>, %arg3: memref<2x327680xi32, #tpu.memory_space<hbm>>, %arg4: memref<327680xi32, #tpu.memory_space<hbm>>, %arg5: memref<20480x128xf32, #tpu.memory_space<hbm>>, %arg6: memref<128xi32, #tpu.memory_space<vmem>>, %arg7: memref<128xi32, #tpu.memory_space<vmem>>, %arg8: memref<128x128xf32, #tpu.memory_space<vmem>>, %arg9: memref<10240x128xf32, #tpu.memory_space<vmem_shared>>, %arg10: memref<!tpu.dma_semaphore, #tpu.memory_space<semaphore_mem>>) attributes {dimension_semantics = [#tpu.dimension_semantics<core_parallel>, #tpu.dimension_semantics<subcore_parallel>], iteration_bounds = array<i64: 2, 16>, scalar_prefetch = 0 : i64, scratch_operands = 5 : i64, tpu.core_type = #tpu.core_type<sc_vector_subcore>, window_params = [{transform_indices = #map}, {transform_indices = #map}, {transform_indices = #map1}, {transform_indices = #map}]} {
    %scan3A = arith.constant 0 : i32
    %scan3A_0 = arith.constant 0 : i32
    %scan3A_1 = arith.constant 128 : i32
    %scan3A_2 = arith.addi %scan3A_0, %scan3A_1 : i32
    %scan3A_3 = arith.constant 1 : i32
    scf.for %scan3A_37 = %scan3A_0 to %scan3A_2 step %scan3A_3  : i32 {
      %broadcast_in_dim3A = arith.constant 0.000000e+00 : f32
      %broadcast_in_dim3A_38 = vector.broadcast %broadcast_in_dim3A : f32 to vector<16xf32>
      %swap3A = arith.index_cast %scan3A_37 : i32 to index
      %swap3A_39 = arith.constant 0 : index
      %swap3A_40 = tpu.vector_load %arg8[%swap3A, %swap3A_39] {strides = array<i32>} : memref<128x128xf32, #tpu.memory_space<vmem>>, vector<1x16xf32>,
      %swap3A_41 = vector.shape_cast %swap3A_40 : vector<1x16xf32> to vector<16xf32>
      %swap3A_42 = vector.shape_cast %broadcast_in_dim3A_38 : vector<16xf32> to vector<1x16xf32>
      tpu.vector_store %arg8[%swap3A, %swap3A_39], %swap3A_42 {strides = array<i32>} : memref<128x128xf32, #tpu.memory_space<vmem>>, vector<1x16xf32>,
      %broadcast_in_dim3A_43 = arith.constant 0.000000e+00 : f32
      %broadcast_in_dim3A_44 = vector.broadcast %broadcast_in_dim3A_43 : f32 to vector<16xf32>
      %swap3A_45 = arith.index_cast %scan3A_37 : i32 to index
      %swap3A_46 = arith.constant 16 : index
      %swap3A_47 = tpu.vector_load %arg8[%swap3A_45, %swap3A_46] {strides = array<i32>} : memref<128x128xf32, #tpu.memory_space<vmem>>, vector<1x16xf32>,
      %swap3A_48 = vector.shape_cast %swap3A_47 : vector<1x16xf32> to vector<16xf32>
      %swap3A_49 = vector.shape_cast %broadcast_in_dim3A_44 : vector<16xf32> to vector<1x16xf32>
      tpu.vector_store %arg8[%swap3A_45, %swap3A_46], %swap3A_49 {strides = array<i32>} : memref<128x128xf32, #tpu.memory_space<vmem>>, vector<1x16xf32>,
      %broadcast_in_dim3A_50 = arith.constant 0.000000e+00 : f32
      %broadcast_in_dim3A_51 = vector.broadcast %broadcast_in_dim3A_50 : f32 to vector<16xf32>
      %swap3A_52 = arith.index_cast %scan3A_37 : i32 to index
      %swap3A_53 = arith.constant 32 : index
      %swap3A_54 = tpu.vector_load %arg8[%swap3A_52, %swap3A_53] {strides = array<i32>} : memref<128x128xf32, #tpu.memory_space<vmem>>, vector<1x16xf32>,
      %swap3A_55 = vector.shape_cast %swap3A_54 : vector<1x16xf32> to vector<16xf32>
      %swap3A_56 = vector.shape_cast %broadcast_in_dim3A_51 : vector<16xf32> to vector<1x16xf32>
      tpu.vector_store %arg8[%swap3A_52, %swap3A_53], %swap3A_56 {strides = array<i32>} : memref<128x128xf32, #tpu.memory_space<vmem>>, vector<1x16xf32>,
      %broadcast_in_dim3A_57 = arith.constant 0.000000e+00 : f32
      %broadcast_in_dim3A_58 = vector.broadcast %broadcast_in_dim3A_57 : f32 to vector<16xf32>
      %swap3A_59 = arith.index_cast %scan3A_37 : i32 to index
      %swap3A_60 = arith.constant 48 : index
      %swap3A_61 = tpu.vector_load %arg8[%swap3A_59, %swap3A_60] {strides = array<i32>} : memref<128x128xf32, #tpu.memory_space<vmem>>, vector<1x16xf32>,
      %swap3A_62 = vector.shape_cast %swap3A_61 : vector<1x16xf32> to vector<16xf32>
      %swap3A_63 = vector.shape_cast %broadcast_in_dim3A_58 : vector<16xf32> to vector<1x16xf32>
      tpu.vector_store %arg8[%swap3A_59, %swap3A_60], %swap3A_63 {strides = array<i32>} : memref<128x128xf32, #tpu.memory_space<vmem>>, vector<1x16xf32>,
      %broadcast_in_dim3A_64 = arith.constant 0.000000e+00 : f32
      %broadcast_in_dim3A_65 = vector.broadcast %broadcast_in_dim3A_64 : f32 to vector<16xf32>
      %swap3A_66 = arith.index_cast %scan3A_37 : i32 to index
      %swap3A_67 = arith.constant 64 : index
      %swap3A_68 = tpu.vector_load %arg8[%swap3A_66, %swap3A_67] {strides = array<i32>} : memref<128x128xf32, #tpu.memory_space<vmem>>, vector<1x16xf32>,
      %swap3A_69 = vector.shape_cast %swap3A_68 : vector<1x16xf32> to vector<16xf32>
      %swap3A_70 = vector.shape_cast %broadcast_in_dim3A_65 : vector<16xf32> to vector<1x16xf32>
      tpu.vector_store %arg8[%swap3A_66, %swap3A_67], %swap3A_70 {strides = array<i32>} : memref<128x128xf32, #tpu.memory_space<vmem>>, vector<1x16xf32>,
      %broadcast_in_dim3A_71 = arith.constant 0.000000e+00 : f32
      %broadcast_in_dim3A_72 = vector.broadcast %broadcast_in_dim3A_71 : f32 to vector<16xf32>
      %swap3A_73 = arith.index_cast %scan3A_37 : i32 to index
      %swap3A_74 = arith.constant 80 : index
      %swap3A_75 = tpu.vector_load %arg8[%swap3A_73, %swap3A_74] {strides = array<i32>} : memref<128x128xf32, #tpu.memory_space<vmem>>, vector<1x16xf32>,
      %swap3A_76 = vector.shape_cast %swap3A_75 : vector<1x16xf32> to vector<16xf32>
      %swap3A_77 = vector.shape_cast %broadcast_in_dim3A_72 : vector<16xf32> to vector<1x16xf32>
      tpu.vector_store %arg8[%swap3A_73, %swap3A_74], %swap3A_77 {strides = array<i32>} : memref<128x128xf32, #tpu.memory_space<vmem>>, vector<1x16xf32>,
      %broadcast_in_dim3A_78 = arith.constant 0.000000e+00 : f32
      %broadcast_in_dim3A_79 = vector.broadcast %broadcast_in_dim3A_78 : f32 to vector<16xf32>
      %swap3A_80 = arith.index_cast %scan3A_37 : i32 to index
      %swap3A_81 = arith.constant 96 : index
      %swap3A_82 = tpu.vector_load %arg8[%swap3A_80, %swap3A_81] {strides = array<i32>} : memref<128x128xf32, #tpu.memory_space<vmem>>, vector<1x16xf32>,
      %swap3A_83 = vector.shape_cast %swap3A_82 : vector<1x16xf32> to vector<16xf32>
      %swap3A_84 = vector.shape_cast %broadcast_in_dim3A_79 : vector<16xf32> to vector<1x16xf32>
      tpu.vector_store %arg8[%swap3A_80, %swap3A_81], %swap3A_84 {strides = array<i32>} : memref<128x128xf32, #tpu.memory_space<vmem>>, vector<1x16xf32>,
      %broadcast_in_dim3A_85 = arith.constant 0.000000e+00 : f32
      %broadcast_in_dim3A_86 = vector.broadcast %broadcast_in_dim3A_85 : f32 to vector<16xf32>
      %swap3A_87 = arith.index_cast %scan3A_37 : i32 to index
      %swap3A_88 = arith.constant 112 : index
      %swap3A_89 = tpu.vector_load %arg8[%swap3A_87, %swap3A_88] {strides = array<i32>} : memref<128x128xf32, #tpu.memory_space<vmem>>, vector<1x16xf32>,
      %swap3A_90 = vector.shape_cast %swap3A_89 : vector<1x16xf32> to vector<16xf32>
      %swap3A_91 = vector.shape_cast %broadcast_in_dim3A_86 : vector<16xf32> to vector<1x16xf32>
      tpu.vector_store %arg8[%swap3A_87, %swap3A_88], %swap3A_91 {strides = array<i32>} : memref<128x128xf32, #tpu.memory_space<vmem>>, vector<1x16xf32>,
    }
    %scan3A_4 = arith.constant 128 : i32
    %mul3A = arith.constant 640 : i32
    %mul3A_5 = arith.muli %arg1, %mul3A : i32
    %add3A = arith.constant 0 : i32
    %add3A_6 = arith.addi %mul3A_5, %add3A : i32
    "tpu.region"() ({
      %run_scoped3A = tpu.sem_alloc : memref<!tpu.dma_semaphore, #tpu.memory_space<semaphore_mem>>
      %dma_start3A = arith.constant 0 : i32
      %dma_start3A_37 = tpu.memref_slice %arg9[%add3A_6, %dma_start3A] : memref<10240x128xf32, #tpu.memory_space<vmem_shared>> -> memref<128x128xf32, #tpu.memory_space<vmem_shared>>
      %dma_start3A_38 = arith.constant 0 : i32
      %dma_start3A_39 = tpu.memref_slice %arg9[%add3A_6, %dma_start3A_38] : memref<10240x128xf32, #tpu.memory_space<vmem_shared>> -> memref<128x128xf32, #tpu.memory_space<vmem_shared>>
      tpu.enqueue_dma source(%arg8 : memref<128x128xf32, #tpu.memory_space<vmem>>) target(%dma_start3A_39 : memref<128x128xf32, #tpu.memory_space<vmem_shared>>) target_semaphore(%run_scoped3A : memref<!tpu.dma_semaphore, #tpu.memory_space<semaphore_mem>>)
      %dma_wait3A = arith.constant 0 : i32
      %dma_wait3A_40 = tpu.memref_slice %arg9[%add3A_6, %dma_wait3A] : memref<10240x128xf32, #tpu.memory_space<vmem_shared>> -> memref<128x128xf32, #tpu.memory_space<vmem_shared>>
      %dma_wait3A_41 = arith.constant 0 : i32
      %dma_wait3A_42 = tpu.memref_slice %arg9[%add3A_6, %dma_wait3A_41] : memref<10240x128xf32, #tpu.memory_space<vmem_shared>> -> memref<128x128xf32, #tpu.memory_space<vmem_shared>>
      tpu.wait_dma2 semaphore(%run_scoped3A : memref<!tpu.dma_semaphore, #tpu.memory_space<semaphore_mem>>) src(%arg8 : memref<128x128xf32, #tpu.memory_space<vmem>>) dst(%dma_wait3A_42 : memref<128x128xf32, #tpu.memory_space<vmem_shared>>)
      tpu.yield
    }) : () -> ()
    %mul3A_7 = arith.constant 640 : i32
    %mul3A_8 = arith.muli %arg1, %mul3A_7 : i32
    %add3A_9 = arith.constant 128 : i32
    %add3A_10 = arith.addi %mul3A_8, %add3A_9 : i32
    "tpu.region"() ({
      %run_scoped3A = tpu.sem_alloc : memref<!tpu.dma_semaphore, #tpu.memory_space<semaphore_mem>>
      %dma_start3A = arith.constant 0 : i32
      %dma_start3A_37 = tpu.memref_slice %arg9[%add3A_10, %dma_start3A] : memref<10240x128xf32, #tpu.memory_space<vmem_shared>> -> memref<128x128xf32, #tpu.memory_space<vmem_shared>>
      %dma_start3A_38 = arith.constant 0 : i32
      %dma_start3A_39 = tpu.memref_slice %arg9[%add3A_10, %dma_start3A_38] : memref<10240x128xf32, #tpu.memory_space<vmem_shared>> -> memref<128x128xf32, #tpu.memory_space<vmem_shared>>
      tpu.enqueue_dma source(%arg8 : memref<128x128xf32, #tpu.memory_space<vmem>>) target(%dma_start3A_39 : memref<128x128xf32, #tpu.memory_space<vmem_shared>>) target_semaphore(%run_scoped3A : memref<!tpu.dma_semaphore, #tpu.memory_space<semaphore_mem>>)
      %dma_wait3A = arith.constant 0 : i32
      %dma_wait3A_40 = tpu.memref_slice %arg9[%add3A_10, %dma_wait3A] : memref<10240x128xf32, #tpu.memory_space<vmem_shared>> -> memref<128x128xf32, #tpu.memory_space<vmem_shared>>
      %dma_wait3A_41 = arith.constant 0 : i32
      %dma_wait3A_42 = tpu.memref_slice %arg9[%add3A_10, %dma_wait3A_41] : memref<10240x128xf32, #tpu.memory_space<vmem_shared>> -> memref<128x128xf32, #tpu.memory_space<vmem_shared>>
      tpu.wait_dma2 semaphore(%run_scoped3A : memref<!tpu.dma_semaphore, #tpu.memory_space<semaphore_mem>>) src(%arg8 : memref<128x128xf32, #tpu.memory_space<vmem>>) dst(%dma_wait3A_42 : memref<128x128xf32, #tpu.memory_space<vmem_shared>>)
      tpu.yield
    }) : () -> ()
    %mul3A_11 = arith.constant 640 : i32
    %mul3A_12 = arith.muli %arg1, %mul3A_11 : i32
    %add3A_13 = arith.constant 256 : i32
    %add3A_14 = arith.addi %mul3A_12, %add3A_13 : i32
    "tpu.region"() ({
      %run_scoped3A = tpu.sem_alloc : memref<!tpu.dma_semaphore, #tpu.memory_space<semaphore_mem>>
      %dma_start3A = arith.constant 0 : i32
      %dma_start3A_37 = tpu.memref_slice %arg9[%add3A_14, %dma_start3A] : memref<10240x128xf32, #tpu.memory_space<vmem_shared>> -> memref<128x128xf32, #tpu.memory_space<vmem_shared>>
      %dma_start3A_38 = arith.constant 0 : i32
      %dma_start3A_39 = tpu.memref_slice %arg9[%add3A_14, %dma_start3A_38] : memref<10240x128xf32, #tpu.memory_space<vmem_shared>> -> memref<128x128xf32, #tpu.memory_space<vmem_shared>>
      tpu.enqueue_dma source(%arg8 : memref<128x128xf32, #tpu.memory_space<vmem>>) target(%dma_start3A_39 : memref<128x128xf32, #tpu.memory_space<vmem_shared>>) target_semaphore(%run_scoped3A : memref<!tpu.dma_semaphore, #tpu.memory_space<semaphore_mem>>)
      %dma_wait3A = arith.constant 0 : i32
      %dma_wait3A_40 = tpu.memref_slice %arg9[%add3A_14, %dma_wait3A] : memref<10240x128xf32, #tpu.memory_space<vmem_shared>> -> memref<128x128xf32, #tpu.memory_space<vmem_shared>>
      %dma_wait3A_41 = arith.constant 0 : i32
      %dma_wait3A_42 = tpu.memref_slice %arg9[%add3A_14, %dma_wait3A_41] : memref<10240x128xf32, #tpu.memory_space<vmem_shared>> -> memref<128x128xf32, #tpu.memory_space<vmem_shared>>
      tpu.wait_dma2 semaphore(%run_scoped3A : memref<!tpu.dma_semaphore, #tpu.memory_space<semaphore_mem>>) src(%arg8 : memref<128x128xf32, #tpu.memory_space<vmem>>) dst(%dma_wait3A_42 : memref<128x128xf32, #tpu.memory_space<vmem_shared>>)
      tpu.yield
    }) : () -> ()
    %mul3A_15 = arith.constant 640 : i32
    %mul3A_16 = arith.muli %arg1, %mul3A_15 : i32
    %add3A_17 = arith.constant 384 : i32
    %add3A_18 = arith.addi %mul3A_16, %add3A_17 : i32
    "tpu.region"() ({
      %run_scoped3A = tpu.sem_alloc : memref<!tpu.dma_semaphore, #tpu.memory_space<semaphore_mem>>
      %dma_start3A = arith.constant 0 : i32
      %dma_start3A_37 = tpu.memref_slice %arg9[%add3A_18, %dma_start3A] : memref<10240x128xf32, #tpu.memory_space<vmem_shared>> -> memref<128x128xf32, #tpu.memory_space<vmem_shared>>
      %dma_start3A_38 = arith.constant 0 : i32
      %dma_start3A_39 = tpu.memref_slice %arg9[%add3A_18, %dma_start3A_38] : memref<10240x128xf32, #tpu.memory_space<vmem_shared>> -> memref<128x128xf32, #tpu.memory_space<vmem_shared>>
      tpu.enqueue_dma source(%arg8 : memref<128x128xf32, #tpu.memory_space<vmem>>) target(%dma_start3A_39 : memref<128x128xf32, #tpu.memory_space<vmem_shared>>) target_semaphore(%run_scoped3A : memref<!tpu.dma_semaphore, #tpu.memory_space<semaphore_mem>>)
      %dma_wait3A = arith.constant 0 : i32
      %dma_wait3A_40 = tpu.memref_slice %arg9[%add3A_18, %dma_wait3A] : memref<10240x128xf32, #tpu.memory_space<vmem_shared>> -> memref<128x128xf32, #tpu.memory_space<vmem_shared>>
      %dma_wait3A_41 = arith.constant 0 : i32
      %dma_wait3A_42 = tpu.memref_slice %arg9[%add3A_18, %dma_wait3A_41] : memref<10240x128xf32, #tpu.memory_space<vmem_shared>> -> memref<128x128xf32, #tpu.memory_space<vmem_shared>>
      tpu.wait_dma2 semaphore(%run_scoped3A : memref<!tpu.dma_semaphore, #tpu.memory_space<semaphore_mem>>) src(%arg8 : memref<128x128xf32, #tpu.memory_space<vmem>>) dst(%dma_wait3A_42 : memref<128x128xf32, #tpu.memory_space<vmem_shared>>)
      tpu.yield
    }) : () -> ()
    %mul3A_19 = arith.constant 640 : i32
    %mul3A_20 = arith.muli %arg1, %mul3A_19 : i32
    %add3A_21 = arith.constant 512 : i32
    %add3A_22 = arith.addi %mul3A_20, %add3A_21 : i32
    "tpu.region"() ({
      %run_scoped3A = tpu.sem_alloc : memref<!tpu.dma_semaphore, #tpu.memory_space<semaphore_mem>>
      %dma_start3A = arith.constant 0 : i32
      %dma_start3A_37 = tpu.memref_slice %arg9[%add3A_22, %dma_start3A] : memref<10240x128xf32, #tpu.memory_space<vmem_shared>> -> memref<128x128xf32, #tpu.memory_space<vmem_shared>>
      %dma_start3A_38 = arith.constant 0 : i32
      %dma_start3A_39 = tpu.memref_slice %arg9[%add3A_22, %dma_start3A_38] : memref<10240x128xf32, #tpu.memory_space<vmem_shared>> -> memref<128x128xf32, #tpu.memory_space<vmem_shared>>
      tpu.enqueue_dma source(%arg8 : memref<128x128xf32, #tpu.memory_space<vmem>>) target(%dma_start3A_39 : memref<128x128xf32, #tpu.memory_space<vmem_shared>>) target_semaphore(%run_scoped3A : memref<!tpu.dma_semaphore, #tpu.memory_space<semaphore_mem>>)
      %dma_wait3A = arith.constant 0 : i32
      %dma_wait3A_40 = tpu.memref_slice %arg9[%add3A_22, %dma_wait3A] : memref<10240x128xf32, #tpu.memory_space<vmem_shared>> -> memref<128x128xf32, #tpu.memory_space<vmem_shared>>
      %dma_wait3A_41 = arith.constant 0 : i32
      %dma_wait3A_42 = tpu.memref_slice %arg9[%add3A_22, %dma_wait3A_41] : memref<10240x128xf32, #tpu.memory_space<vmem_shared>> -> memref<128x128xf32, #tpu.memory_space<vmem_shared>>
      tpu.wait_dma2 semaphore(%run_scoped3A : memref<!tpu.dma_semaphore, #tpu.memory_space<semaphore_mem>>) src(%arg8 : memref<128x128xf32, #tpu.memory_space<vmem>>) dst(%dma_wait3A_42 : memref<128x128xf32, #tpu.memory_space<vmem_shared>>)
      tpu.yield
    }) : () -> ()
    %barrier3A = arith.constant 0 : index
    tpu.barrier barrier_id(%barrier3A)
    %scan3A_23 = arith.constant 0 : i32
    %scan3A_24 = arith.constant 0 : i32
    %scan3A_25 = arith.constant 160 : i32
    %scan3A_26 = arith.addi %scan3A_24, %scan3A_25 : i32
    %scan3A_27 = arith.constant 1 : i32
    scf.for %scan3A_37 = %scan3A_24 to %scan3A_26 step %scan3A_27  : i32 {
      %mul3A_38 = arith.constant 16 : i32
      %mul3A_39 = arith.muli %scan3A_37, %mul3A_38 : i32
      %add3A_40 = arith.addi %mul3A_39, %arg1 : i32
      %mul3A_41 = arith.constant 128 : i32
      %mul3A_42 = arith.muli %add3A_40, %mul3A_41 : i32
      "tpu.region"() ({
        %run_scoped3A = tpu.sem_alloc : memref<!tpu.dma_semaphore, #tpu.memory_space<semaphore_mem>>
        %dma_start3A_49 = tpu.memref_slice %arg3[%arg0, %mul3A_42] : memref<2x327680xi32, #tpu.memory_space<hbm>> -> memref<1x128xi32, #tpu.memory_space<hbm>>
        %dma_start3A_50 = tpu.memref_squeeze %dma_start3A_49 : memref<1x128xi32, #tpu.memory_space<hbm>> -> memref<128xi32, #tpu.memory_space<hbm>>
        %dma_start3A_51 = tpu.memref_slice %arg3[%arg0, %mul3A_42] : memref<2x327680xi32, #tpu.memory_space<hbm>> -> memref<1x128xi32, #tpu.memory_space<hbm>>
        %dma_start3A_52 = tpu.memref_squeeze %dma_start3A_51 : memref<1x128xi32, #tpu.memory_space<hbm>> -> memref<128xi32, #tpu.memory_space<hbm>>
        tpu.enqueue_dma source(%dma_start3A_52 : memref<128xi32, #tpu.memory_space<hbm>>) target(%arg6 : memref<128xi32, #tpu.memory_space<vmem>>) target_semaphore(%run_scoped3A : memref<!tpu.dma_semaphore, #tpu.memory_space<semaphore_mem>>)
        %dma_wait3A_53 = tpu.memref_slice %arg3[%arg0, %mul3A_42] : memref<2x327680xi32, #tpu.memory_space<hbm>> -> memref<1x128xi32, #tpu.memory_space<hbm>>
        %dma_wait3A_54 = tpu.memref_squeeze %dma_wait3A_53 : memref<1x128xi32, #tpu.memory_space<hbm>> -> memref<128xi32, #tpu.memory_space<hbm>>
        %dma_wait3A_55 = tpu.memref_slice %arg3[%arg0, %mul3A_42] : memref<2x327680xi32, #tpu.memory_space<hbm>> -> memref<1x128xi32, #tpu.memory_space<hbm>>
        %dma_wait3A_56 = tpu.memref_squeeze %dma_wait3A_55 : memref<1x128xi32, #tpu.memory_space<hbm>> -> memref<128xi32, #tpu.memory_space<hbm>>
        tpu.wait_dma2 semaphore(%run_scoped3A : memref<!tpu.dma_semaphore, #tpu.memory_space<semaphore_mem>>) src(%dma_wait3A_56 : memref<128xi32, #tpu.memory_space<hbm>>) dst(%arg6 : memref<128xi32, #tpu.memory_space<vmem>>)
        tpu.yield
      }) : () -> ()
      %mul3A_43 = arith.constant 128 : i32
      %mul3A_44 = arith.muli %add3A_40, %mul3A_43 : i32
      "tpu.region"() ({
        %run_scoped3A = tpu.sem_alloc : memref<!tpu.dma_semaphore, #tpu.memory_space<semaphore_mem>>
        %dma_start3A_49 = tpu.memref_slice %arg4[%mul3A_44] : memref<327680xi32, #tpu.memory_space<hbm>> -> memref<128xi32, #tpu.memory_space<hbm>>
        %dma_start3A_50 = tpu.memref_slice %arg4[%mul3A_44] : memref<327680xi32, #tpu.memory_space<hbm>> -> memref<128xi32, #tpu.memory_space<hbm>>
        tpu.enqueue_dma source(%dma_start3A_50 : memref<128xi32, #tpu.memory_space<hbm>>) target(%arg7 : memref<128xi32, #tpu.memory_space<vmem>>) target_semaphore(%run_scoped3A : memref<!tpu.dma_semaphore, #tpu.memory_space<semaphore_mem>>)
        %dma_wait3A_51 = tpu.memref_slice %arg4[%mul3A_44] : memref<327680xi32, #tpu.memory_space<hbm>> -> memref<128xi32, #tpu.memory_space<hbm>>
        %dma_wait3A_52 = tpu.memref_slice %arg4[%mul3A_44] : memref<327680xi32, #tpu.memory_space<hbm>> -> memref<128xi32, #tpu.memory_space<hbm>>
        tpu.wait_dma2 semaphore(%run_scoped3A : memref<!tpu.dma_semaphore, #tpu.memory_space<semaphore_mem>>) src(%dma_wait3A_52 : memref<128xi32, #tpu.memory_space<hbm>>) dst(%arg7 : memref<128xi32, #tpu.memory_space<vmem>>)
        tpu.yield
      }) : () -> ()
      %dma_start3A = arith.constant 0 : i32
      %dma_start3A_45 = arith.constant 0 : i32
      %dma_start3A_46 = tpu.memref_slice %arg2[%dma_start3A, %dma_start3A_45] : memref<20000x128xf32, #tpu.memory_space<hbm>> -> memref<20000x128xf32, #tpu.memory_space<hbm>>
      tpu.enqueue_indirect_dma source(%dma_start3A_46 : memref<20000x128xf32, #tpu.memory_space<hbm>>) target(%arg8 : memref<128x128xf32, #tpu.memory_space<vmem>>) offsets(%arg6 : memref<128xi32, #tpu.memory_space<vmem>>) semaphore(%arg10 : memref<!tpu.dma_semaphore, #tpu.memory_space<semaphore_mem>>)
      %dma_wait3A = arith.constant 0 : i32
      %dma_wait3A_47 = arith.constant 0 : i32
      %dma_wait3A_48 = tpu.memref_slice %arg2[%dma_wait3A, %dma_wait3A_47] : memref<20000x128xf32, #tpu.memory_space<hbm>> -> memref<20000x128xf32, #tpu.memory_space<hbm>>
      tpu.wait_indirect_dma semaphore(%arg10 : memref<!tpu.dma_semaphore, #tpu.memory_space<semaphore_mem>>) src(%dma_wait3A_48 : memref<20000x128xf32, #tpu.memory_space<hbm>>) dst(%arg8 : memref<128x128xf32, #tpu.memory_space<vmem>>)
      "tpu.region"() ({
        %run_scoped3A = tpu.sem_alloc : memref<!tpu.dma_semaphore, #tpu.memory_space<semaphore_mem>>
        %dma_start3A_49 = arith.constant 0 : i32
        %dma_start3A_50 = arith.constant 0 : i32
        %dma_start3A_51 = tpu.memref_slice %arg9[%dma_start3A_49, %dma_start3A_50] : memref<10240x128xf32, #tpu.memory_space<vmem_shared>> -> memref<10240x128xf32, #tpu.memory_space<vmem_shared>>
        tpu.enqueue_indirect_dma source(%arg8 : memref<128x128xf32, #tpu.memory_space<vmem>>) target(%dma_start3A_51 : memref<10240x128xf32, #tpu.memory_space<vmem_shared>>) offsets(%arg7 : memref<128xi32, #tpu.memory_space<vmem>>) semaphore(%run_scoped3A : memref<!tpu.dma_semaphore, #tpu.memory_space<semaphore_mem>>) {add = true}
        %dma_wait3A_52 = arith.constant 0 : i32
        %dma_wait3A_53 = arith.constant 0 : i32
        %dma_wait3A_54 = tpu.memref_slice %arg9[%dma_wait3A_52, %dma_wait3A_53] : memref<10240x128xf32, #tpu.memory_space<vmem_shared>> -> memref<10240x128xf32, #tpu.memory_space<vmem_shared>>
        tpu.wait_indirect_dma semaphore(%run_scoped3A : memref<!tpu.dma_semaphore, #tpu.memory_space<semaphore_mem>>) src(%arg8 : memref<128x128xf32, #tpu.memory_space<vmem>>) dst(%dma_wait3A_54 : memref<10240x128xf32, #tpu.memory_space<vmem_shared>>)
        tpu.yield
      }) : () -> ()
    }
    %scan3A_28 = arith.constant 160 : i32
    %barrier3A_29 = arith.constant 0 : index
    tpu.barrier barrier_id(%barrier3A_29)
    %mul3A_30 = arith.constant 640 : i32
    %mul3A_31 = arith.muli %arg1, %mul3A_30 : i32
    %mul3A_32 = arith.constant 10240 : i32
    %mul3A_33 = arith.muli %arg0, %mul3A_32 : i32
    %mul3A_34 = arith.constant 640 : i32
    %mul3A_35 = arith.muli %arg1, %mul3A_34 : i32
    %add3A_36 = arith.addi %mul3A_33, %mul3A_35 : i32
    "tpu.region"() ({
      %run_scoped3A = tpu.sem_alloc : memref<!tpu.dma_semaphore, #tpu.memory_space<semaphore_mem>>
      %dma_start3A = arith.constant 0 : i32
      %dma_start3A_37 = tpu.memref_slice %arg5[%add3A_36, %dma_start3A] : memref<20480x128xf32, #tpu.memory_space<hbm>> -> memref<640x128xf32, #tpu.memory_space<hbm>>
      %dma_start3A_38 = arith.constant 0 : i32
      %dma_start3A_39 = tpu.memref_slice %arg9[%mul3A_31, %dma_start3A_38] : memref<10240x128xf32, #tpu.memory_space<vmem_shared>> -> memref<640x128xf32, #tpu.memory_space<vmem_shared>>
      tpu.enqueue_dma source(%dma_start3A_39 : memref<640x128xf32, #tpu.memory_space<vmem_shared>>) target(%dma_start3A_37 : memref<640x128xf32, #tpu.memory_space<hbm>>) target_semaphore(%run_scoped3A : memref<!tpu.dma_semaphore, #tpu.memory_space<semaphore_mem>>)
      %dma_wait3A = arith.constant 0 : i32
      %dma_wait3A_40 = tpu.memref_slice %arg5[%add3A_36, %dma_wait3A] : memref<20480x128xf32, #tpu.memory_space<hbm>> -> memref<640x128xf32, #tpu.memory_space<hbm>>
      %dma_wait3A_41 = arith.constant 0 : i32
      %dma_wait3A_42 = tpu.memref_slice %arg9[%mul3A_31, %dma_wait3A_41] : memref<10240x128xf32, #tpu.memory_space<vmem_shared>> -> memref<640x128xf32, #tpu.memory_space<vmem_shared>>
      tpu.wait_dma2 semaphore(%run_scoped3A : memref<!tpu.dma_semaphore, #tpu.memory_space<semaphore_mem>>) src(%dma_wait3A_42 : memref<640x128xf32, #tpu.memory_space<vmem_shared>>) dst(%dma_wait3A_40 : memref<640x128xf32, #tpu.memory_space<hbm>>)
      tpu.yield
    }) : () -> ()
    return
  }
}

#map = affine_map<(d0, d1) -> (0)>
#map1 = affine_map<(d0, d1) -> (0, 0)>
module attributes {stable_mosaic.version = 14 : i64} {
  func.func @_cnt_body(%arg0: i32, %arg1: i32, %arg2: memref<320000xi32, #tpu.memory_space<hbm>>, %arg3: memref<20480x128xf32, #tpu.memory_space<hbm>>, %arg4: memref<128xi32, #tpu.memory_space<vmem>>, %arg5: memref<128x128xf32, #tpu.memory_space<vmem>>, %arg6: memref<10240x128xf32, #tpu.memory_space<vmem_shared>>) attributes {dimension_semantics = [#tpu.dimension_semantics<core_parallel>, #tpu.dimension_semantics<subcore_parallel>], iteration_bounds = array<i64: 2, 16>, scalar_prefetch = 0 : i64, scratch_operands = 3 : i64, tpu.core_type = #tpu.core_type<sc_vector_subcore>, window_params = [{transform_indices = #map}, {transform_indices = #map1}]} {
    %mul3A = arith.constant 2 : i32
    %mul3A_0 = arith.muli %arg1, %mul3A : i32
    %add3A = arith.addi %mul3A_0, %arg0 : i32
    %scan3A = arith.constant 0 : i32
    %scan3A_1 = arith.constant 0 : i32
    %scan3A_2 = arith.constant 128 : i32
    %scan3A_3 = arith.addi %scan3A_1, %scan3A_2 : i32
    %scan3A_4 = arith.constant 1 : i32
    scf.for %scan3A_46 = %scan3A_1 to %scan3A_3 step %scan3A_4  : i32 {
      %broadcast_in_dim3A = arith.constant 0.000000e+00 : f32
      %broadcast_in_dim3A_47 = vector.broadcast %broadcast_in_dim3A : f32 to vector<16xf32>
      %swap3A = arith.index_cast %scan3A_46 : i32 to index
      %swap3A_48 = arith.constant 0 : index
      %swap3A_49 = tpu.vector_load %arg5[%swap3A, %swap3A_48] {strides = array<i32>} : memref<128x128xf32, #tpu.memory_space<vmem>>, vector<1x16xf32>,
      %swap3A_50 = vector.shape_cast %swap3A_49 : vector<1x16xf32> to vector<16xf32>
      %swap3A_51 = vector.shape_cast %broadcast_in_dim3A_47 : vector<16xf32> to vector<1x16xf32>
      tpu.vector_store %arg5[%swap3A, %swap3A_48], %swap3A_51 {strides = array<i32>} : memref<128x128xf32, #tpu.memory_space<vmem>>, vector<1x16xf32>,
      %broadcast_in_dim3A_52 = arith.constant 0.000000e+00 : f32
      %broadcast_in_dim3A_53 = vector.broadcast %broadcast_in_dim3A_52 : f32 to vector<16xf32>
      %swap3A_54 = arith.index_cast %scan3A_46 : i32 to index
      %swap3A_55 = arith.constant 16 : index
      %swap3A_56 = tpu.vector_load %arg5[%swap3A_54, %swap3A_55] {strides = array<i32>} : memref<128x128xf32, #tpu.memory_space<vmem>>, vector<1x16xf32>,
      %swap3A_57 = vector.shape_cast %swap3A_56 : vector<1x16xf32> to vector<16xf32>
      %swap3A_58 = vector.shape_cast %broadcast_in_dim3A_53 : vector<16xf32> to vector<1x16xf32>
      tpu.vector_store %arg5[%swap3A_54, %swap3A_55], %swap3A_58 {strides = array<i32>} : memref<128x128xf32, #tpu.memory_space<vmem>>, vector<1x16xf32>,
      %broadcast_in_dim3A_59 = arith.constant 0.000000e+00 : f32
      %broadcast_in_dim3A_60 = vector.broadcast %broadcast_in_dim3A_59 : f32 to vector<16xf32>
      %swap3A_61 = arith.index_cast %scan3A_46 : i32 to index
      %swap3A_62 = arith.constant 32 : index
      %swap3A_63 = tpu.vector_load %arg5[%swap3A_61, %swap3A_62] {strides = array<i32>} : memref<128x128xf32, #tpu.memory_space<vmem>>, vector<1x16xf32>,
      %swap3A_64 = vector.shape_cast %swap3A_63 : vector<1x16xf32> to vector<16xf32>
      %swap3A_65 = vector.shape_cast %broadcast_in_dim3A_60 : vector<16xf32> to vector<1x16xf32>
      tpu.vector_store %arg5[%swap3A_61, %swap3A_62], %swap3A_65 {strides = array<i32>} : memref<128x128xf32, #tpu.memory_space<vmem>>, vector<1x16xf32>,
      %broadcast_in_dim3A_66 = arith.constant 0.000000e+00 : f32
      %broadcast_in_dim3A_67 = vector.broadcast %broadcast_in_dim3A_66 : f32 to vector<16xf32>
      %swap3A_68 = arith.index_cast %scan3A_46 : i32 to index
      %swap3A_69 = arith.constant 48 : index
      %swap3A_70 = tpu.vector_load %arg5[%swap3A_68, %swap3A_69] {strides = array<i32>} : memref<128x128xf32, #tpu.memory_space<vmem>>, vector<1x16xf32>,
      %swap3A_71 = vector.shape_cast %swap3A_70 : vector<1x16xf32> to vector<16xf32>
      %swap3A_72 = vector.shape_cast %broadcast_in_dim3A_67 : vector<16xf32> to vector<1x16xf32>
      tpu.vector_store %arg5[%swap3A_68, %swap3A_69], %swap3A_72 {strides = array<i32>} : memref<128x128xf32, #tpu.memory_space<vmem>>, vector<1x16xf32>,
      %broadcast_in_dim3A_73 = arith.constant 0.000000e+00 : f32
      %broadcast_in_dim3A_74 = vector.broadcast %broadcast_in_dim3A_73 : f32 to vector<16xf32>
      %swap3A_75 = arith.index_cast %scan3A_46 : i32 to index
      %swap3A_76 = arith.constant 64 : index
      %swap3A_77 = tpu.vector_load %arg5[%swap3A_75, %swap3A_76] {strides = array<i32>} : memref<128x128xf32, #tpu.memory_space<vmem>>, vector<1x16xf32>,
      %swap3A_78 = vector.shape_cast %swap3A_77 : vector<1x16xf32> to vector<16xf32>
      %swap3A_79 = vector.shape_cast %broadcast_in_dim3A_74 : vector<16xf32> to vector<1x16xf32>
      tpu.vector_store %arg5[%swap3A_75, %swap3A_76], %swap3A_79 {strides = array<i32>} : memref<128x128xf32, #tpu.memory_space<vmem>>, vector<1x16xf32>,
      %broadcast_in_dim3A_80 = arith.constant 0.000000e+00 : f32
      %broadcast_in_dim3A_81 = vector.broadcast %broadcast_in_dim3A_80 : f32 to vector<16xf32>
      %swap3A_82 = arith.index_cast %scan3A_46 : i32 to index
      %swap3A_83 = arith.constant 80 : index
      %swap3A_84 = tpu.vector_load %arg5[%swap3A_82, %swap3A_83] {strides = array<i32>} : memref<128x128xf32, #tpu.memory_space<vmem>>, vector<1x16xf32>,
      %swap3A_85 = vector.shape_cast %swap3A_84 : vector<1x16xf32> to vector<16xf32>
      %swap3A_86 = vector.shape_cast %broadcast_in_dim3A_81 : vector<16xf32> to vector<1x16xf32>
      tpu.vector_store %arg5[%swap3A_82, %swap3A_83], %swap3A_86 {strides = array<i32>} : memref<128x128xf32, #tpu.memory_space<vmem>>, vector<1x16xf32>,
      %broadcast_in_dim3A_87 = arith.constant 0.000000e+00 : f32
      %broadcast_in_dim3A_88 = vector.broadcast %broadcast_in_dim3A_87 : f32 to vector<16xf32>
      %swap3A_89 = arith.index_cast %scan3A_46 : i32 to index
      %swap3A_90 = arith.constant 96 : index
      %swap3A_91 = tpu.vector_load %arg5[%swap3A_89, %swap3A_90] {strides = array<i32>} : memref<128x128xf32, #tpu.memory_space<vmem>>, vector<1x16xf32>,
      %swap3A_92 = vector.shape_cast %swap3A_91 : vector<1x16xf32> to vector<16xf32>
      %swap3A_93 = vector.shape_cast %broadcast_in_dim3A_88 : vector<16xf32> to vector<1x16xf32>
      tpu.vector_store %arg5[%swap3A_89, %swap3A_90], %swap3A_93 {strides = array<i32>} : memref<128x128xf32, #tpu.memory_space<vmem>>, vector<1x16xf32>,
      %broadcast_in_dim3A_94 = arith.constant 0.000000e+00 : f32
      %broadcast_in_dim3A_95 = vector.broadcast %broadcast_in_dim3A_94 : f32 to vector<16xf32>
      %swap3A_96 = arith.index_cast %scan3A_46 : i32 to index
      %swap3A_97 = arith.constant 112 : index
      %swap3A_98 = tpu.vector_load %arg5[%swap3A_96, %swap3A_97] {strides = array<i32>} : memref<128x128xf32, #tpu.memory_space<vmem>>, vector<1x16xf32>,
      %swap3A_99 = vector.shape_cast %swap3A_98 : vector<1x16xf32> to vector<16xf32>
      %swap3A_100 = vector.shape_cast %broadcast_in_dim3A_95 : vector<16xf32> to vector<1x16xf32>
      tpu.vector_store %arg5[%swap3A_96, %swap3A_97], %swap3A_100 {strides = array<i32>} : memref<128x128xf32, #tpu.memory_space<vmem>>, vector<1x16xf32>,
    }
    %scan3A_5 = arith.constant 128 : i32
    %mul3A_6 = arith.constant 640 : i32
    %mul3A_7 = arith.muli %arg1, %mul3A_6 : i32
    %add3A_8 = arith.constant 0 : i32
    %add3A_9 = arith.addi %mul3A_7, %add3A_8 : i32
    "tpu.region"() ({
      %run_scoped3A = tpu.sem_alloc : memref<!tpu.dma_semaphore, #tpu.memory_space<semaphore_mem>>
      %dma_start3A = arith.constant 0 : i32
      %dma_start3A_46 = tpu.memref_slice %arg6[%add3A_9, %dma_start3A] : memref<10240x128xf32, #tpu.memory_space<vmem_shared>> -> memref<128x128xf32, #tpu.memory_space<vmem_shared>>
      %dma_start3A_47 = arith.constant 0 : i32
      %dma_start3A_48 = tpu.memref_slice %arg6[%add3A_9, %dma_start3A_47] : memref<10240x128xf32, #tpu.memory_space<vmem_shared>> -> memref<128x128xf32, #tpu.memory_space<vmem_shared>>
      tpu.enqueue_dma source(%arg5 : memref<128x128xf32, #tpu.memory_space<vmem>>) target(%dma_start3A_48 : memref<128x128xf32, #tpu.memory_space<vmem_shared>>) target_semaphore(%run_scoped3A : memref<!tpu.dma_semaphore, #tpu.memory_space<semaphore_mem>>)
      %dma_wait3A = arith.constant 0 : i32
      %dma_wait3A_49 = tpu.memref_slice %arg6[%add3A_9, %dma_wait3A] : memref<10240x128xf32, #tpu.memory_space<vmem_shared>> -> memref<128x128xf32, #tpu.memory_space<vmem_shared>>
      %dma_wait3A_50 = arith.constant 0 : i32
      %dma_wait3A_51 = tpu.memref_slice %arg6[%add3A_9, %dma_wait3A_50] : memref<10240x128xf32, #tpu.memory_space<vmem_shared>> -> memref<128x128xf32, #tpu.memory_space<vmem_shared>>
      tpu.wait_dma2 semaphore(%run_scoped3A : memref<!tpu.dma_semaphore, #tpu.memory_space<semaphore_mem>>) src(%arg5 : memref<128x128xf32, #tpu.memory_space<vmem>>) dst(%dma_wait3A_51 : memref<128x128xf32, #tpu.memory_space<vmem_shared>>)
      tpu.yield
    }) : () -> ()
    %mul3A_10 = arith.constant 640 : i32
    %mul3A_11 = arith.muli %arg1, %mul3A_10 : i32
    %add3A_12 = arith.constant 128 : i32
    %add3A_13 = arith.addi %mul3A_11, %add3A_12 : i32
    "tpu.region"() ({
      %run_scoped3A = tpu.sem_alloc : memref<!tpu.dma_semaphore, #tpu.memory_space<semaphore_mem>>
      %dma_start3A = arith.constant 0 : i32
      %dma_start3A_46 = tpu.memref_slice %arg6[%add3A_13, %dma_start3A] : memref<10240x128xf32, #tpu.memory_space<vmem_shared>> -> memref<128x128xf32, #tpu.memory_space<vmem_shared>>
      %dma_start3A_47 = arith.constant 0 : i32
      %dma_start3A_48 = tpu.memref_slice %arg6[%add3A_13, %dma_start3A_47] : memref<10240x128xf32, #tpu.memory_space<vmem_shared>> -> memref<128x128xf32, #tpu.memory_space<vmem_shared>>
      tpu.enqueue_dma source(%arg5 : memref<128x128xf32, #tpu.memory_space<vmem>>) target(%dma_start3A_48 : memref<128x128xf32, #tpu.memory_space<vmem_shared>>) target_semaphore(%run_scoped3A : memref<!tpu.dma_semaphore, #tpu.memory_space<semaphore_mem>>)
      %dma_wait3A = arith.constant 0 : i32
      %dma_wait3A_49 = tpu.memref_slice %arg6[%add3A_13, %dma_wait3A] : memref<10240x128xf32, #tpu.memory_space<vmem_shared>> -> memref<128x128xf32, #tpu.memory_space<vmem_shared>>
      %dma_wait3A_50 = arith.constant 0 : i32
      %dma_wait3A_51 = tpu.memref_slice %arg6[%add3A_13, %dma_wait3A_50] : memref<10240x128xf32, #tpu.memory_space<vmem_shared>> -> memref<128x128xf32, #tpu.memory_space<vmem_shared>>
      tpu.wait_dma2 semaphore(%run_scoped3A : memref<!tpu.dma_semaphore, #tpu.memory_space<semaphore_mem>>) src(%arg5 : memref<128x128xf32, #tpu.memory_space<vmem>>) dst(%dma_wait3A_51 : memref<128x128xf32, #tpu.memory_space<vmem_shared>>)
      tpu.yield
    }) : () -> ()
    %mul3A_14 = arith.constant 640 : i32
    %mul3A_15 = arith.muli %arg1, %mul3A_14 : i32
    %add3A_16 = arith.constant 256 : i32
    %add3A_17 = arith.addi %mul3A_15, %add3A_16 : i32
    "tpu.region"() ({
      %run_scoped3A = tpu.sem_alloc : memref<!tpu.dma_semaphore, #tpu.memory_space<semaphore_mem>>
      %dma_start3A = arith.constant 0 : i32
      %dma_start3A_46 = tpu.memref_slice %arg6[%add3A_17, %dma_start3A] : memref<10240x128xf32, #tpu.memory_space<vmem_shared>> -> memref<128x128xf32, #tpu.memory_space<vmem_shared>>
      %dma_start3A_47 = arith.constant 0 : i32
      %dma_start3A_48 = tpu.memref_slice %arg6[%add3A_17, %dma_start3A_47] : memref<10240x128xf32, #tpu.memory_space<vmem_shared>> -> memref<128x128xf32, #tpu.memory_space<vmem_shared>>
      tpu.enqueue_dma source(%arg5 : memref<128x128xf32, #tpu.memory_space<vmem>>) target(%dma_start3A_48 : memref<128x128xf32, #tpu.memory_space<vmem_shared>>) target_semaphore(%run_scoped3A : memref<!tpu.dma_semaphore, #tpu.memory_space<semaphore_mem>>)
      %dma_wait3A = arith.constant 0 : i32
      %dma_wait3A_49 = tpu.memref_slice %arg6[%add3A_17, %dma_wait3A] : memref<10240x128xf32, #tpu.memory_space<vmem_shared>> -> memref<128x128xf32, #tpu.memory_space<vmem_shared>>
      %dma_wait3A_50 = arith.constant 0 : i32
      %dma_wait3A_51 = tpu.memref_slice %arg6[%add3A_17, %dma_wait3A_50] : memref<10240x128xf32, #tpu.memory_space<vmem_shared>> -> memref<128x128xf32, #tpu.memory_space<vmem_shared>>
      tpu.wait_dma2 semaphore(%run_scoped3A : memref<!tpu.dma_semaphore, #tpu.memory_space<semaphore_mem>>) src(%arg5 : memref<128x128xf32, #tpu.memory_space<vmem>>) dst(%dma_wait3A_51 : memref<128x128xf32, #tpu.memory_space<vmem_shared>>)
      tpu.yield
    }) : () -> ()
    %mul3A_18 = arith.constant 640 : i32
    %mul3A_19 = arith.muli %arg1, %mul3A_18 : i32
    %add3A_20 = arith.constant 384 : i32
    %add3A_21 = arith.addi %mul3A_19, %add3A_20 : i32
    "tpu.region"() ({
      %run_scoped3A = tpu.sem_alloc : memref<!tpu.dma_semaphore, #tpu.memory_space<semaphore_mem>>
      %dma_start3A = arith.constant 0 : i32
      %dma_start3A_46 = tpu.memref_slice %arg6[%add3A_21, %dma_start3A] : memref<10240x128xf32, #tpu.memory_space<vmem_shared>> -> memref<128x128xf32, #tpu.memory_space<vmem_shared>>
      %dma_start3A_47 = arith.constant 0 : i32
      %dma_start3A_48 = tpu.memref_slice %arg6[%add3A_21, %dma_start3A_47] : memref<10240x128xf32, #tpu.memory_space<vmem_shared>> -> memref<128x128xf32, #tpu.memory_space<vmem_shared>>
      tpu.enqueue_dma source(%arg5 : memref<128x128xf32, #tpu.memory_space<vmem>>) target(%dma_start3A_48 : memref<128x128xf32, #tpu.memory_space<vmem_shared>>) target_semaphore(%run_scoped3A : memref<!tpu.dma_semaphore, #tpu.memory_space<semaphore_mem>>)
      %dma_wait3A = arith.constant 0 : i32
      %dma_wait3A_49 = tpu.memref_slice %arg6[%add3A_21, %dma_wait3A] : memref<10240x128xf32, #tpu.memory_space<vmem_shared>> -> memref<128x128xf32, #tpu.memory_space<vmem_shared>>
      %dma_wait3A_50 = arith.constant 0 : i32
      %dma_wait3A_51 = tpu.memref_slice %arg6[%add3A_21, %dma_wait3A_50] : memref<10240x128xf32, #tpu.memory_space<vmem_shared>> -> memref<128x128xf32, #tpu.memory_space<vmem_shared>>
      tpu.wait_dma2 semaphore(%run_scoped3A : memref<!tpu.dma_semaphore, #tpu.memory_space<semaphore_mem>>) src(%arg5 : memref<128x128xf32, #tpu.memory_space<vmem>>) dst(%dma_wait3A_51 : memref<128x128xf32, #tpu.memory_space<vmem_shared>>)
      tpu.yield
    }) : () -> ()
    %mul3A_22 = arith.constant 640 : i32
    %mul3A_23 = arith.muli %arg1, %mul3A_22 : i32
    %add3A_24 = arith.constant 512 : i32
    %add3A_25 = arith.addi %mul3A_23, %add3A_24 : i32
    "tpu.region"() ({
      %run_scoped3A = tpu.sem_alloc : memref<!tpu.dma_semaphore, #tpu.memory_space<semaphore_mem>>
      %dma_start3A = arith.constant 0 : i32
      %dma_start3A_46 = tpu.memref_slice %arg6[%add3A_25, %dma_start3A] : memref<10240x128xf32, #tpu.memory_space<vmem_shared>> -> memref<128x128xf32, #tpu.memory_space<vmem_shared>>
      %dma_start3A_47 = arith.constant 0 : i32
      %dma_start3A_48 = tpu.memref_slice %arg6[%add3A_25, %dma_start3A_47] : memref<10240x128xf32, #tpu.memory_space<vmem_shared>> -> memref<128x128xf32, #tpu.memory_space<vmem_shared>>
      tpu.enqueue_dma source(%arg5 : memref<128x128xf32, #tpu.memory_space<vmem>>) target(%dma_start3A_48 : memref<128x128xf32, #tpu.memory_space<vmem_shared>>) target_semaphore(%run_scoped3A : memref<!tpu.dma_semaphore, #tpu.memory_space<semaphore_mem>>)
      %dma_wait3A = arith.constant 0 : i32
      %dma_wait3A_49 = tpu.memref_slice %arg6[%add3A_25, %dma_wait3A] : memref<10240x128xf32, #tpu.memory_space<vmem_shared>> -> memref<128x128xf32, #tpu.memory_space<vmem_shared>>
      %dma_wait3A_50 = arith.constant 0 : i32
      %dma_wait3A_51 = tpu.memref_slice %arg6[%add3A_25, %dma_wait3A_50] : memref<10240x128xf32, #tpu.memory_space<vmem_shared>> -> memref<128x128xf32, #tpu.memory_space<vmem_shared>>
      tpu.wait_dma2 semaphore(%run_scoped3A : memref<!tpu.dma_semaphore, #tpu.memory_space<semaphore_mem>>) src(%arg5 : memref<128x128xf32, #tpu.memory_space<vmem>>) dst(%dma_wait3A_51 : memref<128x128xf32, #tpu.memory_space<vmem_shared>>)
      tpu.yield
    }) : () -> ()
    %scan3A_26 = arith.constant 0 : i32
    %scan3A_27 = arith.constant 0 : i32
    %scan3A_28 = arith.constant 128 : i32
    %scan3A_29 = arith.addi %scan3A_27, %scan3A_28 : i32
    %scan3A_30 = arith.constant 1 : i32
    scf.for %scan3A_46 = %scan3A_27 to %scan3A_29 step %scan3A_30  : i32 {
      %broadcast_in_dim3A = arith.constant 1.000000e+00 : f32
      %broadcast_in_dim3A_47 = vector.broadcast %broadcast_in_dim3A : f32 to vector<16xf32>
      %swap3A = arith.index_cast %scan3A_46 : i32 to index
      %swap3A_48 = arith.constant 0 : index
      %swap3A_49 = tpu.vector_load %arg5[%swap3A, %swap3A_48] {strides = array<i32>} : memref<128x128xf32, #tpu.memory_space<vmem>>, vector<1x16xf32>,
      %swap3A_50 = vector.shape_cast %swap3A_49 : vector<1x16xf32> to vector<16xf32>
      %swap3A_51 = vector.shape_cast %broadcast_in_dim3A_47 : vector<16xf32> to vector<1x16xf32>
      tpu.vector_store %arg5[%swap3A, %swap3A_48], %swap3A_51 {strides = array<i32>} : memref<128x128xf32, #tpu.memory_space<vmem>>, vector<1x16xf32>,
      %broadcast_in_dim3A_52 = arith.constant 1.000000e+00 : f32
      %broadcast_in_dim3A_53 = vector.broadcast %broadcast_in_dim3A_52 : f32 to vector<16xf32>
      %swap3A_54 = arith.index_cast %scan3A_46 : i32 to index
      %swap3A_55 = arith.constant 16 : index
      %swap3A_56 = tpu.vector_load %arg5[%swap3A_54, %swap3A_55] {strides = array<i32>} : memref<128x128xf32, #tpu.memory_space<vmem>>, vector<1x16xf32>,
      %swap3A_57 = vector.shape_cast %swap3A_56 : vector<1x16xf32> to vector<16xf32>
      %swap3A_58 = vector.shape_cast %broadcast_in_dim3A_53 : vector<16xf32> to vector<1x16xf32>
      tpu.vector_store %arg5[%swap3A_54, %swap3A_55], %swap3A_58 {strides = array<i32>} : memref<128x128xf32, #tpu.memory_space<vmem>>, vector<1x16xf32>,
      %broadcast_in_dim3A_59 = arith.constant 1.000000e+00 : f32
      %broadcast_in_dim3A_60 = vector.broadcast %broadcast_in_dim3A_59 : f32 to vector<16xf32>
      %swap3A_61 = arith.index_cast %scan3A_46 : i32 to index
      %swap3A_62 = arith.constant 32 : index
      %swap3A_63 = tpu.vector_load %arg5[%swap3A_61, %swap3A_62] {strides = array<i32>} : memref<128x128xf32, #tpu.memory_space<vmem>>, vector<1x16xf32>,
      %swap3A_64 = vector.shape_cast %swap3A_63 : vector<1x16xf32> to vector<16xf32>
      %swap3A_65 = vector.shape_cast %broadcast_in_dim3A_60 : vector<16xf32> to vector<1x16xf32>
      tpu.vector_store %arg5[%swap3A_61, %swap3A_62], %swap3A_65 {strides = array<i32>} : memref<128x128xf32, #tpu.memory_space<vmem>>, vector<1x16xf32>,
      %broadcast_in_dim3A_66 = arith.constant 1.000000e+00 : f32
      %broadcast_in_dim3A_67 = vector.broadcast %broadcast_in_dim3A_66 : f32 to vector<16xf32>
      %swap3A_68 = arith.index_cast %scan3A_46 : i32 to index
      %swap3A_69 = arith.constant 48 : index
      %swap3A_70 = tpu.vector_load %arg5[%swap3A_68, %swap3A_69] {strides = array<i32>} : memref<128x128xf32, #tpu.memory_space<vmem>>, vector<1x16xf32>,
      %swap3A_71 = vector.shape_cast %swap3A_70 : vector<1x16xf32> to vector<16xf32>
      %swap3A_72 = vector.shape_cast %broadcast_in_dim3A_67 : vector<16xf32> to vector<1x16xf32>
      tpu.vector_store %arg5[%swap3A_68, %swap3A_69], %swap3A_72 {strides = array<i32>} : memref<128x128xf32, #tpu.memory_space<vmem>>, vector<1x16xf32>,
      %broadcast_in_dim3A_73 = arith.constant 1.000000e+00 : f32
      %broadcast_in_dim3A_74 = vector.broadcast %broadcast_in_dim3A_73 : f32 to vector<16xf32>
      %swap3A_75 = arith.index_cast %scan3A_46 : i32 to index
      %swap3A_76 = arith.constant 64 : index
      %swap3A_77 = tpu.vector_load %arg5[%swap3A_75, %swap3A_76] {strides = array<i32>} : memref<128x128xf32, #tpu.memory_space<vmem>>, vector<1x16xf32>,
      %swap3A_78 = vector.shape_cast %swap3A_77 : vector<1x16xf32> to vector<16xf32>
      %swap3A_79 = vector.shape_cast %broadcast_in_dim3A_74 : vector<16xf32> to vector<1x16xf32>
      tpu.vector_store %arg5[%swap3A_75, %swap3A_76], %swap3A_79 {strides = array<i32>} : memref<128x128xf32, #tpu.memory_space<vmem>>, vector<1x16xf32>,
      %broadcast_in_dim3A_80 = arith.constant 1.000000e+00 : f32
      %broadcast_in_dim3A_81 = vector.broadcast %broadcast_in_dim3A_80 : f32 to vector<16xf32>
      %swap3A_82 = arith.index_cast %scan3A_46 : i32 to index
      %swap3A_83 = arith.constant 80 : index
      %swap3A_84 = tpu.vector_load %arg5[%swap3A_82, %swap3A_83] {strides = array<i32>} : memref<128x128xf32, #tpu.memory_space<vmem>>, vector<1x16xf32>,
      %swap3A_85 = vector.shape_cast %swap3A_84 : vector<1x16xf32> to vector<16xf32>
      %swap3A_86 = vector.shape_cast %broadcast_in_dim3A_81 : vector<16xf32> to vector<1x16xf32>
      tpu.vector_store %arg5[%swap3A_82, %swap3A_83], %swap3A_86 {strides = array<i32>} : memref<128x128xf32, #tpu.memory_space<vmem>>, vector<1x16xf32>,
      %broadcast_in_dim3A_87 = arith.constant 1.000000e+00 : f32
      %broadcast_in_dim3A_88 = vector.broadcast %broadcast_in_dim3A_87 : f32 to vector<16xf32>
      %swap3A_89 = arith.index_cast %scan3A_46 : i32 to index
      %swap3A_90 = arith.constant 96 : index
      %swap3A_91 = tpu.vector_load %arg5[%swap3A_89, %swap3A_90] {strides = array<i32>} : memref<128x128xf32, #tpu.memory_space<vmem>>, vector<1x16xf32>,
      %swap3A_92 = vector.shape_cast %swap3A_91 : vector<1x16xf32> to vector<16xf32>
      %swap3A_93 = vector.shape_cast %broadcast_in_dim3A_88 : vector<16xf32> to vector<1x16xf32>
      tpu.vector_store %arg5[%swap3A_89, %swap3A_90], %swap3A_93 {strides = array<i32>} : memref<128x128xf32, #tpu.memory_space<vmem>>, vector<1x16xf32>,
      %broadcast_in_dim3A_94 = arith.constant 1.000000e+00 : f32
      %broadcast_in_dim3A_95 = vector.broadcast %broadcast_in_dim3A_94 : f32 to vector<16xf32>
      %swap3A_96 = arith.index_cast %scan3A_46 : i32 to index
      %swap3A_97 = arith.constant 112 : index
      %swap3A_98 = tpu.vector_load %arg5[%swap3A_96, %swap3A_97] {strides = array<i32>} : memref<128x128xf32, #tpu.memory_space<vmem>>, vector<1x16xf32>,
      %swap3A_99 = vector.shape_cast %swap3A_98 : vector<1x16xf32> to vector<16xf32>
      %swap3A_100 = vector.shape_cast %broadcast_in_dim3A_95 : vector<16xf32> to vector<1x16xf32>
      tpu.vector_store %arg5[%swap3A_96, %swap3A_97], %swap3A_100 {strides = array<i32>} : memref<128x128xf32, #tpu.memory_space<vmem>>, vector<1x16xf32>,
    }
    %scan3A_31 = arith.constant 128 : i32
    %barrier3A = arith.constant 0 : index
    tpu.barrier barrier_id(%barrier3A)
    %scan3A_32 = arith.constant 0 : i32
    %scan3A_33 = arith.constant 0 : i32
    %scan3A_34 = arith.constant 79 : i32
    %scan3A_35 = arith.addi %scan3A_33, %scan3A_34 : i32
    %scan3A_36 = arith.constant 1 : i32
    scf.for %scan3A_46 = %scan3A_33 to %scan3A_35 step %scan3A_36  : i32 {
      %mul3A_47 = arith.constant 32 : i32
      %mul3A_48 = arith.muli %scan3A_46, %mul3A_47 : i32
      %add3A_49 = arith.addi %mul3A_48, %add3A : i32
      %lt3A = arith.constant 2500 : i32
      %lt3A_50 = arith.cmpi slt, %add3A_49, %lt3A : i32
      %convert_element_type3A = arith.extui %lt3A_50 : i1 to i32
      %cond3A = arith.constant 0 : i32
      %cond3A_51 = arith.cmpi ne, %convert_element_type3A, %cond3A : i32
      scf.if %cond3A_51 {
        %mul3A_52 = arith.constant 128 : i32
        %mul3A_53 = arith.muli %add3A_49, %mul3A_52 : i32
        "tpu.region"() ({
          %run_scoped3A = tpu.sem_alloc : memref<!tpu.dma_semaphore, #tpu.memory_space<semaphore_mem>>
          %dma_start3A = tpu.memref_slice %arg2[%mul3A_53] : memref<320000xi32, #tpu.memory_space<hbm>> -> memref<128xi32, #tpu.memory_space<hbm>>
          %dma_start3A_54 = tpu.memref_slice %arg2[%mul3A_53] : memref<320000xi32, #tpu.memory_space<hbm>> -> memref<128xi32, #tpu.memory_space<hbm>>
          tpu.enqueue_dma source(%dma_start3A_54 : memref<128xi32, #tpu.memory_space<hbm>>) target(%arg4 : memref<128xi32, #tpu.memory_space<vmem>>) target_semaphore(%run_scoped3A : memref<!tpu.dma_semaphore, #tpu.memory_space<semaphore_mem>>)
          %dma_wait3A = tpu.memref_slice %arg2[%mul3A_53] : memref<320000xi32, #tpu.memory_space<hbm>> -> memref<128xi32, #tpu.memory_space<hbm>>
          %dma_wait3A_55 = tpu.memref_slice %arg2[%mul3A_53] : memref<320000xi32, #tpu.memory_space<hbm>> -> memref<128xi32, #tpu.memory_space<hbm>>
          tpu.wait_dma2 semaphore(%run_scoped3A : memref<!tpu.dma_semaphore, #tpu.memory_space<semaphore_mem>>) src(%dma_wait3A_55 : memref<128xi32, #tpu.memory_space<hbm>>) dst(%arg4 : memref<128xi32, #tpu.memory_space<vmem>>)
          tpu.yield
        }) : () -> ()
        "tpu.region"() ({
          %run_scoped3A = tpu.sem_alloc : memref<!tpu.dma_semaphore, #tpu.memory_space<semaphore_mem>>
          %dma_start3A = arith.constant 0 : i32
          %dma_start3A_54 = arith.constant 0 : i32
          %dma_start3A_55 = tpu.memref_slice %arg6[%dma_start3A, %dma_start3A_54] : memref<10240x128xf32, #tpu.memory_space<vmem_shared>> -> memref<10240x128xf32, #tpu.memory_space<vmem_shared>>
          tpu.enqueue_indirect_dma source(%arg5 : memref<128x128xf32, #tpu.memory_space<vmem>>) target(%dma_start3A_55 : memref<10240x128xf32, #tpu.memory_space<vmem_shared>>) offsets(%arg4 : memref<128xi32, #tpu.memory_space<vmem>>) semaphore(%run_scoped3A : memref<!tpu.dma_semaphore, #tpu.memory_space<semaphore_mem>>) {add = true}
          %dma_wait3A = arith.constant 0 : i32
          %dma_wait3A_56 = arith.constant 0 : i32
          %dma_wait3A_57 = tpu.memref_slice %arg6[%dma_wait3A, %dma_wait3A_56] : memref<10240x128xf32, #tpu.memory_space<vmem_shared>> -> memref<10240x128xf32, #tpu.memory_space<vmem_shared>>
          tpu.wait_indirect_dma semaphore(%run_scoped3A : memref<!tpu.dma_semaphore, #tpu.memory_space<semaphore_mem>>) src(%arg5 : memref<128x128xf32, #tpu.memory_space<vmem>>) dst(%dma_wait3A_57 : memref<10240x128xf32, #tpu.memory_space<vmem_shared>>)
          tpu.yield
        }) : () -> ()
      } else {
      }
    }
    %scan3A_37 = arith.constant 79 : i32
    %barrier3A_38 = arith.constant 0 : index
    tpu.barrier barrier_id(%barrier3A_38)
    %mul3A_39 = arith.constant 640 : i32
    %mul3A_40 = arith.muli %arg1, %mul3A_39 : i32
    %mul3A_41 = arith.constant 10240 : i32
    %mul3A_42 = arith.muli %arg0, %mul3A_41 : i32
    %mul3A_43 = arith.constant 640 : i32
    %mul3A_44 = arith.muli %arg1, %mul3A_43 : i32
    %add3A_45 = arith.addi %mul3A_42, %mul3A_44 : i32
    "tpu.region"() ({
      %run_scoped3A = tpu.sem_alloc : memref<!tpu.dma_semaphore, #tpu.memory_space<semaphore_mem>>
      %dma_start3A = arith.constant 0 : i32
      %dma_start3A_46 = tpu.memref_slice %arg3[%add3A_45, %dma_start3A] : memref<20480x128xf32, #tpu.memory_space<hbm>> -> memref<640x128xf32, #tpu.memory_space<hbm>>
      %dma_start3A_47 = arith.constant 0 : i32
      %dma_start3A_48 = tpu.memref_slice %arg6[%mul3A_40, %dma_start3A_47] : memref<10240x128xf32, #tpu.memory_space<vmem_shared>> -> memref<640x128xf32, #tpu.memory_space<vmem_shared>>
      tpu.enqueue_dma source(%dma_start3A_48 : memref<640x128xf32, #tpu.memory_space<vmem_shared>>) target(%dma_start3A_46 : memref<640x128xf32, #tpu.memory_space<hbm>>) target_semaphore(%run_scoped3A : memref<!tpu.dma_semaphore, #tpu.memory_space<semaphore_mem>>)
      %dma_wait3A = arith.constant 0 : i32
      %dma_wait3A_49 = tpu.memref_slice %arg3[%add3A_45, %dma_wait3A] : memref<20480x128xf32, #tpu.memory_space<hbm>> -> memref<640x128xf32, #tpu.memory_space<hbm>>
      %dma_wait3A_50 = arith.constant 0 : i32
      %dma_wait3A_51 = tpu.memref_slice %arg6[%mul3A_40, %dma_wait3A_50] : memref<10240x128xf32, #tpu.memory_space<vmem_shared>> -> memref<640x128xf32, #tpu.memory_space<vmem_shared>>
      tpu.wait_dma2 semaphore(%run_scoped3A : memref<!tpu.dma_semaphore, #tpu.memory_space<semaphore_mem>>) src(%dma_wait3A_51 : memref<640x128xf32, #tpu.memory_space<vmem_shared>>) dst(%dma_wait3A_49 : memref<640x128xf32, #tpu.memory_space<hbm>>)
      tpu.yield
    }) : () -> ()
    return
  }
}

#map = affine_map<(d0, d1) -> (0, 0)>
#map1 = affine_map<(d0, d1) -> (0)>
module attributes {stable_mosaic.version = 14 : i64} {
  func.func @_agg_body(%arg0: i32, %arg1: i32, %arg2: memref<20000x128xf32, #tpu.memory_space<hbm>>, %arg3: memref<2x327680xi32, #tpu.memory_space<hbm>>, %arg4: memref<327680xi32, #tpu.memory_space<hbm>>, %arg5: memref<20480x128xf32, #tpu.memory_space<hbm>>, %arg6: memref<128xi32, #tpu.memory_space<vmem>>, %arg7: memref<128xi32, #tpu.memory_space<vmem>>, %arg8: memref<128x128xf32, #tpu.memory_space<vmem>>, %arg9: memref<10240x128xf32, #tpu.memory_space<vmem_shared>>, %arg10: memref<!tpu.dma_semaphore, #tpu.memory_space<semaphore_mem>>) attributes {dimension_semantics = [#tpu.dimension_semantics<core_parallel>, #tpu.dimension_semantics<subcore_parallel>], iteration_bounds = array<i64: 2, 16>, scalar_prefetch = 0 : i64, scratch_operands = 5 : i64, tpu.core_type = #tpu.core_type<sc_vector_subcore>, window_params = [{transform_indices = #map}, {transform_indices = #map}, {transform_indices = #map1}, {transform_indices = #map}]} {
    %scan3A = arith.constant 0 : i32
    %scan3A_0 = arith.constant 0 : i32
    %scan3A_1 = arith.constant 128 : i32
    %scan3A_2 = arith.addi %scan3A_0, %scan3A_1 : i32
    %scan3A_3 = arith.constant 1 : i32
    scf.for %scan3A_37 = %scan3A_0 to %scan3A_2 step %scan3A_3  : i32 {
      %broadcast_in_dim3A = arith.constant 0.000000e+00 : f32
      %broadcast_in_dim3A_38 = vector.broadcast %broadcast_in_dim3A : f32 to vector<16xf32>
      %swap3A = arith.index_cast %scan3A_37 : i32 to index
      %swap3A_39 = arith.constant 0 : index
      %swap3A_40 = tpu.vector_load %arg8[%swap3A, %swap3A_39] {strides = array<i32>} : memref<128x128xf32, #tpu.memory_space<vmem>>, vector<1x16xf32>,
      %swap3A_41 = vector.shape_cast %swap3A_40 : vector<1x16xf32> to vector<16xf32>
      %swap3A_42 = vector.shape_cast %broadcast_in_dim3A_38 : vector<16xf32> to vector<1x16xf32>
      tpu.vector_store %arg8[%swap3A, %swap3A_39], %swap3A_42 {strides = array<i32>} : memref<128x128xf32, #tpu.memory_space<vmem>>, vector<1x16xf32>,
      %broadcast_in_dim3A_43 = arith.constant 0.000000e+00 : f32
      %broadcast_in_dim3A_44 = vector.broadcast %broadcast_in_dim3A_43 : f32 to vector<16xf32>
      %swap3A_45 = arith.index_cast %scan3A_37 : i32 to index
      %swap3A_46 = arith.constant 16 : index
      %swap3A_47 = tpu.vector_load %arg8[%swap3A_45, %swap3A_46] {strides = array<i32>} : memref<128x128xf32, #tpu.memory_space<vmem>>, vector<1x16xf32>,
      %swap3A_48 = vector.shape_cast %swap3A_47 : vector<1x16xf32> to vector<16xf32>
      %swap3A_49 = vector.shape_cast %broadcast_in_dim3A_44 : vector<16xf32> to vector<1x16xf32>
      tpu.vector_store %arg8[%swap3A_45, %swap3A_46], %swap3A_49 {strides = array<i32>} : memref<128x128xf32, #tpu.memory_space<vmem>>, vector<1x16xf32>,
      %broadcast_in_dim3A_50 = arith.constant 0.000000e+00 : f32
      %broadcast_in_dim3A_51 = vector.broadcast %broadcast_in_dim3A_50 : f32 to vector<16xf32>
      %swap3A_52 = arith.index_cast %scan3A_37 : i32 to index
      %swap3A_53 = arith.constant 32 : index
      %swap3A_54 = tpu.vector_load %arg8[%swap3A_52, %swap3A_53] {strides = array<i32>} : memref<128x128xf32, #tpu.memory_space<vmem>>, vector<1x16xf32>,
      %swap3A_55 = vector.shape_cast %swap3A_54 : vector<1x16xf32> to vector<16xf32>
      %swap3A_56 = vector.shape_cast %broadcast_in_dim3A_51 : vector<16xf32> to vector<1x16xf32>
      tpu.vector_store %arg8[%swap3A_52, %swap3A_53], %swap3A_56 {strides = array<i32>} : memref<128x128xf32, #tpu.memory_space<vmem>>, vector<1x16xf32>,
      %broadcast_in_dim3A_57 = arith.constant 0.000000e+00 : f32
      %broadcast_in_dim3A_58 = vector.broadcast %broadcast_in_dim3A_57 : f32 to vector<16xf32>
      %swap3A_59 = arith.index_cast %scan3A_37 : i32 to index
      %swap3A_60 = arith.constant 48 : index
      %swap3A_61 = tpu.vector_load %arg8[%swap3A_59, %swap3A_60] {strides = array<i32>} : memref<128x128xf32, #tpu.memory_space<vmem>>, vector<1x16xf32>,
      %swap3A_62 = vector.shape_cast %swap3A_61 : vector<1x16xf32> to vector<16xf32>
      %swap3A_63 = vector.shape_cast %broadcast_in_dim3A_58 : vector<16xf32> to vector<1x16xf32>
      tpu.vector_store %arg8[%swap3A_59, %swap3A_60], %swap3A_63 {strides = array<i32>} : memref<128x128xf32, #tpu.memory_space<vmem>>, vector<1x16xf32>,
      %broadcast_in_dim3A_64 = arith.constant 0.000000e+00 : f32
      %broadcast_in_dim3A_65 = vector.broadcast %broadcast_in_dim3A_64 : f32 to vector<16xf32>
      %swap3A_66 = arith.index_cast %scan3A_37 : i32 to index
      %swap3A_67 = arith.constant 64 : index
      %swap3A_68 = tpu.vector_load %arg8[%swap3A_66, %swap3A_67] {strides = array<i32>} : memref<128x128xf32, #tpu.memory_space<vmem>>, vector<1x16xf32>,
      %swap3A_69 = vector.shape_cast %swap3A_68 : vector<1x16xf32> to vector<16xf32>
      %swap3A_70 = vector.shape_cast %broadcast_in_dim3A_65 : vector<16xf32> to vector<1x16xf32>
      tpu.vector_store %arg8[%swap3A_66, %swap3A_67], %swap3A_70 {strides = array<i32>} : memref<128x128xf32, #tpu.memory_space<vmem>>, vector<1x16xf32>,
      %broadcast_in_dim3A_71 = arith.constant 0.000000e+00 : f32
      %broadcast_in_dim3A_72 = vector.broadcast %broadcast_in_dim3A_71 : f32 to vector<16xf32>
      %swap3A_73 = arith.index_cast %scan3A_37 : i32 to index
      %swap3A_74 = arith.constant 80 : index
      %swap3A_75 = tpu.vector_load %arg8[%swap3A_73, %swap3A_74] {strides = array<i32>} : memref<128x128xf32, #tpu.memory_space<vmem>>, vector<1x16xf32>,
      %swap3A_76 = vector.shape_cast %swap3A_75 : vector<1x16xf32> to vector<16xf32>
      %swap3A_77 = vector.shape_cast %broadcast_in_dim3A_72 : vector<16xf32> to vector<1x16xf32>
      tpu.vector_store %arg8[%swap3A_73, %swap3A_74], %swap3A_77 {strides = array<i32>} : memref<128x128xf32, #tpu.memory_space<vmem>>, vector<1x16xf32>,
      %broadcast_in_dim3A_78 = arith.constant 0.000000e+00 : f32
      %broadcast_in_dim3A_79 = vector.broadcast %broadcast_in_dim3A_78 : f32 to vector<16xf32>
      %swap3A_80 = arith.index_cast %scan3A_37 : i32 to index
      %swap3A_81 = arith.constant 96 : index
      %swap3A_82 = tpu.vector_load %arg8[%swap3A_80, %swap3A_81] {strides = array<i32>} : memref<128x128xf32, #tpu.memory_space<vmem>>, vector<1x16xf32>,
      %swap3A_83 = vector.shape_cast %swap3A_82 : vector<1x16xf32> to vector<16xf32>
      %swap3A_84 = vector.shape_cast %broadcast_in_dim3A_79 : vector<16xf32> to vector<1x16xf32>
      tpu.vector_store %arg8[%swap3A_80, %swap3A_81], %swap3A_84 {strides = array<i32>} : memref<128x128xf32, #tpu.memory_space<vmem>>, vector<1x16xf32>,
      %broadcast_in_dim3A_85 = arith.constant 0.000000e+00 : f32
      %broadcast_in_dim3A_86 = vector.broadcast %broadcast_in_dim3A_85 : f32 to vector<16xf32>
      %swap3A_87 = arith.index_cast %scan3A_37 : i32 to index
      %swap3A_88 = arith.constant 112 : index
      %swap3A_89 = tpu.vector_load %arg8[%swap3A_87, %swap3A_88] {strides = array<i32>} : memref<128x128xf32, #tpu.memory_space<vmem>>, vector<1x16xf32>,
      %swap3A_90 = vector.shape_cast %swap3A_89 : vector<1x16xf32> to vector<16xf32>
      %swap3A_91 = vector.shape_cast %broadcast_in_dim3A_86 : vector<16xf32> to vector<1x16xf32>
      tpu.vector_store %arg8[%swap3A_87, %swap3A_88], %swap3A_91 {strides = array<i32>} : memref<128x128xf32, #tpu.memory_space<vmem>>, vector<1x16xf32>,
    }
    %scan3A_4 = arith.constant 128 : i32
    %mul3A = arith.constant 640 : i32
    %mul3A_5 = arith.muli %arg1, %mul3A : i32
    %add3A = arith.constant 0 : i32
    %add3A_6 = arith.addi %mul3A_5, %add3A : i32
    "tpu.region"() ({
      %run_scoped3A = tpu.sem_alloc : memref<!tpu.dma_semaphore, #tpu.memory_space<semaphore_mem>>
      %dma_start3A = arith.constant 0 : i32
      %dma_start3A_37 = tpu.memref_slice %arg9[%add3A_6, %dma_start3A] : memref<10240x128xf32, #tpu.memory_space<vmem_shared>> -> memref<128x128xf32, #tpu.memory_space<vmem_shared>>
      %dma_start3A_38 = arith.constant 0 : i32
      %dma_start3A_39 = tpu.memref_slice %arg9[%add3A_6, %dma_start3A_38] : memref<10240x128xf32, #tpu.memory_space<vmem_shared>> -> memref<128x128xf32, #tpu.memory_space<vmem_shared>>
      tpu.enqueue_dma source(%arg8 : memref<128x128xf32, #tpu.memory_space<vmem>>) target(%dma_start3A_39 : memref<128x128xf32, #tpu.memory_space<vmem_shared>>) target_semaphore(%run_scoped3A : memref<!tpu.dma_semaphore, #tpu.memory_space<semaphore_mem>>)
      %dma_wait3A = arith.constant 0 : i32
      %dma_wait3A_40 = tpu.memref_slice %arg9[%add3A_6, %dma_wait3A] : memref<10240x128xf32, #tpu.memory_space<vmem_shared>> -> memref<128x128xf32, #tpu.memory_space<vmem_shared>>
      %dma_wait3A_41 = arith.constant 0 : i32
      %dma_wait3A_42 = tpu.memref_slice %arg9[%add3A_6, %dma_wait3A_41] : memref<10240x128xf32, #tpu.memory_space<vmem_shared>> -> memref<128x128xf32, #tpu.memory_space<vmem_shared>>
      tpu.wait_dma2 semaphore(%run_scoped3A : memref<!tpu.dma_semaphore, #tpu.memory_space<semaphore_mem>>) src(%arg8 : memref<128x128xf32, #tpu.memory_space<vmem>>) dst(%dma_wait3A_42 : memref<128x128xf32, #tpu.memory_space<vmem_shared>>)
      tpu.yield
    }) : () -> ()
    %mul3A_7 = arith.constant 640 : i32
    %mul3A_8 = arith.muli %arg1, %mul3A_7 : i32
    %add3A_9 = arith.constant 128 : i32
    %add3A_10 = arith.addi %mul3A_8, %add3A_9 : i32
    "tpu.region"() ({
      %run_scoped3A = tpu.sem_alloc : memref<!tpu.dma_semaphore, #tpu.memory_space<semaphore_mem>>
      %dma_start3A = arith.constant 0 : i32
      %dma_start3A_37 = tpu.memref_slice %arg9[%add3A_10, %dma_start3A] : memref<10240x128xf32, #tpu.memory_space<vmem_shared>> -> memref<128x128xf32, #tpu.memory_space<vmem_shared>>
      %dma_start3A_38 = arith.constant 0 : i32
      %dma_start3A_39 = tpu.memref_slice %arg9[%add3A_10, %dma_start3A_38] : memref<10240x128xf32, #tpu.memory_space<vmem_shared>> -> memref<128x128xf32, #tpu.memory_space<vmem_shared>>
      tpu.enqueue_dma source(%arg8 : memref<128x128xf32, #tpu.memory_space<vmem>>) target(%dma_start3A_39 : memref<128x128xf32, #tpu.memory_space<vmem_shared>>) target_semaphore(%run_scoped3A : memref<!tpu.dma_semaphore, #tpu.memory_space<semaphore_mem>>)
      %dma_wait3A = arith.constant 0 : i32
      %dma_wait3A_40 = tpu.memref_slice %arg9[%add3A_10, %dma_wait3A] : memref<10240x128xf32, #tpu.memory_space<vmem_shared>> -> memref<128x128xf32, #tpu.memory_space<vmem_shared>>
      %dma_wait3A_41 = arith.constant 0 : i32
      %dma_wait3A_42 = tpu.memref_slice %arg9[%add3A_10, %dma_wait3A_41] : memref<10240x128xf32, #tpu.memory_space<vmem_shared>> -> memref<128x128xf32, #tpu.memory_space<vmem_shared>>
      tpu.wait_dma2 semaphore(%run_scoped3A : memref<!tpu.dma_semaphore, #tpu.memory_space<semaphore_mem>>) src(%arg8 : memref<128x128xf32, #tpu.memory_space<vmem>>) dst(%dma_wait3A_42 : memref<128x128xf32, #tpu.memory_space<vmem_shared>>)
      tpu.yield
    }) : () -> ()
    %mul3A_11 = arith.constant 640 : i32
    %mul3A_12 = arith.muli %arg1, %mul3A_11 : i32
    %add3A_13 = arith.constant 256 : i32
    %add3A_14 = arith.addi %mul3A_12, %add3A_13 : i32
    "tpu.region"() ({
      %run_scoped3A = tpu.sem_alloc : memref<!tpu.dma_semaphore, #tpu.memory_space<semaphore_mem>>
      %dma_start3A = arith.constant 0 : i32
      %dma_start3A_37 = tpu.memref_slice %arg9[%add3A_14, %dma_start3A] : memref<10240x128xf32, #tpu.memory_space<vmem_shared>> -> memref<128x128xf32, #tpu.memory_space<vmem_shared>>
      %dma_start3A_38 = arith.constant 0 : i32
      %dma_start3A_39 = tpu.memref_slice %arg9[%add3A_14, %dma_start3A_38] : memref<10240x128xf32, #tpu.memory_space<vmem_shared>> -> memref<128x128xf32, #tpu.memory_space<vmem_shared>>
      tpu.enqueue_dma source(%arg8 : memref<128x128xf32, #tpu.memory_space<vmem>>) target(%dma_start3A_39 : memref<128x128xf32, #tpu.memory_space<vmem_shared>>) target_semaphore(%run_scoped3A : memref<!tpu.dma_semaphore, #tpu.memory_space<semaphore_mem>>)
      %dma_wait3A = arith.constant 0 : i32
      %dma_wait3A_40 = tpu.memref_slice %arg9[%add3A_14, %dma_wait3A] : memref<10240x128xf32, #tpu.memory_space<vmem_shared>> -> memref<128x128xf32, #tpu.memory_space<vmem_shared>>
      %dma_wait3A_41 = arith.constant 0 : i32
      %dma_wait3A_42 = tpu.memref_slice %arg9[%add3A_14, %dma_wait3A_41] : memref<10240x128xf32, #tpu.memory_space<vmem_shared>> -> memref<128x128xf32, #tpu.memory_space<vmem_shared>>
      tpu.wait_dma2 semaphore(%run_scoped3A : memref<!tpu.dma_semaphore, #tpu.memory_space<semaphore_mem>>) src(%arg8 : memref<128x128xf32, #tpu.memory_space<vmem>>) dst(%dma_wait3A_42 : memref<128x128xf32, #tpu.memory_space<vmem_shared>>)
      tpu.yield
    }) : () -> ()
    %mul3A_15 = arith.constant 640 : i32
    %mul3A_16 = arith.muli %arg1, %mul3A_15 : i32
    %add3A_17 = arith.constant 384 : i32
    %add3A_18 = arith.addi %mul3A_16, %add3A_17 : i32
    "tpu.region"() ({
      %run_scoped3A = tpu.sem_alloc : memref<!tpu.dma_semaphore, #tpu.memory_space<semaphore_mem>>
      %dma_start3A = arith.constant 0 : i32
      %dma_start3A_37 = tpu.memref_slice %arg9[%add3A_18, %dma_start3A] : memref<10240x128xf32, #tpu.memory_space<vmem_shared>> -> memref<128x128xf32, #tpu.memory_space<vmem_shared>>
      %dma_start3A_38 = arith.constant 0 : i32
      %dma_start3A_39 = tpu.memref_slice %arg9[%add3A_18, %dma_start3A_38] : memref<10240x128xf32, #tpu.memory_space<vmem_shared>> -> memref<128x128xf32, #tpu.memory_space<vmem_shared>>
      tpu.enqueue_dma source(%arg8 : memref<128x128xf32, #tpu.memory_space<vmem>>) target(%dma_start3A_39 : memref<128x128xf32, #tpu.memory_space<vmem_shared>>) target_semaphore(%run_scoped3A : memref<!tpu.dma_semaphore, #tpu.memory_space<semaphore_mem>>)
      %dma_wait3A = arith.constant 0 : i32
      %dma_wait3A_40 = tpu.memref_slice %arg9[%add3A_18, %dma_wait3A] : memref<10240x128xf32, #tpu.memory_space<vmem_shared>> -> memref<128x128xf32, #tpu.memory_space<vmem_shared>>
      %dma_wait3A_41 = arith.constant 0 : i32
      %dma_wait3A_42 = tpu.memref_slice %arg9[%add3A_18, %dma_wait3A_41] : memref<10240x128xf32, #tpu.memory_space<vmem_shared>> -> memref<128x128xf32, #tpu.memory_space<vmem_shared>>
      tpu.wait_dma2 semaphore(%run_scoped3A : memref<!tpu.dma_semaphore, #tpu.memory_space<semaphore_mem>>) src(%arg8 : memref<128x128xf32, #tpu.memory_space<vmem>>) dst(%dma_wait3A_42 : memref<128x128xf32, #tpu.memory_space<vmem_shared>>)
      tpu.yield
    }) : () -> ()
    %mul3A_19 = arith.constant 640 : i32
    %mul3A_20 = arith.muli %arg1, %mul3A_19 : i32
    %add3A_21 = arith.constant 512 : i32
    %add3A_22 = arith.addi %mul3A_20, %add3A_21 : i32
    "tpu.region"() ({
      %run_scoped3A = tpu.sem_alloc : memref<!tpu.dma_semaphore, #tpu.memory_space<semaphore_mem>>
      %dma_start3A = arith.constant 0 : i32
      %dma_start3A_37 = tpu.memref_slice %arg9[%add3A_22, %dma_start3A] : memref<10240x128xf32, #tpu.memory_space<vmem_shared>> -> memref<128x128xf32, #tpu.memory_space<vmem_shared>>
      %dma_start3A_38 = arith.constant 0 : i32
      %dma_start3A_39 = tpu.memref_slice %arg9[%add3A_22, %dma_start3A_38] : memref<10240x128xf32, #tpu.memory_space<vmem_shared>> -> memref<128x128xf32, #tpu.memory_space<vmem_shared>>
      tpu.enqueue_dma source(%arg8 : memref<128x128xf32, #tpu.memory_space<vmem>>) target(%dma_start3A_39 : memref<128x128xf32, #tpu.memory_space<vmem_shared>>) target_semaphore(%run_scoped3A : memref<!tpu.dma_semaphore, #tpu.memory_space<semaphore_mem>>)
      %dma_wait3A = arith.constant 0 : i32
      %dma_wait3A_40 = tpu.memref_slice %arg9[%add3A_22, %dma_wait3A] : memref<10240x128xf32, #tpu.memory_space<vmem_shared>> -> memref<128x128xf32, #tpu.memory_space<vmem_shared>>
      %dma_wait3A_41 = arith.constant 0 : i32
      %dma_wait3A_42 = tpu.memref_slice %arg9[%add3A_22, %dma_wait3A_41] : memref<10240x128xf32, #tpu.memory_space<vmem_shared>> -> memref<128x128xf32, #tpu.memory_space<vmem_shared>>
      tpu.wait_dma2 semaphore(%run_scoped3A : memref<!tpu.dma_semaphore, #tpu.memory_space<semaphore_mem>>) src(%arg8 : memref<128x128xf32, #tpu.memory_space<vmem>>) dst(%dma_wait3A_42 : memref<128x128xf32, #tpu.memory_space<vmem_shared>>)
      tpu.yield
    }) : () -> ()
    %barrier3A = arith.constant 0 : index
    tpu.barrier barrier_id(%barrier3A)
    %scan3A_23 = arith.constant 0 : i32
    %scan3A_24 = arith.constant 0 : i32
    %scan3A_25 = arith.constant 160 : i32
    %scan3A_26 = arith.addi %scan3A_24, %scan3A_25 : i32
    %scan3A_27 = arith.constant 1 : i32
    scf.for %scan3A_37 = %scan3A_24 to %scan3A_26 step %scan3A_27  : i32 {
      %mul3A_38 = arith.constant 16 : i32
      %mul3A_39 = arith.muli %scan3A_37, %mul3A_38 : i32
      %add3A_40 = arith.addi %mul3A_39, %arg1 : i32
      %mul3A_41 = arith.constant 128 : i32
      %mul3A_42 = arith.muli %add3A_40, %mul3A_41 : i32
      "tpu.region"() ({
        %run_scoped3A = tpu.sem_alloc : memref<!tpu.dma_semaphore, #tpu.memory_space<semaphore_mem>>
        %dma_start3A_49 = tpu.memref_slice %arg3[%arg0, %mul3A_42] : memref<2x327680xi32, #tpu.memory_space<hbm>> -> memref<1x128xi32, #tpu.memory_space<hbm>>
        %dma_start3A_50 = tpu.memref_squeeze %dma_start3A_49 : memref<1x128xi32, #tpu.memory_space<hbm>> -> memref<128xi32, #tpu.memory_space<hbm>>
        %dma_start3A_51 = tpu.memref_slice %arg3[%arg0, %mul3A_42] : memref<2x327680xi32, #tpu.memory_space<hbm>> -> memref<1x128xi32, #tpu.memory_space<hbm>>
        %dma_start3A_52 = tpu.memref_squeeze %dma_start3A_51 : memref<1x128xi32, #tpu.memory_space<hbm>> -> memref<128xi32, #tpu.memory_space<hbm>>
        tpu.enqueue_dma source(%dma_start3A_52 : memref<128xi32, #tpu.memory_space<hbm>>) target(%arg6 : memref<128xi32, #tpu.memory_space<vmem>>) target_semaphore(%run_scoped3A : memref<!tpu.dma_semaphore, #tpu.memory_space<semaphore_mem>>)
        %dma_wait3A_53 = tpu.memref_slice %arg3[%arg0, %mul3A_42] : memref<2x327680xi32, #tpu.memory_space<hbm>> -> memref<1x128xi32, #tpu.memory_space<hbm>>
        %dma_wait3A_54 = tpu.memref_squeeze %dma_wait3A_53 : memref<1x128xi32, #tpu.memory_space<hbm>> -> memref<128xi32, #tpu.memory_space<hbm>>
        %dma_wait3A_55 = tpu.memref_slice %arg3[%arg0, %mul3A_42] : memref<2x327680xi32, #tpu.memory_space<hbm>> -> memref<1x128xi32, #tpu.memory_space<hbm>>
        %dma_wait3A_56 = tpu.memref_squeeze %dma_wait3A_55 : memref<1x128xi32, #tpu.memory_space<hbm>> -> memref<128xi32, #tpu.memory_space<hbm>>
        tpu.wait_dma2 semaphore(%run_scoped3A : memref<!tpu.dma_semaphore, #tpu.memory_space<semaphore_mem>>) src(%dma_wait3A_56 : memref<128xi32, #tpu.memory_space<hbm>>) dst(%arg6 : memref<128xi32, #tpu.memory_space<vmem>>)
        tpu.yield
      }) : () -> ()
      %mul3A_43 = arith.constant 128 : i32
      %mul3A_44 = arith.muli %add3A_40, %mul3A_43 : i32
      "tpu.region"() ({
        %run_scoped3A = tpu.sem_alloc : memref<!tpu.dma_semaphore, #tpu.memory_space<semaphore_mem>>
        %dma_start3A_49 = tpu.memref_slice %arg4[%mul3A_44] : memref<327680xi32, #tpu.memory_space<hbm>> -> memref<128xi32, #tpu.memory_space<hbm>>
        %dma_start3A_50 = tpu.memref_slice %arg4[%mul3A_44] : memref<327680xi32, #tpu.memory_space<hbm>> -> memref<128xi32, #tpu.memory_space<hbm>>
        tpu.enqueue_dma source(%dma_start3A_50 : memref<128xi32, #tpu.memory_space<hbm>>) target(%arg7 : memref<128xi32, #tpu.memory_space<vmem>>) target_semaphore(%run_scoped3A : memref<!tpu.dma_semaphore, #tpu.memory_space<semaphore_mem>>)
        %dma_wait3A_51 = tpu.memref_slice %arg4[%mul3A_44] : memref<327680xi32, #tpu.memory_space<hbm>> -> memref<128xi32, #tpu.memory_space<hbm>>
        %dma_wait3A_52 = tpu.memref_slice %arg4[%mul3A_44] : memref<327680xi32, #tpu.memory_space<hbm>> -> memref<128xi32, #tpu.memory_space<hbm>>
        tpu.wait_dma2 semaphore(%run_scoped3A : memref<!tpu.dma_semaphore, #tpu.memory_space<semaphore_mem>>) src(%dma_wait3A_52 : memref<128xi32, #tpu.memory_space<hbm>>) dst(%arg7 : memref<128xi32, #tpu.memory_space<vmem>>)
        tpu.yield
      }) : () -> ()
      %dma_start3A = arith.constant 0 : i32
      %dma_start3A_45 = arith.constant 0 : i32
      %dma_start3A_46 = tpu.memref_slice %arg2[%dma_start3A, %dma_start3A_45] : memref<20000x128xf32, #tpu.memory_space<hbm>> -> memref<20000x128xf32, #tpu.memory_space<hbm>>
      tpu.enqueue_indirect_dma source(%dma_start3A_46 : memref<20000x128xf32, #tpu.memory_space<hbm>>) target(%arg8 : memref<128x128xf32, #tpu.memory_space<vmem>>) offsets(%arg6 : memref<128xi32, #tpu.memory_space<vmem>>) semaphore(%arg10 : memref<!tpu.dma_semaphore, #tpu.memory_space<semaphore_mem>>)
      %dma_wait3A = arith.constant 0 : i32
      %dma_wait3A_47 = arith.constant 0 : i32
      %dma_wait3A_48 = tpu.memref_slice %arg2[%dma_wait3A, %dma_wait3A_47] : memref<20000x128xf32, #tpu.memory_space<hbm>> -> memref<20000x128xf32, #tpu.memory_space<hbm>>
      tpu.wait_indirect_dma semaphore(%arg10 : memref<!tpu.dma_semaphore, #tpu.memory_space<semaphore_mem>>) src(%dma_wait3A_48 : memref<20000x128xf32, #tpu.memory_space<hbm>>) dst(%arg8 : memref<128x128xf32, #tpu.memory_space<vmem>>)
      "tpu.region"() ({
        %run_scoped3A = tpu.sem_alloc : memref<!tpu.dma_semaphore, #tpu.memory_space<semaphore_mem>>
        %dma_start3A_49 = arith.constant 0 : i32
        %dma_start3A_50 = arith.constant 0 : i32
        %dma_start3A_51 = tpu.memref_slice %arg9[%dma_start3A_49, %dma_start3A_50] : memref<10240x128xf32, #tpu.memory_space<vmem_shared>> -> memref<10240x128xf32, #tpu.memory_space<vmem_shared>>
        tpu.enqueue_indirect_dma source(%arg8 : memref<128x128xf32, #tpu.memory_space<vmem>>) target(%dma_start3A_51 : memref<10240x128xf32, #tpu.memory_space<vmem_shared>>) offsets(%arg7 : memref<128xi32, #tpu.memory_space<vmem>>) semaphore(%run_scoped3A : memref<!tpu.dma_semaphore, #tpu.memory_space<semaphore_mem>>) {add = true}
        %dma_wait3A_52 = arith.constant 0 : i32
        %dma_wait3A_53 = arith.constant 0 : i32
        %dma_wait3A_54 = tpu.memref_slice %arg9[%dma_wait3A_52, %dma_wait3A_53] : memref<10240x128xf32, #tpu.memory_space<vmem_shared>> -> memref<10240x128xf32, #tpu.memory_space<vmem_shared>>
        tpu.wait_indirect_dma semaphore(%run_scoped3A : memref<!tpu.dma_semaphore, #tpu.memory_space<semaphore_mem>>) src(%arg8 : memref<128x128xf32, #tpu.memory_space<vmem>>) dst(%dma_wait3A_54 : memref<10240x128xf32, #tpu.memory_space<vmem_shared>>)
        tpu.yield
      }) : () -> ()
    }
    %scan3A_28 = arith.constant 160 : i32
    %barrier3A_29 = arith.constant 0 : index
    tpu.barrier barrier_id(%barrier3A_29)
    %mul3A_30 = arith.constant 640 : i32
    %mul3A_31 = arith.muli %arg1, %mul3A_30 : i32
    %mul3A_32 = arith.constant 10240 : i32
    %mul3A_33 = arith.muli %arg0, %mul3A_32 : i32
    %mul3A_34 = arith.constant 640 : i32
    %mul3A_35 = arith.muli %arg1, %mul3A_34 : i32
    %add3A_36 = arith.addi %mul3A_33, %mul3A_35 : i32
    "tpu.region"() ({
      %run_scoped3A = tpu.sem_alloc : memref<!tpu.dma_semaphore, #tpu.memory_space<semaphore_mem>>
      %dma_start3A = arith.constant 0 : i32
      %dma_start3A_37 = tpu.memref_slice %arg5[%add3A_36, %dma_start3A] : memref<20480x128xf32, #tpu.memory_space<hbm>> -> memref<640x128xf32, #tpu.memory_space<hbm>>
      %dma_start3A_38 = arith.constant 0 : i32
      %dma_start3A_39 = tpu.memref_slice %arg9[%mul3A_31, %dma_start3A_38] : memref<10240x128xf32, #tpu.memory_space<vmem_shared>> -> memref<640x128xf32, #tpu.memory_space<vmem_shared>>
      tpu.enqueue_dma source(%dma_start3A_39 : memref<640x128xf32, #tpu.memory_space<vmem_shared>>) target(%dma_start3A_37 : memref<640x128xf32, #tpu.memory_space<hbm>>) target_semaphore(%run_scoped3A : memref<!tpu.dma_semaphore, #tpu.memory_space<semaphore_mem>>)
      %dma_wait3A = arith.constant 0 : i32
      %dma_wait3A_40 = tpu.memref_slice %arg5[%add3A_36, %dma_wait3A] : memref<20480x128xf32, #tpu.memory_space<hbm>> -> memref<640x128xf32, #tpu.memory_space<hbm>>
      %dma_wait3A_41 = arith.constant 0 : i32
      %dma_wait3A_42 = tpu.memref_slice %arg9[%mul3A_31, %dma_wait3A_41] : memref<10240x128xf32, #tpu.memory_space<vmem_shared>> -> memref<640x128xf32, #tpu.memory_space<vmem_shared>>
      tpu.wait_dma2 semaphore(%run_scoped3A : memref<!tpu.dma_semaphore, #tpu.memory_space<semaphore_mem>>) src(%dma_wait3A_42 : memref<640x128xf32, #tpu.memory_space<vmem_shared>>) dst(%dma_wait3A_40 : memref<640x128xf32, #tpu.memory_space<hbm>>)
      tpu.yield
    }) : () -> ()
    return
  }
}

#map = affine_map<(d0, d1) -> (0, 0)>
module attributes {stable_mosaic.version = 14 : i64} {
  func.func @_pair_body(%arg0: i32, %arg1: i32, %arg2: memref<20000x128xf32, #tpu.memory_space<hbm>>, %arg3: memref<2x106496xi32, #tpu.memory_space<hbm>>, %arg4: memref<2x106496xi32, #tpu.memory_space<hbm>>, %arg5: memref<106496x128xf32, #tpu.memory_space<hbm>>, %arg6: memref<106496x128xf32, #tpu.memory_space<hbm>>, %arg7: memref<128xi32, #tpu.memory_space<vmem>>, %arg8: memref<128xi32, #tpu.memory_space<vmem>>, %arg9: memref<128x128xf32, #tpu.memory_space<vmem>>, %arg10: memref<128x128xf32, #tpu.memory_space<vmem>>, %arg11: memref<!tpu.dma_semaphore, #tpu.memory_space<semaphore_mem>>, %arg12: memref<!tpu.dma_semaphore, #tpu.memory_space<semaphore_mem>>) attributes {dimension_semantics = [#tpu.dimension_semantics<core_parallel>, #tpu.dimension_semantics<subcore_parallel>], iteration_bounds = array<i64: 2, 16>, scalar_prefetch = 0 : i64, scratch_operands = 6 : i64, tpu.core_type = #tpu.core_type<sc_vector_subcore>, window_params = [{transform_indices = #map}, {transform_indices = #map}, {transform_indices = #map}, {transform_indices = #map}, {transform_indices = #map}]} {
    %scan3A = arith.constant 0 : i32
    %scan3A_0 = arith.constant 0 : i32
    %scan3A_1 = arith.constant 26 : i32
    %scan3A_2 = arith.addi %scan3A_0, %scan3A_1 : i32
    %scan3A_3 = arith.constant 1 : i32
    scf.for %scan3A_5 = %scan3A_0 to %scan3A_2 step %scan3A_3  : i32 {
      %mul3A = arith.constant 16 : i32
      %mul3A_6 = arith.muli %scan3A_5, %mul3A : i32
      %add3A = arith.addi %mul3A_6, %arg1 : i32
      %add3A_7 = arith.constant 416 : i32
      %add3A_8 = arith.addi %add3A_7, %add3A : i32
      %mul3A_9 = arith.constant 128 : i32
      %mul3A_10 = arith.muli %add3A_8, %mul3A_9 : i32
      "tpu.region"() ({
        %run_scoped3A = tpu.sem_alloc : memref<!tpu.dma_semaphore, #tpu.memory_space<semaphore_mem>>
        %dma_start3A_33 = tpu.memref_slice %arg3[%arg0, %mul3A_10] : memref<2x106496xi32, #tpu.memory_space<hbm>> -> memref<1x128xi32, #tpu.memory_space<hbm>>
        %dma_start3A_34 = tpu.memref_squeeze %dma_start3A_33 : memref<1x128xi32, #tpu.memory_space<hbm>> -> memref<128xi32, #tpu.memory_space<hbm>>
        %dma_start3A_35 = tpu.memref_slice %arg3[%arg0, %mul3A_10] : memref<2x106496xi32, #tpu.memory_space<hbm>> -> memref<1x128xi32, #tpu.memory_space<hbm>>
        %dma_start3A_36 = tpu.memref_squeeze %dma_start3A_35 : memref<1x128xi32, #tpu.memory_space<hbm>> -> memref<128xi32, #tpu.memory_space<hbm>>
        tpu.enqueue_dma source(%dma_start3A_36 : memref<128xi32, #tpu.memory_space<hbm>>) target(%arg7 : memref<128xi32, #tpu.memory_space<vmem>>) target_semaphore(%run_scoped3A : memref<!tpu.dma_semaphore, #tpu.memory_space<semaphore_mem>>)
        %dma_wait3A_37 = tpu.memref_slice %arg3[%arg0, %mul3A_10] : memref<2x106496xi32, #tpu.memory_space<hbm>> -> memref<1x128xi32, #tpu.memory_space<hbm>>
        %dma_wait3A_38 = tpu.memref_squeeze %dma_wait3A_37 : memref<1x128xi32, #tpu.memory_space<hbm>> -> memref<128xi32, #tpu.memory_space<hbm>>
        %dma_wait3A_39 = tpu.memref_slice %arg3[%arg0, %mul3A_10] : memref<2x106496xi32, #tpu.memory_space<hbm>> -> memref<1x128xi32, #tpu.memory_space<hbm>>
        %dma_wait3A_40 = tpu.memref_squeeze %dma_wait3A_39 : memref<1x128xi32, #tpu.memory_space<hbm>> -> memref<128xi32, #tpu.memory_space<hbm>>
        tpu.wait_dma2 semaphore(%run_scoped3A : memref<!tpu.dma_semaphore, #tpu.memory_space<semaphore_mem>>) src(%dma_wait3A_40 : memref<128xi32, #tpu.memory_space<hbm>>) dst(%arg7 : memref<128xi32, #tpu.memory_space<vmem>>)
        tpu.yield
      }) : () -> ()
      %mul3A_11 = arith.constant 128 : i32
      %mul3A_12 = arith.muli %add3A_8, %mul3A_11 : i32
      "tpu.region"() ({
        %run_scoped3A = tpu.sem_alloc : memref<!tpu.dma_semaphore, #tpu.memory_space<semaphore_mem>>
        %dma_start3A_33 = tpu.memref_slice %arg4[%arg0, %mul3A_12] : memref<2x106496xi32, #tpu.memory_space<hbm>> -> memref<1x128xi32, #tpu.memory_space<hbm>>
        %dma_start3A_34 = tpu.memref_squeeze %dma_start3A_33 : memref<1x128xi32, #tpu.memory_space<hbm>> -> memref<128xi32, #tpu.memory_space<hbm>>
        %dma_start3A_35 = tpu.memref_slice %arg4[%arg0, %mul3A_12] : memref<2x106496xi32, #tpu.memory_space<hbm>> -> memref<1x128xi32, #tpu.memory_space<hbm>>
        %dma_start3A_36 = tpu.memref_squeeze %dma_start3A_35 : memref<1x128xi32, #tpu.memory_space<hbm>> -> memref<128xi32, #tpu.memory_space<hbm>>
        tpu.enqueue_dma source(%dma_start3A_36 : memref<128xi32, #tpu.memory_space<hbm>>) target(%arg8 : memref<128xi32, #tpu.memory_space<vmem>>) target_semaphore(%run_scoped3A : memref<!tpu.dma_semaphore, #tpu.memory_space<semaphore_mem>>)
        %dma_wait3A_37 = tpu.memref_slice %arg4[%arg0, %mul3A_12] : memref<2x106496xi32, #tpu.memory_space<hbm>> -> memref<1x128xi32, #tpu.memory_space<hbm>>
        %dma_wait3A_38 = tpu.memref_squeeze %dma_wait3A_37 : memref<1x128xi32, #tpu.memory_space<hbm>> -> memref<128xi32, #tpu.memory_space<hbm>>
        %dma_wait3A_39 = tpu.memref_slice %arg4[%arg0, %mul3A_12] : memref<2x106496xi32, #tpu.memory_space<hbm>> -> memref<1x128xi32, #tpu.memory_space<hbm>>
        %dma_wait3A_40 = tpu.memref_squeeze %dma_wait3A_39 : memref<1x128xi32, #tpu.memory_space<hbm>> -> memref<128xi32, #tpu.memory_space<hbm>>
        tpu.wait_dma2 semaphore(%run_scoped3A : memref<!tpu.dma_semaphore, #tpu.memory_space<semaphore_mem>>) src(%dma_wait3A_40 : memref<128xi32, #tpu.memory_space<hbm>>) dst(%arg8 : memref<128xi32, #tpu.memory_space<vmem>>)
        tpu.yield
      }) : () -> ()
      %dma_start3A = arith.constant 0 : i32
      %dma_start3A_13 = arith.constant 0 : i32
      %dma_start3A_14 = tpu.memref_slice %arg2[%dma_start3A, %dma_start3A_13] : memref<20000x128xf32, #tpu.memory_space<hbm>> -> memref<20000x128xf32, #tpu.memory_space<hbm>>
      tpu.enqueue_indirect_dma source(%dma_start3A_14 : memref<20000x128xf32, #tpu.memory_space<hbm>>) target(%arg9 : memref<128x128xf32, #tpu.memory_space<vmem>>) offsets(%arg7 : memref<128xi32, #tpu.memory_space<vmem>>) semaphore(%arg11 : memref<!tpu.dma_semaphore, #tpu.memory_space<semaphore_mem>>)
      %dma_start3A_15 = arith.constant 0 : i32
      %dma_start3A_16 = arith.constant 0 : i32
      %dma_start3A_17 = tpu.memref_slice %arg2[%dma_start3A_15, %dma_start3A_16] : memref<20000x128xf32, #tpu.memory_space<hbm>> -> memref<20000x128xf32, #tpu.memory_space<hbm>>
      tpu.enqueue_indirect_dma source(%dma_start3A_17 : memref<20000x128xf32, #tpu.memory_space<hbm>>) target(%arg10 : memref<128x128xf32, #tpu.memory_space<vmem>>) offsets(%arg8 : memref<128xi32, #tpu.memory_space<vmem>>) semaphore(%arg12 : memref<!tpu.dma_semaphore, #tpu.memory_space<semaphore_mem>>)
      %dma_wait3A = arith.constant 0 : i32
      %dma_wait3A_18 = arith.constant 0 : i32
      %dma_wait3A_19 = tpu.memref_slice %arg2[%dma_wait3A, %dma_wait3A_18] : memref<20000x128xf32, #tpu.memory_space<hbm>> -> memref<20000x128xf32, #tpu.memory_space<hbm>>
      tpu.wait_indirect_dma semaphore(%arg11 : memref<!tpu.dma_semaphore, #tpu.memory_space<semaphore_mem>>) src(%dma_wait3A_19 : memref<20000x128xf32, #tpu.memory_space<hbm>>) dst(%arg9 : memref<128x128xf32, #tpu.memory_space<vmem>>)
      %dma_wait3A_20 = arith.constant 0 : i32
      %dma_wait3A_21 = arith.constant 0 : i32
      %dma_wait3A_22 = tpu.memref_slice %arg2[%dma_wait3A_20, %dma_wait3A_21] : memref<20000x128xf32, #tpu.memory_space<hbm>> -> memref<20000x128xf32, #tpu.memory_space<hbm>>
      tpu.wait_indirect_dma semaphore(%arg12 : memref<!tpu.dma_semaphore, #tpu.memory_space<semaphore_mem>>) src(%dma_wait3A_22 : memref<20000x128xf32, #tpu.memory_space<hbm>>) dst(%arg10 : memref<128x128xf32, #tpu.memory_space<vmem>>)
      %mul3A_23 = arith.constant 53248 : i32
      %mul3A_24 = arith.muli %arg0, %mul3A_23 : i32
      %mul3A_25 = arith.constant 128 : i32
      %mul3A_26 = arith.muli %add3A, %mul3A_25 : i32
      %add3A_27 = arith.addi %mul3A_24, %mul3A_26 : i32
      "tpu.region"() ({
        %run_scoped3A = tpu.sem_alloc : memref<!tpu.dma_semaphore, #tpu.memory_space<semaphore_mem>>
        %dma_start3A_33 = arith.constant 0 : i32
        %dma_start3A_34 = tpu.memref_slice %arg5[%add3A_27, %dma_start3A_33] : memref<106496x128xf32, #tpu.memory_space<hbm>> -> memref<128x128xf32, #tpu.memory_space<hbm>>
        %dma_start3A_35 = arith.constant 0 : i32
        %dma_start3A_36 = tpu.memref_slice %arg5[%add3A_27, %dma_start3A_35] : memref<106496x128xf32, #tpu.memory_space<hbm>> -> memref<128x128xf32, #tpu.memory_space<hbm>>
        tpu.enqueue_dma source(%arg9 : memref<128x128xf32, #tpu.memory_space<vmem>>) target(%dma_start3A_36 : memref<128x128xf32, #tpu.memory_space<hbm>>) target_semaphore(%run_scoped3A : memref<!tpu.dma_semaphore, #tpu.memory_space<semaphore_mem>>)
        %dma_wait3A_37 = arith.constant 0 : i32
        %dma_wait3A_38 = tpu.memref_slice %arg5[%add3A_27, %dma_wait3A_37] : memref<106496x128xf32, #tpu.memory_space<hbm>> -> memref<128x128xf32, #tpu.memory_space<hbm>>
        %dma_wait3A_39 = arith.constant 0 : i32
        %dma_wait3A_40 = tpu.memref_slice %arg5[%add3A_27, %dma_wait3A_39] : memref<106496x128xf32, #tpu.memory_space<hbm>> -> memref<128x128xf32, #tpu.memory_space<hbm>>
        tpu.wait_dma2 semaphore(%run_scoped3A : memref<!tpu.dma_semaphore, #tpu.memory_space<semaphore_mem>>) src(%arg9 : memref<128x128xf32, #tpu.memory_space<vmem>>) dst(%dma_wait3A_40 : memref<128x128xf32, #tpu.memory_space<hbm>>)
        tpu.yield
      }) : () -> ()
      %mul3A_28 = arith.constant 53248 : i32
      %mul3A_29 = arith.muli %arg0, %mul3A_28 : i32
      %mul3A_30 = arith.constant 128 : i32
      %mul3A_31 = arith.muli %add3A, %mul3A_30 : i32
      %add3A_32 = arith.addi %mul3A_29, %mul3A_31 : i32
      "tpu.region"() ({
        %run_scoped3A = tpu.sem_alloc : memref<!tpu.dma_semaphore, #tpu.memory_space<semaphore_mem>>
        %dma_start3A_33 = arith.constant 0 : i32
        %dma_start3A_34 = tpu.memref_slice %arg6[%add3A_32, %dma_start3A_33] : memref<106496x128xf32, #tpu.memory_space<hbm>> -> memref<128x128xf32, #tpu.memory_space<hbm>>
        %dma_start3A_35 = arith.constant 0 : i32
        %dma_start3A_36 = tpu.memref_slice %arg6[%add3A_32, %dma_start3A_35] : memref<106496x128xf32, #tpu.memory_space<hbm>> -> memref<128x128xf32, #tpu.memory_space<hbm>>
        tpu.enqueue_dma source(%arg10 : memref<128x128xf32, #tpu.memory_space<vmem>>) target(%dma_start3A_36 : memref<128x128xf32, #tpu.memory_space<hbm>>) target_semaphore(%run_scoped3A : memref<!tpu.dma_semaphore, #tpu.memory_space<semaphore_mem>>)
        %dma_wait3A_37 = arith.constant 0 : i32
        %dma_wait3A_38 = tpu.memref_slice %arg6[%add3A_32, %dma_wait3A_37] : memref<106496x128xf32, #tpu.memory_space<hbm>> -> memref<128x128xf32, #tpu.memory_space<hbm>>
        %dma_wait3A_39 = arith.constant 0 : i32
        %dma_wait3A_40 = tpu.memref_slice %arg6[%add3A_32, %dma_wait3A_39] : memref<106496x128xf32, #tpu.memory_space<hbm>> -> memref<128x128xf32, #tpu.memory_space<hbm>>
        tpu.wait_dma2 semaphore(%run_scoped3A : memref<!tpu.dma_semaphore, #tpu.memory_space<semaphore_mem>>) src(%arg10 : memref<128x128xf32, #tpu.memory_space<vmem>>) dst(%dma_wait3A_40 : memref<128x128xf32, #tpu.memory_space<hbm>>)
        tpu.yield
      }) : () -> ()
    }
    %scan3A_4 = arith.constant 26 : i32
    return
  }
}

#map = affine_map<(d0, d1) -> (0, 0)>
module attributes {stable_mosaic.version = 14 : i64} {
  func.func @_pair_body(%arg0: i32, %arg1: i32, %arg2: memref<20000x128xf32, #tpu.memory_space<hbm>>, %arg3: memref<2x106496xi32, #tpu.memory_space<hbm>>, %arg4: memref<2x106496xi32, #tpu.memory_space<hbm>>, %arg5: memref<106496x128xf32, #tpu.memory_space<hbm>>, %arg6: memref<106496x128xf32, #tpu.memory_space<hbm>>, %arg7: memref<128xi32, #tpu.memory_space<vmem>>, %arg8: memref<128xi32, #tpu.memory_space<vmem>>, %arg9: memref<128x128xf32, #tpu.memory_space<vmem>>, %arg10: memref<128x128xf32, #tpu.memory_space<vmem>>, %arg11: memref<!tpu.dma_semaphore, #tpu.memory_space<semaphore_mem>>, %arg12: memref<!tpu.dma_semaphore, #tpu.memory_space<semaphore_mem>>) attributes {dimension_semantics = [#tpu.dimension_semantics<core_parallel>, #tpu.dimension_semantics<subcore_parallel>], iteration_bounds = array<i64: 2, 16>, scalar_prefetch = 0 : i64, scratch_operands = 6 : i64, tpu.core_type = #tpu.core_type<sc_vector_subcore>, window_params = [{transform_indices = #map}, {transform_indices = #map}, {transform_indices = #map}, {transform_indices = #map}, {transform_indices = #map}]} {
    %scan3A = arith.constant 0 : i32
    %scan3A_0 = arith.constant 0 : i32
    %scan3A_1 = arith.constant 26 : i32
    %scan3A_2 = arith.addi %scan3A_0, %scan3A_1 : i32
    %scan3A_3 = arith.constant 1 : i32
    scf.for %scan3A_5 = %scan3A_0 to %scan3A_2 step %scan3A_3  : i32 {
      %mul3A = arith.constant 16 : i32
      %mul3A_6 = arith.muli %scan3A_5, %mul3A : i32
      %add3A = arith.addi %mul3A_6, %arg1 : i32
      %add3A_7 = arith.constant 0 : i32
      %add3A_8 = arith.addi %add3A_7, %add3A : i32
      %mul3A_9 = arith.constant 128 : i32
      %mul3A_10 = arith.muli %add3A_8, %mul3A_9 : i32
      "tpu.region"() ({
        %run_scoped3A = tpu.sem_alloc : memref<!tpu.dma_semaphore, #tpu.memory_space<semaphore_mem>>
        %dma_start3A_33 = tpu.memref_slice %arg3[%arg0, %mul3A_10] : memref<2x106496xi32, #tpu.memory_space<hbm>> -> memref<1x128xi32, #tpu.memory_space<hbm>>
        %dma_start3A_34 = tpu.memref_squeeze %dma_start3A_33 : memref<1x128xi32, #tpu.memory_space<hbm>> -> memref<128xi32, #tpu.memory_space<hbm>>
        %dma_start3A_35 = tpu.memref_slice %arg3[%arg0, %mul3A_10] : memref<2x106496xi32, #tpu.memory_space<hbm>> -> memref<1x128xi32, #tpu.memory_space<hbm>>
        %dma_start3A_36 = tpu.memref_squeeze %dma_start3A_35 : memref<1x128xi32, #tpu.memory_space<hbm>> -> memref<128xi32, #tpu.memory_space<hbm>>
        tpu.enqueue_dma source(%dma_start3A_36 : memref<128xi32, #tpu.memory_space<hbm>>) target(%arg7 : memref<128xi32, #tpu.memory_space<vmem>>) target_semaphore(%run_scoped3A : memref<!tpu.dma_semaphore, #tpu.memory_space<semaphore_mem>>)
        %dma_wait3A_37 = tpu.memref_slice %arg3[%arg0, %mul3A_10] : memref<2x106496xi32, #tpu.memory_space<hbm>> -> memref<1x128xi32, #tpu.memory_space<hbm>>
        %dma_wait3A_38 = tpu.memref_squeeze %dma_wait3A_37 : memref<1x128xi32, #tpu.memory_space<hbm>> -> memref<128xi32, #tpu.memory_space<hbm>>
        %dma_wait3A_39 = tpu.memref_slice %arg3[%arg0, %mul3A_10] : memref<2x106496xi32, #tpu.memory_space<hbm>> -> memref<1x128xi32, #tpu.memory_space<hbm>>
        %dma_wait3A_40 = tpu.memref_squeeze %dma_wait3A_39 : memref<1x128xi32, #tpu.memory_space<hbm>> -> memref<128xi32, #tpu.memory_space<hbm>>
        tpu.wait_dma2 semaphore(%run_scoped3A : memref<!tpu.dma_semaphore, #tpu.memory_space<semaphore_mem>>) src(%dma_wait3A_40 : memref<128xi32, #tpu.memory_space<hbm>>) dst(%arg7 : memref<128xi32, #tpu.memory_space<vmem>>)
        tpu.yield
      }) : () -> ()
      %mul3A_11 = arith.constant 128 : i32
      %mul3A_12 = arith.muli %add3A_8, %mul3A_11 : i32
      "tpu.region"() ({
        %run_scoped3A = tpu.sem_alloc : memref<!tpu.dma_semaphore, #tpu.memory_space<semaphore_mem>>
        %dma_start3A_33 = tpu.memref_slice %arg4[%arg0, %mul3A_12] : memref<2x106496xi32, #tpu.memory_space<hbm>> -> memref<1x128xi32, #tpu.memory_space<hbm>>
        %dma_start3A_34 = tpu.memref_squeeze %dma_start3A_33 : memref<1x128xi32, #tpu.memory_space<hbm>> -> memref<128xi32, #tpu.memory_space<hbm>>
        %dma_start3A_35 = tpu.memref_slice %arg4[%arg0, %mul3A_12] : memref<2x106496xi32, #tpu.memory_space<hbm>> -> memref<1x128xi32, #tpu.memory_space<hbm>>
        %dma_start3A_36 = tpu.memref_squeeze %dma_start3A_35 : memref<1x128xi32, #tpu.memory_space<hbm>> -> memref<128xi32, #tpu.memory_space<hbm>>
        tpu.enqueue_dma source(%dma_start3A_36 : memref<128xi32, #tpu.memory_space<hbm>>) target(%arg8 : memref<128xi32, #tpu.memory_space<vmem>>) target_semaphore(%run_scoped3A : memref<!tpu.dma_semaphore, #tpu.memory_space<semaphore_mem>>)
        %dma_wait3A_37 = tpu.memref_slice %arg4[%arg0, %mul3A_12] : memref<2x106496xi32, #tpu.memory_space<hbm>> -> memref<1x128xi32, #tpu.memory_space<hbm>>
        %dma_wait3A_38 = tpu.memref_squeeze %dma_wait3A_37 : memref<1x128xi32, #tpu.memory_space<hbm>> -> memref<128xi32, #tpu.memory_space<hbm>>
        %dma_wait3A_39 = tpu.memref_slice %arg4[%arg0, %mul3A_12] : memref<2x106496xi32, #tpu.memory_space<hbm>> -> memref<1x128xi32, #tpu.memory_space<hbm>>
        %dma_wait3A_40 = tpu.memref_squeeze %dma_wait3A_39 : memref<1x128xi32, #tpu.memory_space<hbm>> -> memref<128xi32, #tpu.memory_space<hbm>>
        tpu.wait_dma2 semaphore(%run_scoped3A : memref<!tpu.dma_semaphore, #tpu.memory_space<semaphore_mem>>) src(%dma_wait3A_40 : memref<128xi32, #tpu.memory_space<hbm>>) dst(%arg8 : memref<128xi32, #tpu.memory_space<vmem>>)
        tpu.yield
      }) : () -> ()
      %dma_start3A = arith.constant 0 : i32
      %dma_start3A_13 = arith.constant 0 : i32
      %dma_start3A_14 = tpu.memref_slice %arg2[%dma_start3A, %dma_start3A_13] : memref<20000x128xf32, #tpu.memory_space<hbm>> -> memref<20000x128xf32, #tpu.memory_space<hbm>>
      tpu.enqueue_indirect_dma source(%dma_start3A_14 : memref<20000x128xf32, #tpu.memory_space<hbm>>) target(%arg9 : memref<128x128xf32, #tpu.memory_space<vmem>>) offsets(%arg7 : memref<128xi32, #tpu.memory_space<vmem>>) semaphore(%arg11 : memref<!tpu.dma_semaphore, #tpu.memory_space<semaphore_mem>>)
      %dma_start3A_15 = arith.constant 0 : i32
      %dma_start3A_16 = arith.constant 0 : i32
      %dma_start3A_17 = tpu.memref_slice %arg2[%dma_start3A_15, %dma_start3A_16] : memref<20000x128xf32, #tpu.memory_space<hbm>> -> memref<20000x128xf32, #tpu.memory_space<hbm>>
      tpu.enqueue_indirect_dma source(%dma_start3A_17 : memref<20000x128xf32, #tpu.memory_space<hbm>>) target(%arg10 : memref<128x128xf32, #tpu.memory_space<vmem>>) offsets(%arg8 : memref<128xi32, #tpu.memory_space<vmem>>) semaphore(%arg12 : memref<!tpu.dma_semaphore, #tpu.memory_space<semaphore_mem>>)
      %dma_wait3A = arith.constant 0 : i32
      %dma_wait3A_18 = arith.constant 0 : i32
      %dma_wait3A_19 = tpu.memref_slice %arg2[%dma_wait3A, %dma_wait3A_18] : memref<20000x128xf32, #tpu.memory_space<hbm>> -> memref<20000x128xf32, #tpu.memory_space<hbm>>
      tpu.wait_indirect_dma semaphore(%arg11 : memref<!tpu.dma_semaphore, #tpu.memory_space<semaphore_mem>>) src(%dma_wait3A_19 : memref<20000x128xf32, #tpu.memory_space<hbm>>) dst(%arg9 : memref<128x128xf32, #tpu.memory_space<vmem>>)
      %dma_wait3A_20 = arith.constant 0 : i32
      %dma_wait3A_21 = arith.constant 0 : i32
      %dma_wait3A_22 = tpu.memref_slice %arg2[%dma_wait3A_20, %dma_wait3A_21] : memref<20000x128xf32, #tpu.memory_space<hbm>> -> memref<20000x128xf32, #tpu.memory_space<hbm>>
      tpu.wait_indirect_dma semaphore(%arg12 : memref<!tpu.dma_semaphore, #tpu.memory_space<semaphore_mem>>) src(%dma_wait3A_22 : memref<20000x128xf32, #tpu.memory_space<hbm>>) dst(%arg10 : memref<128x128xf32, #tpu.memory_space<vmem>>)
      %mul3A_23 = arith.constant 53248 : i32
      %mul3A_24 = arith.muli %arg0, %mul3A_23 : i32
      %mul3A_25 = arith.constant 128 : i32
      %mul3A_26 = arith.muli %add3A, %mul3A_25 : i32
      %add3A_27 = arith.addi %mul3A_24, %mul3A_26 : i32
      "tpu.region"() ({
        %run_scoped3A = tpu.sem_alloc : memref<!tpu.dma_semaphore, #tpu.memory_space<semaphore_mem>>
        %dma_start3A_33 = arith.constant 0 : i32
        %dma_start3A_34 = tpu.memref_slice %arg5[%add3A_27, %dma_start3A_33] : memref<106496x128xf32, #tpu.memory_space<hbm>> -> memref<128x128xf32, #tpu.memory_space<hbm>>
        %dma_start3A_35 = arith.constant 0 : i32
        %dma_start3A_36 = tpu.memref_slice %arg5[%add3A_27, %dma_start3A_35] : memref<106496x128xf32, #tpu.memory_space<hbm>> -> memref<128x128xf32, #tpu.memory_space<hbm>>
        tpu.enqueue_dma source(%arg9 : memref<128x128xf32, #tpu.memory_space<vmem>>) target(%dma_start3A_36 : memref<128x128xf32, #tpu.memory_space<hbm>>) target_semaphore(%run_scoped3A : memref<!tpu.dma_semaphore, #tpu.memory_space<semaphore_mem>>)
        %dma_wait3A_37 = arith.constant 0 : i32
        %dma_wait3A_38 = tpu.memref_slice %arg5[%add3A_27, %dma_wait3A_37] : memref<106496x128xf32, #tpu.memory_space<hbm>> -> memref<128x128xf32, #tpu.memory_space<hbm>>
        %dma_wait3A_39 = arith.constant 0 : i32
        %dma_wait3A_40 = tpu.memref_slice %arg5[%add3A_27, %dma_wait3A_39] : memref<106496x128xf32, #tpu.memory_space<hbm>> -> memref<128x128xf32, #tpu.memory_space<hbm>>
        tpu.wait_dma2 semaphore(%run_scoped3A : memref<!tpu.dma_semaphore, #tpu.memory_space<semaphore_mem>>) src(%arg9 : memref<128x128xf32, #tpu.memory_space<vmem>>) dst(%dma_wait3A_40 : memref<128x128xf32, #tpu.memory_space<hbm>>)
        tpu.yield
      }) : () -> ()
      %mul3A_28 = arith.constant 53248 : i32
      %mul3A_29 = arith.muli %arg0, %mul3A_28 : i32
      %mul3A_30 = arith.constant 128 : i32
      %mul3A_31 = arith.muli %add3A, %mul3A_30 : i32
      %add3A_32 = arith.addi %mul3A_29, %mul3A_31 : i32
      "tpu.region"() ({
        %run_scoped3A = tpu.sem_alloc : memref<!tpu.dma_semaphore, #tpu.memory_space<semaphore_mem>>
        %dma_start3A_33 = arith.constant 0 : i32
        %dma_start3A_34 = tpu.memref_slice %arg6[%add3A_32, %dma_start3A_33] : memref<106496x128xf32, #tpu.memory_space<hbm>> -> memref<128x128xf32, #tpu.memory_space<hbm>>
        %dma_start3A_35 = arith.constant 0 : i32
        %dma_start3A_36 = tpu.memref_slice %arg6[%add3A_32, %dma_start3A_35] : memref<106496x128xf32, #tpu.memory_space<hbm>> -> memref<128x128xf32, #tpu.memory_space<hbm>>
        tpu.enqueue_dma source(%arg10 : memref<128x128xf32, #tpu.memory_space<vmem>>) target(%dma_start3A_36 : memref<128x128xf32, #tpu.memory_space<hbm>>) target_semaphore(%run_scoped3A : memref<!tpu.dma_semaphore, #tpu.memory_space<semaphore_mem>>)
        %dma_wait3A_37 = arith.constant 0 : i32
        %dma_wait3A_38 = tpu.memref_slice %arg6[%add3A_32, %dma_wait3A_37] : memref<106496x128xf32, #tpu.memory_space<hbm>> -> memref<128x128xf32, #tpu.memory_space<hbm>>
        %dma_wait3A_39 = arith.constant 0 : i32
        %dma_wait3A_40 = tpu.memref_slice %arg6[%add3A_32, %dma_wait3A_39] : memref<106496x128xf32, #tpu.memory_space<hbm>> -> memref<128x128xf32, #tpu.memory_space<hbm>>
        tpu.wait_dma2 semaphore(%run_scoped3A : memref<!tpu.dma_semaphore, #tpu.memory_space<semaphore_mem>>) src(%arg10 : memref<128x128xf32, #tpu.memory_space<vmem>>) dst(%dma_wait3A_40 : memref<128x128xf32, #tpu.memory_space<hbm>>)
        tpu.yield
      }) : () -> ()
    }
    %scan3A_4 = arith.constant 26 : i32
    return
  }
}

module attributes {stable_mosaic.version = 14 : i64} {
  func.func @_enc_body(%arg0: i32, %arg1: memref<1000x128xf32, #tpu.memory_space<vmem>>, %arg2: memref<128x256xf32, #tpu.memory_space<vmem>>, %arg3: memref<1x256xf32, #tpu.memory_space<vmem>>, %arg4: memref<1x256xf32, #tpu.memory_space<vmem>>, %arg5: memref<1x256xf32, #tpu.memory_space<vmem>>, %arg6: memref<2x1000x128xf32, #tpu.memory_space<vmem>>) attributes {dimension_semantics = [#tpu.dimension_semantics<arbitrary>], iteration_bounds = array<i64: 10>, scalar_prefetch = 0 : i64, scratch_operands = 0 : i64, tpu.core_type = #tpu.core_type<tc>, window_params = [{transform_indices = @transform_0, window_bounds = array<i64: 1000, 128>}, {pipeline_mode = #tpu.pipeline_mode<synchronous>, transform_indices = @transform_1, window_bounds = array<i64: 128, 256>}, {pipeline_mode = #tpu.pipeline_mode<synchronous>, transform_indices = @transform_2, window_bounds = array<i64: 1, 256>}, {pipeline_mode = #tpu.pipeline_mode<synchronous>, transform_indices = @transform_3, window_bounds = array<i64: 1, 256>}, {pipeline_mode = #tpu.pipeline_mode<synchronous>, transform_indices = @transform_4, window_bounds = array<i64: 1, 256>}, {transform_indices = @transform_5, window_bounds = array<i64: 2, 1000, 128>}]} {
    %get3A = arith.constant 0 : index
    %get3A_0 = arith.constant 0 : index
    %get3A_1 = vector.load %arg1[%get3A, %get3A_0] : memref<1000x128xf32, #tpu.memory_space<vmem>>, vector<1000x128xf32>
    %get3A_2 = arith.constant 0 : index
    %get3A_3 = arith.constant 0 : index
    %get3A_4 = vector.load %arg2[%get3A_2, %get3A_3] : memref<128x256xf32, #tpu.memory_space<vmem>>, vector<128x256xf32>
    %convert_element_type3A = arith.truncf %get3A_1 : vector<1000x128xf32> to vector<1000x128xbf16>
    %convert_element_type3A_5 = arith.truncf %get3A_4 : vector<128x256xf32> to vector<128x256xbf16>
    %dot_general3A = arith.constant dense<0.000000e+00> : vector<1000x256xf32>
    %dot_general3A_6 = tpu.matmul %convert_element_type3A, %convert_element_type3A_5, %dot_general3A {dimension_numbers = #tpu.dot_dimension_numbers<[1], [0], [0], [1], [0, 0, 1, 1], [], []>, transpose_lhs_hint = false} : vector<1000x128xbf16>, vector<128x256xbf16>, vector<1000x256xf32> -> vector<1000x256xf32>
    %get3A_7 = arith.constant 0 : index
    %get3A_8 = arith.constant 0 : index
    %get3A_9 = vector.load %arg3[%get3A_7, %get3A_8] : memref<1x256xf32, #tpu.memory_space<vmem>>, vector<1x256xf32>
    %add3A = vector.broadcast %get3A_9 : vector<1x256xf32> to vector<1000x256xf32>
    %add3A_10 = arith.addf %dot_general3A_6, %add3A : vector<1000x256xf32>
    %get3A_11 = arith.constant 0 : index
    %get3A_12 = arith.constant 0 : index
    %get3A_13 = vector.load %arg4[%get3A_11, %get3A_12] : memref<1x256xf32, #tpu.memory_space<vmem>>, vector<1x256xf32>
    %get3A_14 = arith.constant 0 : index
    %get3A_15 = arith.constant 0 : index
    %get3A_16 = vector.load %arg5[%get3A_14, %get3A_15] : memref<1x256xf32, #tpu.memory_space<vmem>>, vector<1x256xf32>
    %reduce_sum3A = arith.constant dense<0.000000e+00> : vector<1000xf32>
    %reduce_sum3A_17 = vector.multi_reduction <add>, %add3A_10, %reduce_sum3A [1] : vector<1000x256xf32> to vector<1000xf32>
    %broadcast_in_dim3A = vector.shape_cast %reduce_sum3A_17 : vector<1000xf32> to vector<1000x1xf32>
    %div3A = arith.constant 2.560000e+02 : f32
    %div3A_18 = vector.broadcast %div3A : f32 to vector<1000x1xf32>
    %div3A_19 = arith.divf %broadcast_in_dim3A, %div3A_18 : vector<1000x1xf32>
    %sub3A = vector.broadcast %div3A_19 : vector<1000x1xf32> to vector<1000x256xf32>
    %sub3A_20 = arith.subf %add3A_10, %sub3A : vector<1000x256xf32>
    %integer_pow3A = arith.mulf %sub3A_20, %sub3A_20 : vector<1000x256xf32>
    %reduce_sum3A_21 = arith.constant dense<0.000000e+00> : vector<1000xf32>
    %reduce_sum3A_22 = vector.multi_reduction <add>, %integer_pow3A, %reduce_sum3A_21 [1] : vector<1000x256xf32> to vector<1000xf32>
    %broadcast_in_dim3A_23 = vector.shape_cast %reduce_sum3A_22 : vector<1000xf32> to vector<1000x1xf32>
    %div3A_24 = arith.constant 2.560000e+02 : f32
    %div3A_25 = vector.broadcast %div3A_24 : f32 to vector<1000x1xf32>
    %div3A_26 = arith.divf %broadcast_in_dim3A_23, %div3A_25 : vector<1000x1xf32>
    %sub3A_27 = vector.broadcast %div3A_19 : vector<1000x1xf32> to vector<1000x256xf32>
    %sub3A_28 = arith.subf %add3A_10, %sub3A_27 : vector<1000x256xf32>
    %add3A_29 = arith.constant 9.99999974E-6 : f32
    %add3A_30 = vector.broadcast %add3A_29 : f32 to vector<1000x1xf32>
    %add3A_31 = arith.addf %div3A_26, %add3A_30 : vector<1000x1xf32>
    %rsqrt3A = math.rsqrt %add3A_31 : vector<1000x1xf32>
    %mul3A = vector.broadcast %rsqrt3A : vector<1000x1xf32> to vector<1000x256xf32>
    %mul3A_32 = arith.mulf %sub3A_28, %mul3A : vector<1000x256xf32>
    %mul3A_33 = vector.broadcast %get3A_13 : vector<1x256xf32> to vector<1000x256xf32>
    %mul3A_34 = arith.mulf %mul3A_32, %mul3A_33 : vector<1000x256xf32>
    %add3A_35 = vector.broadcast %get3A_16 : vector<1x256xf32> to vector<1000x256xf32>
    %add3A_36 = arith.addf %mul3A_34, %add3A_35 : vector<1000x256xf32>
    %max3A = arith.constant 0.000000e+00 : f32
    %max3A_37 = vector.broadcast %max3A : f32 to vector<1000x256xf32>
    %max3A_38 = arith.maximumf %add3A_36, %max3A_37 : vector<1000x256xf32>
    %slice3A = vector.extract_strided_slice %max3A_38 {offsets = [0, 0], sizes = [1000, 128], strides = [1, 1]} : vector<1000x256xf32> to vector<1000x128xf32>
    %swap3A = arith.constant 0 : index
    %swap3A_39 = arith.constant 0 : index
    %swap3A_40 = arith.constant 0 : index
    %swap3A_41 = vector.load %arg6[%swap3A, %swap3A_39, %swap3A_40] : memref<2x1000x128xf32, #tpu.memory_space<vmem>>, vector<1x1000x128xf32>
    %swap3A_42 = vector.shape_cast %swap3A_41 : vector<1x1000x128xf32> to vector<1000x128xf32>
    %swap3A_43 = vector.shape_cast %slice3A : vector<1000x128xf32> to vector<1x1000x128xf32>
    tpu.vector_store %arg6[%swap3A, %swap3A_39, %swap3A_40], %swap3A_43 {strides = array<i32>} : memref<2x1000x128xf32, #tpu.memory_space<vmem>>, vector<1x1000x128xf32>,
    %slice3A_44 = vector.extract_strided_slice %max3A_38 {offsets = [0, 128], sizes = [1000, 128], strides = [1, 1]} : vector<1000x256xf32> to vector<1000x128xf32>
    %swap3A_45 = arith.constant 1 : index
    %swap3A_46 = arith.constant 0 : index
    %swap3A_47 = arith.constant 0 : index
    %swap3A_48 = vector.load %arg6[%swap3A_45, %swap3A_46, %swap3A_47] : memref<2x1000x128xf32, #tpu.memory_space<vmem>>, vector<1x1000x128xf32>
    %swap3A_49 = vector.shape_cast %swap3A_48 : vector<1x1000x128xf32> to vector<1000x128xf32>
    %swap3A_50 = vector.shape_cast %slice3A_44 : vector<1000x128xf32> to vector<1x1000x128xf32>
    tpu.vector_store %arg6[%swap3A_45, %swap3A_46, %swap3A_47], %swap3A_50 {strides = array<i32>} : memref<2x1000x128xf32, #tpu.memory_space<vmem>>, vector<1x1000x128xf32>,
    return
  }
  func.func @transform_0(%arg0: i32) -> (i32, i32) {
    %c0_i32 = arith.constant 0 : i32
    %c0_i32_0 = arith.constant 0 : i32
    return %arg0, %c0_i32 : i32, i32
  }
  func.func @transform_1(%arg0: i32) -> (i32, i32) {
    %c0_i32 = arith.constant 0 : i32
    %c0_i32_0 = arith.constant 0 : i32
    %c0_i32_1 = arith.constant 0 : i32
    return %c0_i32, %c0_i32_0 : i32, i32
  }
  func.func @transform_2(%arg0: i32) -> (i32, i32) {
    %c0_i32 = arith.constant 0 : i32
    %c0_i32_0 = arith.constant 0 : i32
    %c0_i32_1 = arith.constant 0 : i32
    return %c0_i32, %c0_i32_0 : i32, i32
  }
  func.func @transform_3(%arg0: i32) -> (i32, i32) {
    %c0_i32 = arith.constant 0 : i32
    %c0_i32_0 = arith.constant 0 : i32
    %c0_i32_1 = arith.constant 0 : i32
    return %c0_i32, %c0_i32_0 : i32, i32
  }
  func.func @transform_4(%arg0: i32) -> (i32, i32) {
    %c0_i32 = arith.constant 0 : i32
    %c0_i32_0 = arith.constant 0 : i32
    %c0_i32_1 = arith.constant 0 : i32
    return %c0_i32, %c0_i32_0 : i32, i32
  }
  func.func @transform_5(%arg0: i32) -> (i32, i32, i32) {
    %c0_i32 = arith.constant 0 : i32
    %c0_i32_0 = arith.constant 0 : i32
    %c0_i32_1 = arith.constant 0 : i32
    return %c0_i32, %arg0, %c0_i32_0 : i32, i32, i32
  }
}

module attributes {stable_mosaic.version = 14 : i64} {
  func.func @_conv_body(%arg0: i32, %arg1: memref<2x1000x128xf32, #tpu.memory_space<vmem>>, %arg2: memref<2x1000x128xf32, #tpu.memory_space<vmem>>, %arg3: memref<2x1000x128xf32, #tpu.memory_space<vmem>>, %arg4: memref<256x256xf32, #tpu.memory_space<vmem>>, %arg5: memref<1x256xf32, #tpu.memory_space<vmem>>, %arg6: memref<256x256xf32, #tpu.memory_space<vmem>>, %arg7: memref<1x256xf32, #tpu.memory_space<vmem>>, %arg8: memref<1x256xf32, #tpu.memory_space<vmem>>, %arg9: memref<2x1000x128xf32, #tpu.memory_space<vmem>>) attributes {dimension_semantics = [#tpu.dimension_semantics<arbitrary>], iteration_bounds = array<i64: 10>, scalar_prefetch = 0 : i64, scratch_operands = 0 : i64, tpu.core_type = #tpu.core_type<tc>, window_params = [{transform_indices = @transform_0, window_bounds = array<i64: 2, 1000, 128>}, {transform_indices = @transform_1, window_bounds = array<i64: 2, 1000, 128>}, {transform_indices = @transform_2, window_bounds = array<i64: 2, 1000, 128>}, {pipeline_mode = #tpu.pipeline_mode<synchronous>, transform_indices = @transform_3, window_bounds = array<i64: 256, 256>}, {pipeline_mode = #tpu.pipeline_mode<synchronous>, transform_indices = @transform_4, window_bounds = array<i64: 1, 256>}, {pipeline_mode = #tpu.pipeline_mode<synchronous>, transform_indices = @transform_5, window_bounds = array<i64: 256, 256>}, {pipeline_mode = #tpu.pipeline_mode<synchronous>, transform_indices = @transform_6, window_bounds = array<i64: 1, 256>}, {pipeline_mode = #tpu.pipeline_mode<synchronous>, transform_indices = @transform_7, window_bounds = array<i64: 1, 256>}, {transform_indices = @transform_8, window_bounds = array<i64: 2, 1000, 128>}]} {
    %get3A = arith.constant 0 : index
    %get3A_0 = arith.constant 0 : index
    %get3A_1 = arith.constant 0 : index
    %get3A_2 = vector.load %arg1[%get3A, %get3A_0, %get3A_1] : memref<2x1000x128xf32, #tpu.memory_space<vmem>>, vector<1x1000x128xf32>
    %get3A_3 = vector.shape_cast %get3A_2 : vector<1x1000x128xf32> to vector<1000x128xf32>
    %get3A_4 = arith.constant 1 : index
    %get3A_5 = arith.constant 0 : index
    %get3A_6 = arith.constant 0 : index
    %get3A_7 = vector.load %arg1[%get3A_4, %get3A_5, %get3A_6] : memref<2x1000x128xf32, #tpu.memory_space<vmem>>, vector<1x1000x128xf32>
    %get3A_8 = vector.shape_cast %get3A_7 : vector<1x1000x128xf32> to vector<1000x128xf32>
    %concatenate3A = tpu.concatenate %get3A_3, %get3A_8 in 1 : vector<1000x128xf32>, vector<1000x128xf32> -> vector<1000x256xf32>
    %get3A_9 = arith.constant 0 : index
    %get3A_10 = arith.constant 0 : index
    %get3A_11 = arith.constant 0 : index
    %get3A_12 = vector.load %arg2[%get3A_9, %get3A_10, %get3A_11] : memref<2x1000x128xf32, #tpu.memory_space<vmem>>, vector<1x1000x128xf32>
    %get3A_13 = vector.shape_cast %get3A_12 : vector<1x1000x128xf32> to vector<1000x128xf32>
    %get3A_14 = arith.constant 1 : index
    %get3A_15 = arith.constant 0 : index
    %get3A_16 = arith.constant 0 : index
    %get3A_17 = vector.load %arg2[%get3A_14, %get3A_15, %get3A_16] : memref<2x1000x128xf32, #tpu.memory_space<vmem>>, vector<1x1000x128xf32>
    %get3A_18 = vector.shape_cast %get3A_17 : vector<1x1000x128xf32> to vector<1000x128xf32>
    %concatenate3A_19 = tpu.concatenate %get3A_13, %get3A_18 in 1 : vector<1000x128xf32>, vector<1000x128xf32> -> vector<1000x256xf32>
    %get3A_20 = arith.constant 0 : index
    %get3A_21 = arith.constant 0 : index
    %get3A_22 = arith.constant 0 : index
    %get3A_23 = vector.load %arg3[%get3A_20, %get3A_21, %get3A_22] : memref<2x1000x128xf32, #tpu.memory_space<vmem>>, vector<1x1000x1xf32>
    %get3A_24 = vector.shape_cast %get3A_23 : vector<1x1000x1xf32> to vector<1000x1xf32>
    %get3A_25 = arith.constant 1 : index
    %get3A_26 = arith.constant 0 : index
    %get3A_27 = arith.constant 0 : index
    %get3A_28 = vector.load %arg3[%get3A_25, %get3A_26, %get3A_27] : memref<2x1000x128xf32, #tpu.memory_space<vmem>>, vector<1x1000x1xf32>
    %get3A_29 = vector.shape_cast %get3A_28 : vector<1x1000x1xf32> to vector<1000x1xf32>
    %add3A = arith.addf %get3A_24, %get3A_29 : vector<1000x1xf32>
    %max3A = arith.constant 1.000000e+00 : f32
    %max3A_30 = vector.broadcast %max3A : f32 to vector<1000x1xf32>
    %max3A_31 = arith.maximumf %add3A, %max3A_30 : vector<1000x1xf32>
    %div3A = vector.broadcast %max3A_31 : vector<1000x1xf32> to vector<1000x256xf32>
    %div3A_32 = arith.divf %concatenate3A_19, %div3A : vector<1000x256xf32>
    %get3A_33 = arith.constant 0 : index
    %get3A_34 = arith.constant 0 : index
    %get3A_35 = vector.load %arg4[%get3A_33, %get3A_34] : memref<256x256xf32, #tpu.memory_space<vmem>>, vector<256x256xf32>
    %convert_element_type3A = arith.truncf %div3A_32 : vector<1000x256xf32> to vector<1000x256xbf16>
    %convert_element_type3A_36 = arith.truncf %get3A_35 : vector<256x256xf32> to vector<256x256xbf16>
    %dot_general3A = arith.constant dense<0.000000e+00> : vector<1000x256xf32>
    %dot_general3A_37 = tpu.matmul %convert_element_type3A, %convert_element_type3A_36, %dot_general3A {dimension_numbers = #tpu.dot_dimension_numbers<[1], [0], [0], [1], [0, 0, 1, 1], [], []>, transpose_lhs_hint = false} : vector<1000x256xbf16>, vector<256x256xbf16>, vector<1000x256xf32> -> vector<1000x256xf32>
    %get3A_38 = arith.constant 0 : index
    %get3A_39 = arith.constant 0 : index
    %get3A_40 = vector.load %arg5[%get3A_38, %get3A_39] : memref<1x256xf32, #tpu.memory_space<vmem>>, vector<1x256xf32>
    %add3A_41 = vector.broadcast %get3A_40 : vector<1x256xf32> to vector<1000x256xf32>
    %add3A_42 = arith.addf %dot_general3A_37, %add3A_41 : vector<1000x256xf32>
    %get3A_43 = arith.constant 0 : index
    %get3A_44 = arith.constant 0 : index
    %get3A_45 = vector.load %arg6[%get3A_43, %get3A_44] : memref<256x256xf32, #tpu.memory_space<vmem>>, vector<256x256xf32>
    %convert_element_type3A_46 = arith.truncf %concatenate3A : vector<1000x256xf32> to vector<1000x256xbf16>
    %convert_element_type3A_47 = arith.truncf %get3A_45 : vector<256x256xf32> to vector<256x256xbf16>
    %dot_general3A_48 = arith.constant dense<0.000000e+00> : vector<1000x256xf32>
    %dot_general3A_49 = tpu.matmul %convert_element_type3A_46, %convert_element_type3A_47, %dot_general3A_48 {dimension_numbers = #tpu.dot_dimension_numbers<[1], [0], [0], [1], [0, 0, 1, 1], [], []>, transpose_lhs_hint = false} : vector<1000x256xbf16>, vector<256x256xbf16>, vector<1000x256xf32> -> vector<1000x256xf32>
    %add3A_50 = arith.addf %add3A_42, %dot_general3A_49 : vector<1000x256xf32>
    %get3A_51 = arith.constant 0 : index
    %get3A_52 = arith.constant 0 : index
    %get3A_53 = vector.load %arg7[%get3A_51, %get3A_52] : memref<1x256xf32, #tpu.memory_space<vmem>>, vector<1x256xf32>
    %get3A_54 = arith.constant 0 : index
    %get3A_55 = arith.constant 0 : index
    %get3A_56 = vector.load %arg8[%get3A_54, %get3A_55] : memref<1x256xf32, #tpu.memory_space<vmem>>, vector<1x256xf32>
    %reduce_sum3A = arith.constant dense<0.000000e+00> : vector<1000xf32>
    %reduce_sum3A_57 = vector.multi_reduction <add>, %add3A_50, %reduce_sum3A [1] : vector<1000x256xf32> to vector<1000xf32>
    %broadcast_in_dim3A = vector.shape_cast %reduce_sum3A_57 : vector<1000xf32> to vector<1000x1xf32>
    %div3A_58 = arith.constant 2.560000e+02 : f32
    %div3A_59 = vector.broadcast %div3A_58 : f32 to vector<1000x1xf32>
    %div3A_60 = arith.divf %broadcast_in_dim3A, %div3A_59 : vector<1000x1xf32>
    %sub3A = vector.broadcast %div3A_60 : vector<1000x1xf32> to vector<1000x256xf32>
    %sub3A_61 = arith.subf %add3A_50, %sub3A : vector<1000x256xf32>
    %integer_pow3A = arith.mulf %sub3A_61, %sub3A_61 : vector<1000x256xf32>
    %reduce_sum3A_62 = arith.constant dense<0.000000e+00> : vector<1000xf32>
    %reduce_sum3A_63 = vector.multi_reduction <add>, %integer_pow3A, %reduce_sum3A_62 [1] : vector<1000x256xf32> to vector<1000xf32>
    %broadcast_in_dim3A_64 = vector.shape_cast %reduce_sum3A_63 : vector<1000xf32> to vector<1000x1xf32>
    %div3A_65 = arith.constant 2.560000e+02 : f32
    %div3A_66 = vector.broadcast %div3A_65 : f32 to vector<1000x1xf32>
    %div3A_67 = arith.divf %broadcast_in_dim3A_64, %div3A_66 : vector<1000x1xf32>
    %sub3A_68 = vector.broadcast %div3A_60 : vector<1000x1xf32> to vector<1000x256xf32>
    %sub3A_69 = arith.subf %add3A_50, %sub3A_68 : vector<1000x256xf32>
    %add3A_70 = arith.constant 9.99999974E-6 : f32
    %add3A_71 = vector.broadcast %add3A_70 : f32 to vector<1000x1xf32>
    %add3A_72 = arith.addf %div3A_67, %add3A_71 : vector<1000x1xf32>
    %rsqrt3A = math.rsqrt %add3A_72 : vector<1000x1xf32>
    %mul3A = vector.broadcast %rsqrt3A : vector<1000x1xf32> to vector<1000x256xf32>
    %mul3A_73 = arith.mulf %sub3A_69, %mul3A : vector<1000x256xf32>
    %mul3A_74 = vector.broadcast %get3A_53 : vector<1x256xf32> to vector<1000x256xf32>
    %mul3A_75 = arith.mulf %mul3A_73, %mul3A_74 : vector<1000x256xf32>
    %add3A_76 = vector.broadcast %get3A_56 : vector<1x256xf32> to vector<1000x256xf32>
    %add3A_77 = arith.addf %mul3A_75, %add3A_76 : vector<1000x256xf32>
    %max3A_78 = arith.constant 0.000000e+00 : f32
    %max3A_79 = vector.broadcast %max3A_78 : f32 to vector<1000x256xf32>
    %max3A_80 = arith.maximumf %add3A_77, %max3A_79 : vector<1000x256xf32>
    %slice3A = vector.extract_strided_slice %max3A_80 {offsets = [0, 0], sizes = [1000, 128], strides = [1, 1]} : vector<1000x256xf32> to vector<1000x128xf32>
    %swap3A = arith.constant 0 : index
    %swap3A_81 = arith.constant 0 : index
    %swap3A_82 = arith.constant 0 : index
    %swap3A_83 = vector.load %arg9[%swap3A, %swap3A_81, %swap3A_82] : memref<2x1000x128xf32, #tpu.memory_space<vmem>>, vector<1x1000x128xf32>
    %swap3A_84 = vector.shape_cast %swap3A_83 : vector<1x1000x128xf32> to vector<1000x128xf32>
    %swap3A_85 = vector.shape_cast %slice3A : vector<1000x128xf32> to vector<1x1000x128xf32>
    tpu.vector_store %arg9[%swap3A, %swap3A_81, %swap3A_82], %swap3A_85 {strides = array<i32>} : memref<2x1000x128xf32, #tpu.memory_space<vmem>>, vector<1x1000x128xf32>,
    %slice3A_86 = vector.extract_strided_slice %max3A_80 {offsets = [0, 128], sizes = [1000, 128], strides = [1, 1]} : vector<1000x256xf32> to vector<1000x128xf32>
    %swap3A_87 = arith.constant 1 : index
    %swap3A_88 = arith.constant 0 : index
    %swap3A_89 = arith.constant 0 : index
    %swap3A_90 = vector.load %arg9[%swap3A_87, %swap3A_88, %swap3A_89] : memref<2x1000x128xf32, #tpu.memory_space<vmem>>, vector<1x1000x128xf32>
    %swap3A_91 = vector.shape_cast %swap3A_90 : vector<1x1000x128xf32> to vector<1000x128xf32>
    %swap3A_92 = vector.shape_cast %slice3A_86 : vector<1000x128xf32> to vector<1x1000x128xf32>
    tpu.vector_store %arg9[%swap3A_87, %swap3A_88, %swap3A_89], %swap3A_92 {strides = array<i32>} : memref<2x1000x128xf32, #tpu.memory_space<vmem>>, vector<1x1000x128xf32>,
    return
  }
  func.func @transform_0(%arg0: i32) -> (i32, i32, i32) {
    %c0_i32 = arith.constant 0 : i32
    %c0_i32_0 = arith.constant 0 : i32
    %c0_i32_1 = arith.constant 0 : i32
    return %c0_i32, %arg0, %c0_i32_0 : i32, i32, i32
  }
  func.func @transform_1(%arg0: i32) -> (i32, i32, i32) {
    %c0_i32 = arith.constant 0 : i32
    %c0_i32_0 = arith.constant 0 : i32
    %c0_i32_1 = arith.constant 0 : i32
    return %c0_i32, %arg0, %c0_i32_0 : i32, i32, i32
  }
  func.func @transform_2(%arg0: i32) -> (i32, i32, i32) {
    %c0_i32 = arith.constant 0 : i32
    %c0_i32_0 = arith.constant 0 : i32
    %c0_i32_1 = arith.constant 0 : i32
    return %c0_i32, %arg0, %c0_i32_0 : i32, i32, i32
  }
  func.func @transform_3(%arg0: i32) -> (i32, i32) {
    %c0_i32 = arith.constant 0 : i32
    %c0_i32_0 = arith.constant 0 : i32
    %c0_i32_1 = arith.constant 0 : i32
    return %c0_i32, %c0_i32_0 : i32, i32
  }
  func.func @transform_4(%arg0: i32) -> (i32, i32) {
    %c0_i32 = arith.constant 0 : i32
    %c0_i32_0 = arith.constant 0 : i32
    %c0_i32_1 = arith.constant 0 : i32
    return %c0_i32, %c0_i32_0 : i32, i32
  }
  func.func @transform_5(%arg0: i32) -> (i32, i32) {
    %c0_i32 = arith.constant 0 : i32
    %c0_i32_0 = arith.constant 0 : i32
    %c0_i32_1 = arith.constant 0 : i32
    return %c0_i32, %c0_i32_0 : i32, i32
  }
  func.func @transform_6(%arg0: i32) -> (i32, i32) {
    %c0_i32 = arith.constant 0 : i32
    %c0_i32_0 = arith.constant 0 : i32
    %c0_i32_1 = arith.constant 0 : i32
    return %c0_i32, %c0_i32_0 : i32, i32
  }
  func.func @transform_7(%arg0: i32) -> (i32, i32) {
    %c0_i32 = arith.constant 0 : i32
    %c0_i32_0 = arith.constant 0 : i32
    %c0_i32_1 = arith.constant 0 : i32
    return %c0_i32, %c0_i32_0 : i32, i32
  }
  func.func @transform_8(%arg0: i32) -> (i32, i32, i32) {
    %c0_i32 = arith.constant 0 : i32
    %c0_i32_0 = arith.constant 0 : i32
    %c0_i32_1 = arith.constant 0 : i32
    return %c0_i32, %arg0, %c0_i32_0 : i32, i32, i32
  }
}

module attributes {stable_mosaic.version = 14 : i64} {
  func.func @_conv_body(%arg0: i32, %arg1: memref<2x1000x128xf32, #tpu.memory_space<vmem>>, %arg2: memref<2x1000x128xf32, #tpu.memory_space<vmem>>, %arg3: memref<2x1000x128xf32, #tpu.memory_space<vmem>>, %arg4: memref<256x256xf32, #tpu.memory_space<vmem>>, %arg5: memref<1x256xf32, #tpu.memory_space<vmem>>, %arg6: memref<256x256xf32, #tpu.memory_space<vmem>>, %arg7: memref<1x256xf32, #tpu.memory_space<vmem>>, %arg8: memref<1x256xf32, #tpu.memory_space<vmem>>, %arg9: memref<2x1000x128xf32, #tpu.memory_space<vmem>>) attributes {dimension_semantics = [#tpu.dimension_semantics<arbitrary>], iteration_bounds = array<i64: 10>, scalar_prefetch = 0 : i64, scratch_operands = 0 : i64, tpu.core_type = #tpu.core_type<tc>, window_params = [{transform_indices = @transform_0, window_bounds = array<i64: 2, 1000, 128>}, {transform_indices = @transform_1, window_bounds = array<i64: 2, 1000, 128>}, {transform_indices = @transform_2, window_bounds = array<i64: 2, 1000, 128>}, {pipeline_mode = #tpu.pipeline_mode<synchronous>, transform_indices = @transform_3, window_bounds = array<i64: 256, 256>}, {pipeline_mode = #tpu.pipeline_mode<synchronous>, transform_indices = @transform_4, window_bounds = array<i64: 1, 256>}, {pipeline_mode = #tpu.pipeline_mode<synchronous>, transform_indices = @transform_5, window_bounds = array<i64: 256, 256>}, {pipeline_mode = #tpu.pipeline_mode<synchronous>, transform_indices = @transform_6, window_bounds = array<i64: 1, 256>}, {pipeline_mode = #tpu.pipeline_mode<synchronous>, transform_indices = @transform_7, window_bounds = array<i64: 1, 256>}, {transform_indices = @transform_8, window_bounds = array<i64: 2, 1000, 128>}]} {
    %get3A = arith.constant 0 : index
    %get3A_0 = arith.constant 0 : index
    %get3A_1 = arith.constant 0 : index
    %get3A_2 = vector.load %arg1[%get3A, %get3A_0, %get3A_1] : memref<2x1000x128xf32, #tpu.memory_space<vmem>>, vector<1x1000x128xf32>
    %get3A_3 = vector.shape_cast %get3A_2 : vector<1x1000x128xf32> to vector<1000x128xf32>
    %get3A_4 = arith.constant 1 : index
    %get3A_5 = arith.constant 0 : index
    %get3A_6 = arith.constant 0 : index
    %get3A_7 = vector.load %arg1[%get3A_4, %get3A_5, %get3A_6] : memref<2x1000x128xf32, #tpu.memory_space<vmem>>, vector<1x1000x128xf32>
    %get3A_8 = vector.shape_cast %get3A_7 : vector<1x1000x128xf32> to vector<1000x128xf32>
    %concatenate3A = tpu.concatenate %get3A_3, %get3A_8 in 1 : vector<1000x128xf32>, vector<1000x128xf32> -> vector<1000x256xf32>
    %get3A_9 = arith.constant 0 : index
    %get3A_10 = arith.constant 0 : index
    %get3A_11 = arith.constant 0 : index
    %get3A_12 = vector.load %arg2[%get3A_9, %get3A_10, %get3A_11] : memref<2x1000x128xf32, #tpu.memory_space<vmem>>, vector<1x1000x128xf32>
    %get3A_13 = vector.shape_cast %get3A_12 : vector<1x1000x128xf32> to vector<1000x128xf32>
    %get3A_14 = arith.constant 1 : index
    %get3A_15 = arith.constant 0 : index
    %get3A_16 = arith.constant 0 : index
    %get3A_17 = vector.load %arg2[%get3A_14, %get3A_15, %get3A_16] : memref<2x1000x128xf32, #tpu.memory_space<vmem>>, vector<1x1000x128xf32>
    %get3A_18 = vector.shape_cast %get3A_17 : vector<1x1000x128xf32> to vector<1000x128xf32>
    %concatenate3A_19 = tpu.concatenate %get3A_13, %get3A_18 in 1 : vector<1000x128xf32>, vector<1000x128xf32> -> vector<1000x256xf32>
    %get3A_20 = arith.constant 0 : index
    %get3A_21 = arith.constant 0 : index
    %get3A_22 = arith.constant 0 : index
    %get3A_23 = vector.load %arg3[%get3A_20, %get3A_21, %get3A_22] : memref<2x1000x128xf32, #tpu.memory_space<vmem>>, vector<1x1000x1xf32>
    %get3A_24 = vector.shape_cast %get3A_23 : vector<1x1000x1xf32> to vector<1000x1xf32>
    %get3A_25 = arith.constant 1 : index
    %get3A_26 = arith.constant 0 : index
    %get3A_27 = arith.constant 0 : index
    %get3A_28 = vector.load %arg3[%get3A_25, %get3A_26, %get3A_27] : memref<2x1000x128xf32, #tpu.memory_space<vmem>>, vector<1x1000x1xf32>
    %get3A_29 = vector.shape_cast %get3A_28 : vector<1x1000x1xf32> to vector<1000x1xf32>
    %add3A = arith.addf %get3A_24, %get3A_29 : vector<1000x1xf32>
    %max3A = arith.constant 1.000000e+00 : f32
    %max3A_30 = vector.broadcast %max3A : f32 to vector<1000x1xf32>
    %max3A_31 = arith.maximumf %add3A, %max3A_30 : vector<1000x1xf32>
    %div3A = vector.broadcast %max3A_31 : vector<1000x1xf32> to vector<1000x256xf32>
    %div3A_32 = arith.divf %concatenate3A_19, %div3A : vector<1000x256xf32>
    %get3A_33 = arith.constant 0 : index
    %get3A_34 = arith.constant 0 : index
    %get3A_35 = vector.load %arg4[%get3A_33, %get3A_34] : memref<256x256xf32, #tpu.memory_space<vmem>>, vector<256x256xf32>
    %convert_element_type3A = arith.truncf %div3A_32 : vector<1000x256xf32> to vector<1000x256xbf16>
    %convert_element_type3A_36 = arith.truncf %get3A_35 : vector<256x256xf32> to vector<256x256xbf16>
    %dot_general3A = arith.constant dense<0.000000e+00> : vector<1000x256xf32>
    %dot_general3A_37 = tpu.matmul %convert_element_type3A, %convert_element_type3A_36, %dot_general3A {dimension_numbers = #tpu.dot_dimension_numbers<[1], [0], [0], [1], [0, 0, 1, 1], [], []>, transpose_lhs_hint = false} : vector<1000x256xbf16>, vector<256x256xbf16>, vector<1000x256xf32> -> vector<1000x256xf32>
    %get3A_38 = arith.constant 0 : index
    %get3A_39 = arith.constant 0 : index
    %get3A_40 = vector.load %arg5[%get3A_38, %get3A_39] : memref<1x256xf32, #tpu.memory_space<vmem>>, vector<1x256xf32>
    %add3A_41 = vector.broadcast %get3A_40 : vector<1x256xf32> to vector<1000x256xf32>
    %add3A_42 = arith.addf %dot_general3A_37, %add3A_41 : vector<1000x256xf32>
    %get3A_43 = arith.constant 0 : index
    %get3A_44 = arith.constant 0 : index
    %get3A_45 = vector.load %arg6[%get3A_43, %get3A_44] : memref<256x256xf32, #tpu.memory_space<vmem>>, vector<256x256xf32>
    %convert_element_type3A_46 = arith.truncf %concatenate3A : vector<1000x256xf32> to vector<1000x256xbf16>
    %convert_element_type3A_47 = arith.truncf %get3A_45 : vector<256x256xf32> to vector<256x256xbf16>
    %dot_general3A_48 = arith.constant dense<0.000000e+00> : vector<1000x256xf32>
    %dot_general3A_49 = tpu.matmul %convert_element_type3A_46, %convert_element_type3A_47, %dot_general3A_48 {dimension_numbers = #tpu.dot_dimension_numbers<[1], [0], [0], [1], [0, 0, 1, 1], [], []>, transpose_lhs_hint = false} : vector<1000x256xbf16>, vector<256x256xbf16>, vector<1000x256xf32> -> vector<1000x256xf32>
    %add3A_50 = arith.addf %add3A_42, %dot_general3A_49 : vector<1000x256xf32>
    %get3A_51 = arith.constant 0 : index
    %get3A_52 = arith.constant 0 : index
    %get3A_53 = vector.load %arg7[%get3A_51, %get3A_52] : memref<1x256xf32, #tpu.memory_space<vmem>>, vector<1x256xf32>
    %get3A_54 = arith.constant 0 : index
    %get3A_55 = arith.constant 0 : index
    %get3A_56 = vector.load %arg8[%get3A_54, %get3A_55] : memref<1x256xf32, #tpu.memory_space<vmem>>, vector<1x256xf32>
    %reduce_sum3A = arith.constant dense<0.000000e+00> : vector<1000xf32>
    %reduce_sum3A_57 = vector.multi_reduction <add>, %add3A_50, %reduce_sum3A [1] : vector<1000x256xf32> to vector<1000xf32>
    %broadcast_in_dim3A = vector.shape_cast %reduce_sum3A_57 : vector<1000xf32> to vector<1000x1xf32>
    %div3A_58 = arith.constant 2.560000e+02 : f32
    %div3A_59 = vector.broadcast %div3A_58 : f32 to vector<1000x1xf32>
    %div3A_60 = arith.divf %broadcast_in_dim3A, %div3A_59 : vector<1000x1xf32>
    %sub3A = vector.broadcast %div3A_60 : vector<1000x1xf32> to vector<1000x256xf32>
    %sub3A_61 = arith.subf %add3A_50, %sub3A : vector<1000x256xf32>
    %integer_pow3A = arith.mulf %sub3A_61, %sub3A_61 : vector<1000x256xf32>
    %reduce_sum3A_62 = arith.constant dense<0.000000e+00> : vector<1000xf32>
    %reduce_sum3A_63 = vector.multi_reduction <add>, %integer_pow3A, %reduce_sum3A_62 [1] : vector<1000x256xf32> to vector<1000xf32>
    %broadcast_in_dim3A_64 = vector.shape_cast %reduce_sum3A_63 : vector<1000xf32> to vector<1000x1xf32>
    %div3A_65 = arith.constant 2.560000e+02 : f32
    %div3A_66 = vector.broadcast %div3A_65 : f32 to vector<1000x1xf32>
    %div3A_67 = arith.divf %broadcast_in_dim3A_64, %div3A_66 : vector<1000x1xf32>
    %sub3A_68 = vector.broadcast %div3A_60 : vector<1000x1xf32> to vector<1000x256xf32>
    %sub3A_69 = arith.subf %add3A_50, %sub3A_68 : vector<1000x256xf32>
    %add3A_70 = arith.constant 9.99999974E-6 : f32
    %add3A_71 = vector.broadcast %add3A_70 : f32 to vector<1000x1xf32>
    %add3A_72 = arith.addf %div3A_67, %add3A_71 : vector<1000x1xf32>
    %rsqrt3A = math.rsqrt %add3A_72 : vector<1000x1xf32>
    %mul3A = vector.broadcast %rsqrt3A : vector<1000x1xf32> to vector<1000x256xf32>
    %mul3A_73 = arith.mulf %sub3A_69, %mul3A : vector<1000x256xf32>
    %mul3A_74 = vector.broadcast %get3A_53 : vector<1x256xf32> to vector<1000x256xf32>
    %mul3A_75 = arith.mulf %mul3A_73, %mul3A_74 : vector<1000x256xf32>
    %add3A_76 = vector.broadcast %get3A_56 : vector<1x256xf32> to vector<1000x256xf32>
    %add3A_77 = arith.addf %mul3A_75, %add3A_76 : vector<1000x256xf32>
    %max3A_78 = arith.constant 0.000000e+00 : f32
    %max3A_79 = vector.broadcast %max3A_78 : f32 to vector<1000x256xf32>
    %max3A_80 = arith.maximumf %add3A_77, %max3A_79 : vector<1000x256xf32>
    %add3A_81 = arith.addf %max3A_80, %concatenate3A : vector<1000x256xf32>
    %slice3A = vector.extract_strided_slice %add3A_81 {offsets = [0, 0], sizes = [1000, 128], strides = [1, 1]} : vector<1000x256xf32> to vector<1000x128xf32>
    %swap3A = arith.constant 0 : index
    %swap3A_82 = arith.constant 0 : index
    %swap3A_83 = arith.constant 0 : index
    %swap3A_84 = vector.load %arg9[%swap3A, %swap3A_82, %swap3A_83] : memref<2x1000x128xf32, #tpu.memory_space<vmem>>, vector<1x1000x128xf32>
    %swap3A_85 = vector.shape_cast %swap3A_84 : vector<1x1000x128xf32> to vector<1000x128xf32>
    %swap3A_86 = vector.shape_cast %slice3A : vector<1000x128xf32> to vector<1x1000x128xf32>
    tpu.vector_store %arg9[%swap3A, %swap3A_82, %swap3A_83], %swap3A_86 {strides = array<i32>} : memref<2x1000x128xf32, #tpu.memory_space<vmem>>, vector<1x1000x128xf32>,
    %slice3A_87 = vector.extract_strided_slice %add3A_81 {offsets = [0, 128], sizes = [1000, 128], strides = [1, 1]} : vector<1000x256xf32> to vector<1000x128xf32>
    %swap3A_88 = arith.constant 1 : index
    %swap3A_89 = arith.constant 0 : index
    %swap3A_90 = arith.constant 0 : index
    %swap3A_91 = vector.load %arg9[%swap3A_88, %swap3A_89, %swap3A_90] : memref<2x1000x128xf32, #tpu.memory_space<vmem>>, vector<1x1000x128xf32>
    %swap3A_92 = vector.shape_cast %swap3A_91 : vector<1x1000x128xf32> to vector<1000x128xf32>
    %swap3A_93 = vector.shape_cast %slice3A_87 : vector<1000x128xf32> to vector<1x1000x128xf32>
    tpu.vector_store %arg9[%swap3A_88, %swap3A_89, %swap3A_90], %swap3A_93 {strides = array<i32>} : memref<2x1000x128xf32, #tpu.memory_space<vmem>>, vector<1x1000x128xf32>,
    return
  }
  func.func @transform_0(%arg0: i32) -> (i32, i32, i32) {
    %c0_i32 = arith.constant 0 : i32
    %c0_i32_0 = arith.constant 0 : i32
    %c0_i32_1 = arith.constant 0 : i32
    return %c0_i32, %arg0, %c0_i32_0 : i32, i32, i32
  }
  func.func @transform_1(%arg0: i32) -> (i32, i32, i32) {
    %c0_i32 = arith.constant 0 : i32
    %c0_i32_0 = arith.constant 0 : i32
    %c0_i32_1 = arith.constant 0 : i32
    return %c0_i32, %arg0, %c0_i32_0 : i32, i32, i32
  }
  func.func @transform_2(%arg0: i32) -> (i32, i32, i32) {
    %c0_i32 = arith.constant 0 : i32
    %c0_i32_0 = arith.constant 0 : i32
    %c0_i32_1 = arith.constant 0 : i32
    return %c0_i32, %arg0, %c0_i32_0 : i32, i32, i32
  }
  func.func @transform_3(%arg0: i32) -> (i32, i32) {
    %c0_i32 = arith.constant 0 : i32
    %c0_i32_0 = arith.constant 0 : i32
    %c0_i32_1 = arith.constant 0 : i32
    return %c0_i32, %c0_i32_0 : i32, i32
  }
  func.func @transform_4(%arg0: i32) -> (i32, i32) {
    %c0_i32 = arith.constant 0 : i32
    %c0_i32_0 = arith.constant 0 : i32
    %c0_i32_1 = arith.constant 0 : i32
    return %c0_i32, %c0_i32_0 : i32, i32
  }
  func.func @transform_5(%arg0: i32) -> (i32, i32) {
    %c0_i32 = arith.constant 0 : i32
    %c0_i32_0 = arith.constant 0 : i32
    %c0_i32_1 = arith.constant 0 : i32
    return %c0_i32, %c0_i32_0 : i32, i32
  }
  func.func @transform_6(%arg0: i32) -> (i32, i32) {
    %c0_i32 = arith.constant 0 : i32
    %c0_i32_0 = arith.constant 0 : i32
    %c0_i32_1 = arith.constant 0 : i32
    return %c0_i32, %c0_i32_0 : i32, i32
  }
  func.func @transform_7(%arg0: i32) -> (i32, i32) {
    %c0_i32 = arith.constant 0 : i32
    %c0_i32_0 = arith.constant 0 : i32
    %c0_i32_1 = arith.constant 0 : i32
    return %c0_i32, %c0_i32_0 : i32, i32
  }
  func.func @transform_8(%arg0: i32) -> (i32, i32, i32) {
    %c0_i32 = arith.constant 0 : i32
    %c0_i32_0 = arith.constant 0 : i32
    %c0_i32_1 = arith.constant 0 : i32
    return %c0_i32, %arg0, %c0_i32_0 : i32, i32, i32
  }
}

module attributes {stable_mosaic.version = 14 : i64} {
  func.func @_dec_body(%arg0: i32, %arg1: memref<2x1024x128xf32, #tpu.memory_space<vmem>>, %arg2: memref<2x1024x128xf32, #tpu.memory_space<vmem>>, %arg3: memref<256x256xf32, #tpu.memory_space<vmem>>, %arg4: memref<1x256xf32, #tpu.memory_space<vmem>>, %arg5: memref<1x256xf32, #tpu.memory_space<vmem>>, %arg6: memref<1x256xf32, #tpu.memory_space<vmem>>, %arg7: memref<256x256xf32, #tpu.memory_space<vmem>>, %arg8: memref<1x256xf32, #tpu.memory_space<vmem>>, %arg9: memref<1x256xf32, #tpu.memory_space<vmem>>, %arg10: memref<1x256xf32, #tpu.memory_space<vmem>>, %arg11: memref<256x1xf32, #tpu.memory_space<vmem>>, %arg12: memref<1x1xf32, #tpu.memory_space<vmem>>, %arg13: memref<1024x1xf32, #tpu.memory_space<vmem>>) attributes {dimension_semantics = [#tpu.dimension_semantics<arbitrary>], iteration_bounds = array<i64: 52>, scalar_prefetch = 0 : i64, scratch_operands = 0 : i64, tpu.core_type = #tpu.core_type<tc>, window_params = [{transform_indices = @transform_0, window_bounds = array<i64: 2, 1024, 128>}, {transform_indices = @transform_1, window_bounds = array<i64: 2, 1024, 128>}, {pipeline_mode = #tpu.pipeline_mode<synchronous>, transform_indices = @transform_2, window_bounds = array<i64: 256, 256>}, {pipeline_mode = #tpu.pipeline_mode<synchronous>, transform_indices = @transform_3, window_bounds = array<i64: 1, 256>}, {pipeline_mode = #tpu.pipeline_mode<synchronous>, transform_indices = @transform_4, window_bounds = array<i64: 1, 256>}, {pipeline_mode = #tpu.pipeline_mode<synchronous>, transform_indices = @transform_5, window_bounds = array<i64: 1, 256>}, {pipeline_mode = #tpu.pipeline_mode<synchronous>, transform_indices = @transform_6, window_bounds = array<i64: 256, 256>}, {pipeline_mode = #tpu.pipeline_mode<synchronous>, transform_indices = @transform_7, window_bounds = array<i64: 1, 256>}, {pipeline_mode = #tpu.pipeline_mode<synchronous>, transform_indices = @transform_8, window_bounds = array<i64: 1, 256>}, {pipeline_mode = #tpu.pipeline_mode<synchronous>, transform_indices = @transform_9, window_bounds = array<i64: 1, 256>}, {pipeline_mode = #tpu.pipeline_mode<synchronous>, transform_indices = @transform_10, window_bounds = array<i64: 256, 1>}, {pipeline_mode = #tpu.pipeline_mode<synchronous>, transform_indices = @transform_11, window_bounds = array<i64: 1, 1>}, {transform_indices = @transform_12, window_bounds = array<i64: 1024, 1>}]} {
    %get3A = arith.constant 0 : index
    %get3A_0 = arith.constant 0 : index
    %get3A_1 = arith.constant 0 : index
    %get3A_2 = vector.load %arg1[%get3A, %get3A_0, %get3A_1] : memref<2x1024x128xf32, #tpu.memory_space<vmem>>, vector<1x1024x128xf32>
    %get3A_3 = vector.shape_cast %get3A_2 : vector<1x1024x128xf32> to vector<1024x128xf32>
    %get3A_4 = arith.constant 1 : index
    %get3A_5 = arith.constant 0 : index
    %get3A_6 = arith.constant 0 : index
    %get3A_7 = vector.load %arg1[%get3A_4, %get3A_5, %get3A_6] : memref<2x1024x128xf32, #tpu.memory_space<vmem>>, vector<1x1024x128xf32>
    %get3A_8 = vector.shape_cast %get3A_7 : vector<1x1024x128xf32> to vector<1024x128xf32>
    %concatenate3A = tpu.concatenate %get3A_3, %get3A_8 in 1 : vector<1024x128xf32>, vector<1024x128xf32> -> vector<1024x256xf32>
    %get3A_9 = arith.constant 0 : index
    %get3A_10 = arith.constant 0 : index
    %get3A_11 = arith.constant 0 : index
    %get3A_12 = vector.load %arg2[%get3A_9, %get3A_10, %get3A_11] : memref<2x1024x128xf32, #tpu.memory_space<vmem>>, vector<1x1024x128xf32>
    %get3A_13 = vector.shape_cast %get3A_12 : vector<1x1024x128xf32> to vector<1024x128xf32>
    %get3A_14 = arith.constant 1 : index
    %get3A_15 = arith.constant 0 : index
    %get3A_16 = arith.constant 0 : index
    %get3A_17 = vector.load %arg2[%get3A_14, %get3A_15, %get3A_16] : memref<2x1024x128xf32, #tpu.memory_space<vmem>>, vector<1x1024x128xf32>
    %get3A_18 = vector.shape_cast %get3A_17 : vector<1x1024x128xf32> to vector<1024x128xf32>
    %concatenate3A_19 = tpu.concatenate %get3A_13, %get3A_18 in 1 : vector<1024x128xf32>, vector<1024x128xf32> -> vector<1024x256xf32>
    %mul3A = arith.mulf %concatenate3A, %concatenate3A_19 : vector<1024x256xf32>
    %get3A_20 = arith.constant 0 : index
    %get3A_21 = arith.constant 0 : index
    %get3A_22 = vector.load %arg3[%get3A_20, %get3A_21] : memref<256x256xf32, #tpu.memory_space<vmem>>, vector<256x256xf32>
    %convert_element_type3A = arith.truncf %mul3A : vector<1024x256xf32> to vector<1024x256xbf16>
    %convert_element_type3A_23 = arith.truncf %get3A_22 : vector<256x256xf32> to vector<256x256xbf16>
    %dot_general3A = arith.constant dense<0.000000e+00> : vector<1024x256xf32>
    %dot_general3A_24 = tpu.matmul %convert_element_type3A, %convert_element_type3A_23, %dot_general3A {dimension_numbers = #tpu.dot_dimension_numbers<[1], [0], [0], [1], [0, 0, 1, 1], [], []>, transpose_lhs_hint = false} : vector<1024x256xbf16>, vector<256x256xbf16>, vector<1024x256xf32> -> vector<1024x256xf32>
    %get3A_25 = arith.constant 0 : index
    %get3A_26 = arith.constant 0 : index
    %get3A_27 = vector.load %arg4[%get3A_25, %get3A_26] : memref<1x256xf32, #tpu.memory_space<vmem>>, vector<1x256xf32>
    %add3A = vector.broadcast %get3A_27 : vector<1x256xf32> to vector<1024x256xf32>
    %add3A_28 = arith.addf %dot_general3A_24, %add3A : vector<1024x256xf32>
    %get3A_29 = arith.constant 0 : index
    %get3A_30 = arith.constant 0 : index
    %get3A_31 = vector.load %arg5[%get3A_29, %get3A_30] : memref<1x256xf32, #tpu.memory_space<vmem>>, vector<1x256xf32>
    %get3A_32 = arith.constant 0 : index
    %get3A_33 = arith.constant 0 : index
    %get3A_34 = vector.load %arg6[%get3A_32, %get3A_33] : memref<1x256xf32, #tpu.memory_space<vmem>>, vector<1x256xf32>
    %reduce_sum3A = arith.constant dense<0.000000e+00> : vector<1024xf32>
    %reduce_sum3A_35 = vector.multi_reduction <add>, %add3A_28, %reduce_sum3A [1] : vector<1024x256xf32> to vector<1024xf32>
    %broadcast_in_dim3A = vector.shape_cast %reduce_sum3A_35 : vector<1024xf32> to vector<1024x1xf32>
    %div3A = arith.constant 2.560000e+02 : f32
    %div3A_36 = vector.broadcast %div3A : f32 to vector<1024x1xf32>
    %div3A_37 = arith.divf %broadcast_in_dim3A, %div3A_36 : vector<1024x1xf32>
    %sub3A = vector.broadcast %div3A_37 : vector<1024x1xf32> to vector<1024x256xf32>
    %sub3A_38 = arith.subf %add3A_28, %sub3A : vector<1024x256xf32>
    %integer_pow3A = arith.mulf %sub3A_38, %sub3A_38 : vector<1024x256xf32>
    %reduce_sum3A_39 = arith.constant dense<0.000000e+00> : vector<1024xf32>
    %reduce_sum3A_40 = vector.multi_reduction <add>, %integer_pow3A, %reduce_sum3A_39 [1] : vector<1024x256xf32> to vector<1024xf32>
    %broadcast_in_dim3A_41 = vector.shape_cast %reduce_sum3A_40 : vector<1024xf32> to vector<1024x1xf32>
    %div3A_42 = arith.constant 2.560000e+02 : f32
    %div3A_43 = vector.broadcast %div3A_42 : f32 to vector<1024x1xf32>
    %div3A_44 = arith.divf %broadcast_in_dim3A_41, %div3A_43 : vector<1024x1xf32>
    %sub3A_45 = vector.broadcast %div3A_37 : vector<1024x1xf32> to vector<1024x256xf32>
    %sub3A_46 = arith.subf %add3A_28, %sub3A_45 : vector<1024x256xf32>
    %add3A_47 = arith.constant 9.99999974E-6 : f32
    %add3A_48 = vector.broadcast %add3A_47 : f32 to vector<1024x1xf32>
    %add3A_49 = arith.addf %div3A_44, %add3A_48 : vector<1024x1xf32>
    %rsqrt3A = math.rsqrt %add3A_49 : vector<1024x1xf32>
    %mul3A_50 = vector.broadcast %rsqrt3A : vector<1024x1xf32> to vector<1024x256xf32>
    %mul3A_51 = arith.mulf %sub3A_46, %mul3A_50 : vector<1024x256xf32>
    %mul3A_52 = vector.broadcast %get3A_31 : vector<1x256xf32> to vector<1024x256xf32>
    %mul3A_53 = arith.mulf %mul3A_51, %mul3A_52 : vector<1024x256xf32>
    %add3A_54 = vector.broadcast %get3A_34 : vector<1x256xf32> to vector<1024x256xf32>
    %add3A_55 = arith.addf %mul3A_53, %add3A_54 : vector<1024x256xf32>
    %max3A = arith.constant 0.000000e+00 : f32
    %max3A_56 = vector.broadcast %max3A : f32 to vector<1024x256xf32>
    %max3A_57 = arith.maximumf %add3A_55, %max3A_56 : vector<1024x256xf32>
    %get3A_58 = arith.constant 0 : index
    %get3A_59 = arith.constant 0 : index
    %get3A_60 = vector.load %arg7[%get3A_58, %get3A_59] : memref<256x256xf32, #tpu.memory_space<vmem>>, vector<256x256xf32>
    %convert_element_type3A_61 = arith.truncf %max3A_57 : vector<1024x256xf32> to vector<1024x256xbf16>
    %convert_element_type3A_62 = arith.truncf %get3A_60 : vector<256x256xf32> to vector<256x256xbf16>
    %dot_general3A_63 = arith.constant dense<0.000000e+00> : vector<1024x256xf32>
    %dot_general3A_64 = tpu.matmul %convert_element_type3A_61, %convert_element_type3A_62, %dot_general3A_63 {dimension_numbers = #tpu.dot_dimension_numbers<[1], [0], [0], [1], [0, 0, 1, 1], [], []>, transpose_lhs_hint = false} : vector<1024x256xbf16>, vector<256x256xbf16>, vector<1024x256xf32> -> vector<1024x256xf32>
    %get3A_65 = arith.constant 0 : index
    %get3A_66 = arith.constant 0 : index
    %get3A_67 = vector.load %arg8[%get3A_65, %get3A_66] : memref<1x256xf32, #tpu.memory_space<vmem>>, vector<1x256xf32>
    %add3A_68 = vector.broadcast %get3A_67 : vector<1x256xf32> to vector<1024x256xf32>
    %add3A_69 = arith.addf %dot_general3A_64, %add3A_68 : vector<1024x256xf32>
    %get3A_70 = arith.constant 0 : index
    %get3A_71 = arith.constant 0 : index
    %get3A_72 = vector.load %arg9[%get3A_70, %get3A_71] : memref<1x256xf32, #tpu.memory_space<vmem>>, vector<1x256xf32>
    %get3A_73 = arith.constant 0 : index
    %get3A_74 = arith.constant 0 : index
    %get3A_75 = vector.load %arg10[%get3A_73, %get3A_74] : memref<1x256xf32, #tpu.memory_space<vmem>>, vector<1x256xf32>
    %reduce_sum3A_76 = arith.constant dense<0.000000e+00> : vector<1024xf32>
    %reduce_sum3A_77 = vector.multi_reduction <add>, %add3A_69, %reduce_sum3A_76 [1] : vector<1024x256xf32> to vector<1024xf32>
    %broadcast_in_dim3A_78 = vector.shape_cast %reduce_sum3A_77 : vector<1024xf32> to vector<1024x1xf32>
    %div3A_79 = arith.constant 2.560000e+02 : f32
    %div3A_80 = vector.broadcast %div3A_79 : f32 to vector<1024x1xf32>
    %div3A_81 = arith.divf %broadcast_in_dim3A_78, %div3A_80 : vector<1024x1xf32>
    %sub3A_82 = vector.broadcast %div3A_81 : vector<1024x1xf32> to vector<1024x256xf32>
    %sub3A_83 = arith.subf %add3A_69, %sub3A_82 : vector<1024x256xf32>
    %integer_pow3A_84 = arith.mulf %sub3A_83, %sub3A_83 : vector<1024x256xf32>
    %reduce_sum3A_85 = arith.constant dense<0.000000e+00> : vector<1024xf32>
    %reduce_sum3A_86 = vector.multi_reduction <add>, %integer_pow3A_84, %reduce_sum3A_85 [1] : vector<1024x256xf32> to vector<1024xf32>
    %broadcast_in_dim3A_87 = vector.shape_cast %reduce_sum3A_86 : vector<1024xf32> to vector<1024x1xf32>
    %div3A_88 = arith.constant 2.560000e+02 : f32
    %div3A_89 = vector.broadcast %div3A_88 : f32 to vector<1024x1xf32>
    %div3A_90 = arith.divf %broadcast_in_dim3A_87, %div3A_89 : vector<1024x1xf32>
    %sub3A_91 = vector.broadcast %div3A_81 : vector<1024x1xf32> to vector<1024x256xf32>
    %sub3A_92 = arith.subf %add3A_69, %sub3A_91 : vector<1024x256xf32>
    %add3A_93 = arith.constant 9.99999974E-6 : f32
    %add3A_94 = vector.broadcast %add3A_93 : f32 to vector<1024x1xf32>
    %add3A_95 = arith.addf %div3A_90, %add3A_94 : vector<1024x1xf32>
    %rsqrt3A_96 = math.rsqrt %add3A_95 : vector<1024x1xf32>
    %mul3A_97 = vector.broadcast %rsqrt3A_96 : vector<1024x1xf32> to vector<1024x256xf32>
    %mul3A_98 = arith.mulf %sub3A_92, %mul3A_97 : vector<1024x256xf32>
    %mul3A_99 = vector.broadcast %get3A_72 : vector<1x256xf32> to vector<1024x256xf32>
    %mul3A_100 = arith.mulf %mul3A_98, %mul3A_99 : vector<1024x256xf32>
    %add3A_101 = vector.broadcast %get3A_75 : vector<1x256xf32> to vector<1024x256xf32>
    %add3A_102 = arith.addf %mul3A_100, %add3A_101 : vector<1024x256xf32>
    %max3A_103 = arith.constant 0.000000e+00 : f32
    %max3A_104 = vector.broadcast %max3A_103 : f32 to vector<1024x256xf32>
    %max3A_105 = arith.maximumf %add3A_102, %max3A_104 : vector<1024x256xf32>
    %get3A_106 = arith.constant 0 : index
    %get3A_107 = arith.constant 0 : index
    %get3A_108 = vector.load %arg11[%get3A_106, %get3A_107] : memref<256x1xf32, #tpu.memory_space<vmem>>, vector<256x1xf32>
    %convert_element_type3A_109 = arith.truncf %max3A_105 : vector<1024x256xf32> to vector<1024x256xbf16>
    %convert_element_type3A_110 = arith.truncf %get3A_108 : vector<256x1xf32> to vector<256x1xbf16>
    %dot_general3A_111 = arith.constant dense<0.000000e+00> : vector<1024x1xf32>
    %dot_general3A_112 = tpu.matmul %convert_element_type3A_109, %convert_element_type3A_110, %dot_general3A_111 {dimension_numbers = #tpu.dot_dimension_numbers<[1], [0], [0], [1], [0, 0, 1, 1], [], []>, transpose_lhs_hint = false} : vector<1024x256xbf16>, vector<256x1xbf16>, vector<1024x1xf32> -> vector<1024x1xf32>
    %get3A_113 = arith.constant 0 : index
    %get3A_114 = arith.constant 0 : index
    %get3A_115 = vector.load %arg12[%get3A_113, %get3A_114] : memref<1x1xf32, #tpu.memory_space<vmem>>, vector<1x1xf32>
    %add3A_116 = vector.broadcast %get3A_115 : vector<1x1xf32> to vector<1024x1xf32>
    %add3A_117 = arith.addf %dot_general3A_112, %add3A_116 : vector<1024x1xf32>
    %swap3A = arith.constant 0 : index
    %swap3A_118 = arith.constant 0 : index
    %swap3A_119 = vector.load %arg13[%swap3A, %swap3A_118] : memref<1024x1xf32, #tpu.memory_space<vmem>>, vector<1024x1xf32>
    tpu.vector_store %arg13[%swap3A, %swap3A_118], %add3A_117 {strides = array<i32>} : memref<1024x1xf32, #tpu.memory_space<vmem>>, vector<1024x1xf32>,
    return
  }
  func.func @transform_0(%arg0: i32) -> (i32, i32, i32) {
    %c0_i32 = arith.constant 0 : i32
    %c0_i32_0 = arith.constant 0 : i32
    %c0_i32_1 = arith.constant 0 : i32
    return %c0_i32, %arg0, %c0_i32_0 : i32, i32, i32
  }
  func.func @transform_1(%arg0: i32) -> (i32, i32, i32) {
    %c0_i32 = arith.constant 0 : i32
    %c0_i32_0 = arith.constant 0 : i32
    %c0_i32_1 = arith.constant 0 : i32
    return %c0_i32, %arg0, %c0_i32_0 : i32, i32, i32
  }
  func.func @transform_2(%arg0: i32) -> (i32, i32) {
    %c0_i32 = arith.constant 0 : i32
    %c0_i32_0 = arith.constant 0 : i32
    %c0_i32_1 = arith.constant 0 : i32
    return %c0_i32, %c0_i32_0 : i32, i32
  }
  func.func @transform_3(%arg0: i32) -> (i32, i32) {
    %c0_i32 = arith.constant 0 : i32
    %c0_i32_0 = arith.constant 0 : i32
    %c0_i32_1 = arith.constant 0 : i32
    return %c0_i32, %c0_i32_0 : i32, i32
  }
  func.func @transform_4(%arg0: i32) -> (i32, i32) {
    %c0_i32 = arith.constant 0 : i32
    %c0_i32_0 = arith.constant 0 : i32
    %c0_i32_1 = arith.constant 0 : i32
    return %c0_i32, %c0_i32_0 : i32, i32
  }
  func.func @transform_5(%arg0: i32) -> (i32, i32) {
    %c0_i32 = arith.constant 0 : i32
    %c0_i32_0 = arith.constant 0 : i32
    %c0_i32_1 = arith.constant 0 : i32
    return %c0_i32, %c0_i32_0 : i32, i32
  }
  func.func @transform_6(%arg0: i32) -> (i32, i32) {
    %c0_i32 = arith.constant 0 : i32
    %c0_i32_0 = arith.constant 0 : i32
    %c0_i32_1 = arith.constant 0 : i32
    return %c0_i32, %c0_i32_0 : i32, i32
  }
  func.func @transform_7(%arg0: i32) -> (i32, i32) {
    %c0_i32 = arith.constant 0 : i32
    %c0_i32_0 = arith.constant 0 : i32
    %c0_i32_1 = arith.constant 0 : i32
    return %c0_i32, %c0_i32_0 : i32, i32
  }
  func.func @transform_8(%arg0: i32) -> (i32, i32) {
    %c0_i32 = arith.constant 0 : i32
    %c0_i32_0 = arith.constant 0 : i32
    %c0_i32_1 = arith.constant 0 : i32
    return %c0_i32, %c0_i32_0 : i32, i32
  }
  func.func @transform_9(%arg0: i32) -> (i32, i32) {
    %c0_i32 = arith.constant 0 : i32
    %c0_i32_0 = arith.constant 0 : i32
    %c0_i32_1 = arith.constant 0 : i32
    return %c0_i32, %c0_i32_0 : i32, i32
  }
  func.func @transform_10(%arg0: i32) -> (i32, i32) {
    %c0_i32 = arith.constant 0 : i32
    %c0_i32_0 = arith.constant 0 : i32
    %c0_i32_1 = arith.constant 0 : i32
    return %c0_i32, %c0_i32_0 : i32, i32
  }
  func.func @transform_11(%arg0: i32) -> (i32, i32) {
    %c0_i32 = arith.constant 0 : i32
    %c0_i32_0 = arith.constant 0 : i32
    %c0_i32_1 = arith.constant 0 : i32
    return %c0_i32, %c0_i32_0 : i32, i32
  }
  func.func @transform_12(%arg0: i32) -> (i32, i32) {
    %c0_i32 = arith.constant 0 : i32
    %c0_i32_0 = arith.constant 0 : i32
    return %arg0, %c0_i32 : i32, i32
  }
}

</mosaic_0001>

<sc_bundles>
// kernel: kernel.14.cloned.1.call-start
scs
__scs_entry_jumppad:
0x0: {  	(pc) =	sbr.rel $0x88, $3  }
0x1: {  	(tag) =	ssettag $0x0;
	lr =	simm.s32 $0x1  }
0x2: {  	[smem:$0x3F81] =	sst lr;
	_ =	strace $0xD0000000  }
0x3: {  	_ = 	snop  }
0x4: {  	_ = 	snop  }
0x5: {  	_ = 	snop  }
0x6: {  	_ = 	snop  }
0x7: {  	_ = 	snop  }
__scs_overlays_trampoline_lowered:
0x8: {  	[smem:$0x3F90] =	sst s0  }
0x9: {  	[smem:$0x3F91] =	sst s1  }
0xa: {  	[smem:$0x3F92] =	sst s2  }
0xb: {  	[smem:$0x3F93] =	sst s3  }
0xc: {  	[smem:$0x3F94] =	sst s4  }
0xd: {  	[smem:$0x3F95] =	sst s5  }
0xe: {  	[smem:$0x3F96] =	sst s6  }
0xf: {  	[smem:$0x3F97] =	sst s7  }
0x10: {  	[smem:$0x3F98] =	sst s8  }
0x11: {  	[smem:$0x3F99] =	sst s9;
	s0 =	simm.s32 @!p0 $0x0  }
0x12: {  	s1 =	sld [smem:$0x3F7F];
	s0 =	simm.s32 @p0 $0x1  }
0x13: {  	[smem:$0x3F9A] =	sst s0;
	s0 =	simm.s32 @!p1 $0x0  }
0x14: {  	s2 =	sld [smem:$0x3F7E];
	s0 =	simm.s32 @p1 $0x1  }
0x15: {  	[smem:$0x3F9B] =	sst s0;
	s0 =	simm.s32 @!p2 $0x0  }
0x16: {  	s3 =	sld [smem:$0x3FDB];
	s0 =	simm.s32 @p2 $0x1  }
0x17: {  	s4 =	simm.s32 $0x1BF5;
	[smem:$0x3F9D] =	sst s0  }
0x18: {  	s0 =	sld [smem:$0x3F80];
	_ =	swait.ge [sflag:s4], $0x0  }
0x19: {  	s7 =	sld [smem:$0x3F81]  }
0x1a: {  	s8 =	sadd.s32 $0xFFFFE003, lr  }
0x1b: {  	s9 =	sadd.s32 $0xFFFFFEF7, lr;
	s5 =	simm.s32 $0xFFFFFFFF;
	p2 =	slt.u32 s8, $0xFFFFF086  }
0x1c: {  	p1 =	slt.u32 s9, $0xF7A;
	s5 =	simm.s32 @!p2 $0x0  }
0x1d: {  	s5 =	simm.s32 @p1 $0x1;
	p0 =	seq.s32 s7, s2  }
0x1e: {  	s7 =	smul.u32 @!p0 $0xF7A, s2;
	p2 =	seq.s32 @!p0 s5, $0x0  }
0x1f: {  	s9 =	smul.u32 $0xF7A, s1;
	s8 =	simm.s32 @!p0 $0x1BF5;
	p2 =	por !p2, p0  }
0x20: {  	[sflag:s8] =	ssyncset.s32 @!p0 $0xFFFFF086;
	s6 =	sadd.s32 @!p0 s3, s7;
	s7 =	simm.s32 @!p0 $0x108  }
0x21: {  	s3 =	sadd.s32 s3, s9;
	s6 =	sadd.s32 @!p0 $0x88, s6;
	s7 =	simm.s32 @p2 $0x1082  }
0x22: {  	[simem:s7], [sflag:s8] =	dma.local @!p0 [hbm:s6], $0xF7A  }
0x23: {  	s9 =	sor.u32 $0xD0000000, s2;
	s6 =	simm.s32 $0x108;
	_ =	swait.ge @!p0 [sflag:s8], $0x0  }
0x24: {  	s3 =	sadd.s32 $0x88, s3;
	s6 =	simm.s32 @!p1 $0x1082;
	[sflag:s4] =	ssyncset.s32 $0xFFFFF086  }
0x25: {  	[simem:s6], [sflag:s4] =	dma.local [hbm:s3], $0xF7A  }
0x26: {  	[smem:$0x3F81] =	sst s1;
	(tag) =	ssettag s2;
	_ =	strace s9  }
0x27: {  	s1 =	sld [smem:$0x3F91]  }
0x28: {  	s2 =	sld [smem:$0x3F92]  }
0x29: {  	s4 =	sld [smem:$0x3F94]  }
0x2a: {  	p0 =	seq.s32 s5, $0x0;
	s5 =	sld [smem:$0x3F95]  }
0x2b: {  	s6 =	sld [smem:$0x3F96]  }
0x2c: {  	s7 =	sld [smem:$0x3F97]  }
0x2d: {  	s3 =	simm.s32 $0x108;
	s8 =	sld [smem:$0x3F98]  }
0x2e: {  	s3 =	simm.s32 @!p0 $0x1082;
	s9 =	sld [smem:$0x3F99]  }
0x2f: {  	lr =	sadd.s32 s0, s3;
	s0 =	sld [smem:$0x3F90]  }
0x30: {  	s3 =	sld [smem:$0x3F93]  }
0x31: {  	[smem:$0x3F9C] =	sst s10  }
0x32: {  	s10 =	sld [smem:$0x3F9A];
	_ =	sdelay $0x3  }
0x33: {  	p0 =	seq.s32 s10, $0x1;
	s10 =	sld [smem:$0x3F9C];
	_ =	sdelay $0x3  }
0x34: {  	[smem:$0x3F9C] =	sst s10  }
0x35: {  	s10 =	sld [smem:$0x3F9B];
	_ =	sdelay $0x3  }
0x36: {  	p1 =	seq.s32 s10, $0x1;
	s10 =	sld [smem:$0x3F9C];
	_ =	sdelay $0x3  }
0x37: {  	[smem:$0x3F9C] =	sst s10  }
0x38: {  	s10 =	sld [smem:$0x3F9D]  }
0x39: {  	_ = 	snop;
	(pc) =	sbr.ind lr, $3  }
0x3a: {  	_ = 	snop  }
0x3b: {  	_ = 	snop  }
0x3c: {  	p2 =	seq.s32 s10, $0x1;
	s10 =	sld [smem:$0x3F9C]  }
0x3d: {  	_ =	shalt  }
0x3e: {  	_ =	shalt  }
0x3f: {  	_ =	shalt  }
0x40: {  	_ =	shalt  }
0x41: {  	_ =	shalt  }
0x42: {  	_ =	shalt  }
0x43: {  	_ =	shalt  }
0x44: {  	_ =	shalt  }
0x45: {  	_ =	shalt  }
0x46: {  	_ =	shalt  }
0x47: {  	_ =	shalt  }
0x48: {  	_ =	shalt  }
0x49: {  	_ =	shalt  }
0x4a: {  	_ =	shalt  }
0x4b: {  	_ =	shalt  }
0x4c: {  	_ =	shalt  }
0x4d: {  	_ =	shalt  }
0x4e: {  	_ =	shalt  }
0x4f: {  	_ =	shalt  }
0x50: {  	_ =	shalt  }
0x51: {  	_ =	shalt  }
0x52: {  	_ =	shalt  }
0x53: {  	_ =	shalt  }
0x54: {  	_ =	shalt  }
0x55: {  	_ =	shalt  }
0x56: {  	_ =	shalt  }
0x57: {  	_ =	shalt  }
0x58: {  	_ =	shalt  }
0x59: {  	_ =	shalt  }
0x5a: {  	_ =	shalt  }
0x5b: {  	_ =	shalt  }
0x5c: {  	_ =	shalt  }
0x5d: {  	_ =	shalt  }
0x5e: {  	_ =	shalt  }
0x5f: {  	_ =	shalt  }
0x60: {  	_ =	shalt  }
0x61: {  	_ =	shalt  }
0x62: {  	_ =	shalt  }
0x63: {  	_ =	shalt  }
0x64: {  	_ =	shalt  }
0x65: {  	_ =	shalt  }
0x66: {  	_ =	shalt  }
0x67: {  	_ =	shalt  }
0x68: {  	_ =	shalt  }
0x69: {  	_ =	shalt  }
0x6a: {  	_ =	shalt  }
0x6b: {  	_ =	shalt  }
0x6c: {  	_ =	shalt  }
0x6d: {  	_ =	shalt  }
0x6e: {  	_ =	shalt  }
0x6f: {  	_ =	shalt  }
0x70: {  	_ =	shalt  }
0x71: {  	_ =	shalt  }
0x72: {  	_ =	shalt  }
0x73: {  	_ =	shalt  }
0x74: {  	_ =	shalt  }
0x75: {  	_ =	shalt  }
0x76: {  	_ =	shalt  }
0x77: {  	_ =	shalt  }
0x78: {  	_ =	shalt  }
0x79: {  	_ =	shalt  }
0x7a: {  	_ =	shalt  }
0x7b: {  	_ =	shalt  }
0x7c: {  	_ =	shalt  }
0x7d: {  	_ =	shalt  }
0x7e: {  	_ =	shalt  }
0x7f: {  	_ =	shalt  }
0x80: {  	_ =	shalt  }
0x81: {  	_ =	shalt  }
0x82: {  	_ =	shalt  }
0x83: {  	_ =	shalt  }
0x84: {  	_ =	shalt  }
0x85: {  	_ =	shalt  }
0x86: {  	_ =	shalt  }
0x87: {  	_ =	shalt  }
.Lfunc_end0:
.L_simem_size_0:
called_computation_lowered:
.L_overlay_start_0:
0x88: {  	s2 =	sld [smem:$0x3FD9]  }
0x89: {  	s3 =	sld [smem:$0x3FFE];
	_ =	sdelay $0x1  }
0x8a: {  	s1 =	srdreg.scid  }
0x8b: {  	s0 =	sand.u32 $0x1, s1  }
0x8c: {  	s17 =	sshll.u32 s0, $0xA;
	s2 =	sadd.s32 s3, s2  }
0x8d: {  	s2 =	sadd.s32 s2, s17  }
0x8e: {  	[smem:$0x3FA8] =	sst s2  }
0x8f: {  	_ = 	snop  }
0x90: {  	(tm) =	ssettm $0x1  }
0x91: {  	s18 =	sld [smem:$0x3FFB];
	_ =	sdelay $0x3  }
0x92: {  	_ =	strace s18  }
0x93: {  	s2 =	sld [smem:$0x3FFC];
	_ =	sdelay $0x3  }
0x94: {  	_ =	strace s2  }
0x95: {  	s2 =	sld [smem:$0x3FFD];
	_ =	sdelay $0x3  }
0x96: {  	_ =	strace s2  }
0x97: {  	_ =	strace $0x8FFFFFFF  }
0x98: {  	s19 =	sld [smem:$0x3FDB];
	_ =	sdelay $0x1  }
0x99: {  	s20 =	simm.s32 $_scs_section_size  }
0x9a: {  	s4 =	simm.s32 $_size__tile_overlayer_lowered;
	s5 =	simm.s32 $_tile_overlayer_lowered  }
0x9b: {  	s6 =	simm.s32 $0x1BFF;
	s21 =	sshll.u32 s5, $0x1;
	s3 =	sadd.s32 s20, s19  }
0x9c: {  	s22 =	simm.s32 $0x0;
	s4 =	sshll.u32 s4, $0x1;
	s5 =	sadd.s32 s21, s3  }
0x9d: {  	[timem:s22], [sflag:s6] =	dma.local [hbm:s5], s4  }
0x9e: {  	_ =	swait.ge [sflag:s6], s4  }
0x9f: {  	s4 =	ssub.s32 $0x0, s4;
	[sflag:s6] =	ssyncset.done $0x0  }
0xa0: {  	[sflag:s6] =	ssyncadd.s32 s4;
	_ =	sdelay $0x1  }
0xa1: {  	s23 =	simm.s32 $0x1B8B  }
0xa2: {  	_ =	swait.ge [sflag:s23], $0x1  }
0xa3: {  	[sflag:s23] =	ssyncset.done $0x0  }
0xa4: {  	[sflag:s23] =	ssyncadd.s32 $0xFFFFFFFF  }
0xa5: {  	s4 =	sld [smem:$0x0]  }
0xa6: {  	s5 =	sand.u32 $0xFFFFFFFE, s1  }
0xa7: {  	p0 =	sne.s32 s1, s5  }
0xa8: {  	s5 =	sshll.u32 @p0 s5, $0xE  }
0xa9: {  	s5 =	sadd.s32 @p0 $0x11B8D, s5;
	s6 =	sshll.u32 @p0 s4, $0x11  }
0xaa: {  	s5 =	sor.u32 @p0 s6, s5  }
0xab: {  	[sflag:s5] =	ssyncadd.remote.s32 @p0 $0x1;
	_ =	sdelay $0x1  }
0xac: {  	s5 =	simm.s32 @p0 $0x1B8D  }
0xad: {  	_ =	swait.eq @p0 [sflag:s5], $0x1  }
0xae: {  	[sflag:s5] =	ssyncadd.s32 @p0 $0xFFFFFFFF  }
0xaf: {  	s6 =	sshll.u32 @!p0 s1, $0xE  }
0xb0: {  	s6 =	sor.u32 @!p0 $0x4000, s6;
	s5 =	simm.s32 @!p0 $0x1B8D  }
0xb1: {  	s4 =	sshll.u32 @!p0 s4, $0x11;
	s6 =	sadd.s32 @!p0 $0x11B8D, s6;
	_ =	swait.eq @!p0 [sflag:s5], $0x1  }
0xb2: {  	s4 =	sor.u32 @!p0 s4, s6;
	[sflag:s5] =	ssyncadd.s32 @!p0 $0xFFFFFFFF  }
0xb3: {  	s25 =	simm.s32 $0x1B8E;
	s24 =	sld [smem:$0x3FFE];
	[sflag:s4] =	ssyncadd.remote.s32 @!p0 $0x1  }
0xb4: {  	s26 =	simm.s32 $execute0_lowered;
	[smem:$0x3FD2] =	sst s25  }
0xb5: {  	s5 =	sshll.u32 s26, $0x1;
	_ =	strace $0x80000049;
	[dreg:$0x1] =	wrdreg $0xFFFFFFFF  }
0xb6: {  	s28 =	simm.s32 $_size_execute0_lowered;
	s3 =	sadd.s32 s3, s5;
	[dreg:$0x0] =	wrdreg $0x0  }
0xb7: {  	s5 =	sshll.u32 s28, $0x1;
	[dreg:$0x2] =	wrdreg s3  }
0xb8: {  	[dreg:$0x3] =	wrdreg s5  }
0xb9: {  	[dreg:$0x4] =	wrdreg $0xC0  }
0xba: {  	_ =	task [dreg:s22], $0x5FFFF  }
0xbb: {  	[dreg:$0x1] =	wrdreg $0xFFFFFFFF  }
0xbc: {  	[dreg:$0x0] =	wrdreg $0x60  }
0xbd: {  	[dreg:$0x2] =	wrdreg s24  }
0xbe: {  	[dreg:$0x3] =	wrdreg $0x40800  }
0xbf: {  	[dreg:$0x4] =	wrdreg $0x9  }
0xc0: {  	_ =	task.clear_ibuf [dreg:s22], $0x5FFFF;
	_ =	strace $0x90000049  }
0xc1: {  	s29 =	simm.s32 $0x9;
	_ =	strace $0x8000004B  }
0xc2: {  	_ =	swait.ge [sflag:s29], $0x1  }
0xc3: {  	[sflag:s29] =	ssyncadd.s32 $0xFFFFFFFF  }
0xc4: {  	_ =	strace $0x9000004B  }
0xc5: {  	_ =	sfence  }
0xc6: {  	s30 =	sld [smem:$0x0];
	_ =	sdelay $0x2  }
0xc7: {  	s31 =	sshll.u32 s1, $0xD;
	s1 =	sshrl.u32 s1, $0x2  }
0xc8: {  	s4 =	sand.u32 $0x4000, s31;
	s1 =	sadd.s32 s1, s30  }
0xc9: {  	s0 =	sor.u32 s4, s0;
	s1 =	sshll.u32 s1, $0x11  }
0xca: {  	s0 =	sor.u32 s1, s0  }
0xcb: {  	s0 =	sadd.s32 $0x8F2B, s0  }
0xcc: {  	[sflag:s0] =	ssyncadd.remote.s32 $0x1  }
0xcd: {  	_ =	sfence.sel $0xFFFF  }
0xce: {  	[dreg:$0x0] =	wrdreg $0xFFFFFFFF;
	(pc) =	sbr.abs _section_cstart, $3  }
0xcf: {  	[dreg:$0x1] =	wrdreg $0xFFFFFFFF  }
0xd0: {  	_ =	task.clear_ibuf [dreg:s22], $0x2FFFF;
	_ =	strace $0x9FFFFFFF  }
0xd1: {  	(tm) =	ssettm $0x7FFFFFFF  }
tec
execute0_lowered:
.L_overlay_start_1:
0x0: {  	(tag) =	ssettag $0x1  }
0x1: {  	s4 =	rddreg [dreg:$0x0]  }
0x2: {  	s0 =	stileid.u32;
	s1 =	srdreg.scid  }
0x3: {  	s2 =	rddreg [dreg:$0x1];
	s3 =	simm.s32 $0x0;
	s5 =	smul.u32 $0x2800, s0  }
0x4: {  	s10 =	sand.u32 $0x1, s1;
	s1 =	rddreg [dreg:$0x2];
	s8 =	smul.u32 $0x50000, s0  }
0x5: {  	[smem:$0x7FF] =	sst s3;
	s7 =	sshll.u32 s0, $0x5;
	s6 =	smul.u32 $0x28000, s10  }
0x6: {  	_ =	strace $0x8000004A;
	s12 =	sadd.s32 s7, s4;
	s30 =	ssub.s32 $0x2, s10  }
0x7: {  	s14 =	sshll.u32 s10, $0x4;
	s31 =	sshrl.u32 s30, $0x1;
	s8 =	sshrl.u32 s8, $0x2  }
0x8: {  	s12 =	sadd.s32 s14, s12;
	s14 =	simm.s32 $0x1;
	s5 =	sadd.s32 s5, s6  }
0x9: {  	s13 =	ssub.s32 s30, s31;
	s11 =	sadd.s32 s5, s4;
	s4 =	sadd.s32 s8, s2  }
0xa: {  	s12 =	sadd.s32 $0x7000, s12;
	s5 =	sshll.u32 s0, $0x1;
	s6 =	sadd.s32 $0x4000, s4  }
0xb: {  	s7 =	sadd.s32 $0x8000, s4;
	s8 =	sadd.s32 $0xC000, s4;
	s9 =	sadd.s32 $0x10000, s4  }
0xc: {  	v0 =	vimm.f32 $0.0e+00;
	v1 =	vimm.f32 $1.000000000e+00;
	s10 =	sadd.s32 $0xCD000, s11;
	s11 =	smax.u32 s13, $0x1;
	s13 =	simm.s32 $0x80  }
.LBB2_1:
0xd: {  	s15 =	simm.s32 $0x0;
	s16 =	simm.s32 $0x200  }
.LBB2_2:
0xe: {  	p0 =	sne.s32 s16, $0xFE00;
	[tilespmem:s15+$0xF0] =	vst v0  }
0xf: {  	[tilespmem:s15+$0x80] =	vst v0  }
0x10: {  	[tilespmem:s15+$0x90] =	vst v0  }
.Ltmp0:
0x11: {  	[tilespmem:s15+$0xA0] =	vst v0;
	(pc) =	sbr.rel @p0 .LBB2_2-.Ltmp0, $4  }
0x12: {  	[tilespmem:s15+$0xB0] =	vst v0  }
0x13: {  	[tilespmem:s15+$0xC0] =	vst v0  }
0x14: {  	[tilespmem:s15+$0xD0] =	vst v0  }
0x15: {  	[tilespmem:s15+$0xE0] =	vst v0;
	s15 =	sshra.s32 s16, $0x2;
	s16 =	sadd.s32 $0x200, s16  }
0x16: {  	[tilespmem:s15+$0xF0] =	vst v0  }
0x17: {  	[tilespmem:s15+$0x80] =	vst v0  }
0x18: {  	[tilespmem:s15+$0x90] =	vst v0  }
0x19: {  	[tilespmem:s15+$0xA0] =	vst v0  }
0x1a: {  	[tilespmem:s15+$0xB0] =	vst v0  }
0x1b: {  	[tilespmem:s15+$0xC0] =	vst v0  }
0x1c: {  	[tilespmem:s15+$0xD0] =	vst v0  }
0x1d: {  	[tilespmem:s15+$0xE0] =	vst v0  }
0x1e: {  	[spmem:s4] =	stream.linear.scatter [tilespmem:s13], [sflag:$0x1], $0x4000, $0x38;
	[tilespmem:$0x18080] =	vst v63  }
0x1f: {  	_ =	swait.ge [sflag:s14], $0x4000  }
0x20: {  	[sflag:s14] =	ssyncset.done $0x0  }
0x21: {  	[sflag:s14] =	ssyncadd.s32 $0xFFFFC000  }
0x22: {  	[spmem:s6] =	stream.linear.scatter [tilespmem:s13], [sflag:$0x1], $0x4000, $0x38;
	[tilespmem:$0x18080] =	vst v63  }
0x23: {  	_ =	swait.ge [sflag:s14], $0x4000  }
0x24: {  	[sflag:s14] =	ssyncset.done $0x0  }
0x25: {  	[sflag:s14] =	ssyncadd.s32 $0xFFFFC000  }
0x26: {  	[spmem:s7] =	stream.linear.scatter [tilespmem:s13], [sflag:$0x1], $0x4000, $0x38;
	[tilespmem:$0x18080] =	vst v63  }
0x27: {  	_ =	swait.ge [sflag:s14], $0x4000  }
0x28: {  	[sflag:s14] =	ssyncset.done $0x0  }
0x29: {  	[sflag:s14] =	ssyncadd.s32 $0xFFFFC000  }
0x2a: {  	[spmem:s8] =	stream.linear.scatter [tilespmem:s13], [sflag:$0x1], $0x4000, $0x38;
	[tilespmem:$0x18080] =	vst v63  }
0x2b: {  	_ =	swait.ge [sflag:s14], $0x4000  }
0x2c: {  	[sflag:s14] =	ssyncset.done $0x0  }
0x2d: {  	[sflag:s14] =	ssyncadd.s32 $0xFFFFC000  }
0x2e: {  	[spmem:s9] =	stream.linear.scatter [tilespmem:s13], [sflag:$0x1], $0x4000, $0x38;
	[tilespmem:$0x18080] =	vst v63  }
0x2f: {  	_ =	swait.ge [sflag:s14], $0x4000  }
0x30: {  	[sflag:s14] =	ssyncset.done $0x0  }
0x31: {  	s15 =	simm.s32 $0x0;
	s16 =	simm.s32 $0x200;
	[sflag:s14] =	ssyncadd.s32 $0xFFFFC000  }
.LBB2_4:
0x32: {  	p0 =	sne.s32 s16, $0xFE00;
	[tilespmem:s15+$0xF0] =	vst v1  }
0x33: {  	[tilespmem:s15+$0x80] =	vst v1  }
0x34: {  	[tilespmem:s15+$0x90] =	vst v1  }
.Ltmp1:
0x35: {  	[tilespmem:s15+$0xA0] =	vst v1;
	(pc) =	sbr.rel @p0 .LBB2_4-.Ltmp1, $4  }
0x36: {  	[tilespmem:s15+$0xB0] =	vst v1  }
0x37: {  	[tilespmem:s15+$0xC0] =	vst v1  }
0x38: {  	[tilespmem:s15+$0xD0] =	vst v1  }
0x39: {  	[tilespmem:s15+$0xE0] =	vst v1;
	s15 =	sshra.s32 s16, $0x2;
	s16 =	sadd.s32 $0x200, s16  }
0x3a: {  	[tilespmem:s15+$0xF0] =	vst v1  }
0x3b: {  	[tilespmem:s15+$0x80] =	vst v1  }
0x3c: {  	[tilespmem:s15+$0x90] =	vst v1  }
0x3d: {  	[tilespmem:s15+$0xA0] =	vst v1  }
0x3e: {  	[tilespmem:s15+$0xB0] =	vst v1  }
0x3f: {  	[tilespmem:s15+$0xC0] =	vst v1  }
0x40: {  	[tilespmem:s15+$0xD0] =	vst v1;
	s16 =	sadd.s32 $0x0, s5  }
0x41: {  	[tilespmem:s15+$0xE0] =	vst v1;
	p0 =	sgt.u32 s16, $0x9C3  }
0x42: {  	[bflag:$0x0] =	sbarrier.arrive $0xFFFF;
	s16 =	simm.s32 @!p0 $0x0;
	s17 =	simm.s32 @!p0 $0x2  }
0x43: {  	[tilespmem:s16], [sflag:$0x2] =	stream.linear.gather @!p0 [hbm4b:s12+s16], $0x80, $0x38;
	[tilespmem:$0x18080] =	vst v63  }
0x44: {  	_ =	swait.ge @!p0 [sflag:s17], $0x80  }
0x45: {  	s15 =	simm.s32 $0x40;
	[sflag:s17] =	ssyncset.done @!p0 $0x0  }
0x46: {  	s18 =	simm.s32 @!p0 $0x80;
	[sflag:s17] =	ssyncadd.s32 @!p0 $0xFFFFFF80;
	s17 =	simm.s32 @!p0 $0x1  }
0x47: {  	[spmem:s2] =	stream.indirect.scatter.add.f32 @!p0 [tilespmem:s18], [sflag:$0x1], $0x80, s16, s18, $0xb8;
	[tilespmem:$0x18080] =	vst v63  }
0x48: {  	s31 =	sadd.s32 $0x20, s5;
	p1 =	por p0, p0;
	_ =	swait.ge @!p0 [sflag:s17], $0x4000  }
0x49: {  	s16 =	sadd.s32 $0x200, s12;
	p0 =	sgt.u32 s31, $0x9C3;
	[sflag:s17] =	ssyncset.done @!p1 $0x0  }
.LBB2_6:
0x4a: {  	s18 =	simm.s32 @!p0 $0x0;
	s19 =	simm.s32 @!p0 $0x2  }
0x4b: {  	[sflag:s17] =	ssyncadd.s32 @!p1 $0xFFFFC000;
	s20 =	smov.u32 s15;
	s15 =	sadd.s32 $0x20, s15  }
0x4c: {  	[tilespmem:s18], [sflag:$0x2] =	stream.linear.gather @!p0 [hbm4b:s16+s18], $0x80, $0x38;
	[tilespmem:$0x18080] =	vst v63  }
0x4d: {  	p2 =	sne.s32 s15, $0x9E0;
	_ =	swait.ge @!p0 [sflag:s19], $0x80  }
.Ltmp2:
0x4e: {  	[sflag:s19] =	ssyncset.done @!p0 $0x0;
	(pc) =	sbr.rel @p2 .LBB2_6-.Ltmp2, $4  }
0x4f: {  	s17 =	simm.s32 @!p0 $0x1;
	[sflag:s19] =	ssyncadd.s32 @!p0 $0xFFFFFF80;
	s19 =	simm.s32 @!p0 $0x80  }
0x50: {  	[spmem:s2] =	stream.indirect.scatter.add.f32 @!p0 [tilespmem:s19], [sflag:$0x1], $0x80, s18, s19, $0xb8;
	[tilespmem:$0x18080] =	vst v63  }
0x51: {  	p1 =	por p0, p0;
	s18 =	sadd.s32 s20, s5;
	_ =	swait.ge @!p0 [sflag:s17], $0x4000  }
0x52: {  	s16 =	sadd.s32 $0x200, s16;
	p0 =	sgt.u32 s18, $0x9C3;
	[sflag:s17] =	ssyncset.done @!p1 $0x0  }
0x53: {  	s15 =	simm.s32 @!p0 $0x0;
	s18 =	simm.s32 @!p0 $0x2;
	[sflag:s17] =	ssyncadd.s32 @!p1 $0xFFFFC000  }
0x54: {  	[tilespmem:s15], [sflag:$0x2] =	stream.linear.gather @!p0 [hbm4b:s16+s15], $0x80, $0x38;
	[tilespmem:$0x18080] =	vst v63  }
0x55: {  	_ =	swait.ge @!p0 [sflag:s18], $0x80  }
0x56: {  	[sflag:s18] =	ssyncset.done @!p0 $0x0  }
0x57: {  	s17 =	simm.s32 @!p0 $0x1;
	s16 =	simm.s32 @!p0 $0x80;
	[sflag:s18] =	ssyncadd.s32 @!p0 $0xFFFFFF80  }
0x58: {  	[spmem:s2] =	stream.indirect.scatter.add.f32 @!p0 [tilespmem:s16], [sflag:$0x1], $0x80, s15, s16, $0xb8;
	[tilespmem:$0x18080] =	vst v63  }
0x59: {  	_ =	swait.ge @!p0 [sflag:s17], $0x4000;
	p0 =	por p0, p0  }
0x5a: {  	s30 =	sshll.u32 s0, $0x6;
	s3 =	sadd.s32 $0x1, s3;
	[sflag:s17] =	ssyncset.done @!p0 $0x0  }
0x5b: {  	s31 =	sshrl.u32 s4, $0x3;
	[sflag:s17] =	ssyncadd.s32 @!p0 $0xFFFFC000;
	p0 =	sne.s32 s3, s11  }
.Ltmp3:
0x5c: {  	s15 =	sor.u32 $0x1C01, s30;
	[bflag:$0x0] =	sbarrier.arrive $0xFFFF;
	(pc) =	sbr.rel @p0 .LBB2_1-.Ltmp3, $4  }
0x5d: {  	[hbm:s10], [sflag:s15] =	dma.local [spmem:s31], $0x2800  }
0x5e: {  	_ =	swait.ge [sflag:s14], $0x2800  }
0x5f: {  	[sflag:s14] =	ssyncset.done $0x0  }
0x60: {  	[sflag:s14] =	ssyncadd.s32 $0xFFFFD800  }
0x61: {  	_ =	sfence.sel $0x180000  }
0x62: {  	[bflag:$0x0] =	sbarrier.arrive $0xFFFF  }
0x63: {  	p0 =	sne.s32 s0, $0x0;
	_ =	strace $0x9000004A  }
0x64: {  	s0 =	sadd.s32 @!p0 $0x100000, s1;
	[bflag:$0x2] =	sbarrier.arrive $0xFFFF  }
0x65: {  	[sflag:s0] =	ssyncadd.tile.s32 @!p0 $0x1;
	_ =	shalt  }
.Lfunc_end2:
_tile_overlayer_lowered:
.L_overlay_start_2:
0x66: {  	(tag) =	ssettag $0x2  }
0x67: {  	s0 =	rddreg [dreg:$0x0];
	s2 =	stileid.u32  }
0x68: {  	s1 =	rddreg [dreg:$0x1];
	p0 =	sne.s32 s2, $0x0  }
0x69: {  	s3 =	rddreg [dreg:$0x2];
	[bflag:$0x3] =	sbarrier.arrive $0xFFFF;
	s2 =	simm.s32 @!p0 $0x1C01  }
0x6a: {  	[timem:s3], [sflag:s2] =	dma.local @!p0 [hbm:s0], s1  }
0x6b: {  	s0 =	simm.s32 @!p0 $0x1  }
0x6c: {  	_ =	swait.ge @!p0 [sflag:s0], s1  }
0x6d: {  	s1 =	ssub.s32 @!p0 $0x0, s1;
	[sflag:s0] =	ssyncset.done @!p0 $0x0  }
0x6e: {  	[sflag:s0] =	ssyncadd.s32 @!p0 s1  }
0x6f: {  	[bflag:$0x3] =	sbarrier.arrive $0xFFFF  }
0x70: {  	_ =	shalt  }

// kernel: kernel.17.cloned.1.call-start
scs
__scs_entry_jumppad:
0x0: {  	(pc) =	sbr.rel $0x88, $3  }
0x1: {  	(tag) =	ssettag $0x0;
	lr =	simm.s32 $0x1  }
0x2: {  	[smem:$0x3F81] =	sst lr;
	_ =	strace $0xD0000000  }
0x3: {  	_ = 	snop  }
0x4: {  	_ = 	snop  }
0x5: {  	_ = 	snop  }
0x6: {  	_ = 	snop  }
0x7: {  	_ = 	snop  }
__scs_overlays_trampoline_lowered:
0x8: {  	[smem:$0x3F90] =	sst s0  }
0x9: {  	[smem:$0x3F91] =	sst s1  }
0xa: {  	[smem:$0x3F92] =	sst s2  }
0xb: {  	[smem:$0x3F93] =	sst s3  }
0xc: {  	[smem:$0x3F94] =	sst s4  }
0xd: {  	[smem:$0x3F95] =	sst s5  }
0xe: {  	[smem:$0x3F96] =	sst s6  }
0xf: {  	[smem:$0x3F97] =	sst s7  }
0x10: {  	[smem:$0x3F98] =	sst s8  }
0x11: {  	[smem:$0x3F99] =	sst s9;
	s0 =	simm.s32 @!p0 $0x0  }
0x12: {  	s1 =	sld [smem:$0x3F7F];
	s0 =	simm.s32 @p0 $0x1  }
0x13: {  	[smem:$0x3F9A] =	sst s0;
	s0 =	simm.s32 @!p1 $0x0  }
0x14: {  	s2 =	sld [smem:$0x3F7E];
	s0 =	simm.s32 @p1 $0x1  }
0x15: {  	[smem:$0x3F9B] =	sst s0;
	s0 =	simm.s32 @!p2 $0x0  }
0x16: {  	s3 =	sld [smem:$0x3FDB];
	s0 =	simm.s32 @p2 $0x1  }
0x17: {  	s4 =	simm.s32 $0x1BF5;
	[smem:$0x3F9D] =	sst s0  }
0x18: {  	s0 =	sld [smem:$0x3F80];
	_ =	swait.ge [sflag:s4], $0x0  }
0x19: {  	s7 =	sld [smem:$0x3F81]  }
0x1a: {  	s8 =	sadd.s32 $0xFFFFE003, lr  }
0x1b: {  	s9 =	sadd.s32 $0xFFFFFEF7, lr;
	s5 =	simm.s32 $0xFFFFFFFF;
	p2 =	slt.u32 s8, $0xFFFFF086  }
0x1c: {  	p1 =	slt.u32 s9, $0xF7A;
	s5 =	simm.s32 @!p2 $0x0  }
0x1d: {  	s5 =	simm.s32 @p1 $0x1;
	p0 =	seq.s32 s7, s2  }
0x1e: {  	s7 =	smul.u32 @!p0 $0xF7A, s2;
	p2 =	seq.s32 @!p0 s5, $0x0  }
0x1f: {  	s9 =	smul.u32 $0xF7A, s1;
	s8 =	simm.s32 @!p0 $0x1BF5;
	p2 =	por !p2, p0  }
0x20: {  	[sflag:s8] =	ssyncset.s32 @!p0 $0xFFFFF086;
	s6 =	sadd.s32 @!p0 s3, s7;
	s7 =	simm.s32 @!p0 $0x108  }
0x21: {  	s3 =	sadd.s32 s3, s9;
	s6 =	sadd.s32 @!p0 $0x88, s6;
	s7 =	simm.s32 @p2 $0x1082  }
0x22: {  	[simem:s7], [sflag:s8] =	dma.local @!p0 [hbm:s6], $0xF7A  }
0x23: {  	s9 =	sor.u32 $0xD0000000, s2;
	s6 =	simm.s32 $0x108;
	_ =	swait.ge @!p0 [sflag:s8], $0x0  }
0x24: {  	s3 =	sadd.s32 $0x88, s3;
	s6 =	simm.s32 @!p1 $0x1082;
	[sflag:s4] =	ssyncset.s32 $0xFFFFF086  }
0x25: {  	[simem:s6], [sflag:s4] =	dma.local [hbm:s3], $0xF7A  }
0x26: {  	[smem:$0x3F81] =	sst s1;
	(tag) =	ssettag s2;
	_ =	strace s9  }
0x27: {  	s1 =	sld [smem:$0x3F91]  }
0x28: {  	s2 =	sld [smem:$0x3F92]  }
0x29: {  	s4 =	sld [smem:$0x3F94]  }
0x2a: {  	p0 =	seq.s32 s5, $0x0;
	s5 =	sld [smem:$0x3F95]  }
0x2b: {  	s6 =	sld [smem:$0x3F96]  }
0x2c: {  	s7 =	sld [smem:$0x3F97]  }
0x2d: {  	s3 =	simm.s32 $0x108;
	s8 =	sld [smem:$0x3F98]  }
0x2e: {  	s3 =	simm.s32 @!p0 $0x1082;
	s9 =	sld [smem:$0x3F99]  }
0x2f: {  	lr =	sadd.s32 s0, s3;
	s0 =	sld [smem:$0x3F90]  }
0x30: {  	s3 =	sld [smem:$0x3F93]  }
0x31: {  	[smem:$0x3F9C] =	sst s10  }
0x32: {  	s10 =	sld [smem:$0x3F9A];
	_ =	sdelay $0x3  }
0x33: {  	p0 =	seq.s32 s10, $0x1;
	s10 =	sld [smem:$0x3F9C];
	_ =	sdelay $0x3  }
0x34: {  	[smem:$0x3F9C] =	sst s10  }
0x35: {  	s10 =	sld [smem:$0x3F9B];
	_ =	sdelay $0x3  }
0x36: {  	p1 =	seq.s32 s10, $0x1;
	s10 =	sld [smem:$0x3F9C];
	_ =	sdelay $0x3  }
0x37: {  	[smem:$0x3F9C] =	sst s10  }
0x38: {  	s10 =	sld [smem:$0x3F9D]  }
0x39: {  	_ = 	snop;
	(pc) =	sbr.ind lr, $3  }
0x3a: {  	_ = 	snop  }
0x3b: {  	_ = 	snop  }
0x3c: {  	p2 =	seq.s32 s10, $0x1;
	s10 =	sld [smem:$0x3F9C]  }
0x3d: {  	_ =	shalt  }
0x3e: {  	_ =	shalt  }
0x3f: {  	_ =	shalt  }
0x40: {  	_ =	shalt  }
0x41: {  	_ =	shalt  }
0x42: {  	_ =	shalt  }
0x43: {  	_ =	shalt  }
0x44: {  	_ =	shalt  }
0x45: {  	_ =	shalt  }
0x46: {  	_ =	shalt  }
0x47: {  	_ =	shalt  }
0x48: {  	_ =	shalt  }
0x49: {  	_ =	shalt  }
0x4a: {  	_ =	shalt  }
0x4b: {  	_ =	shalt  }
0x4c: {  	_ =	shalt  }
0x4d: {  	_ =	shalt  }
0x4e: {  	_ =	shalt  }
0x4f: {  	_ =	shalt  }
0x50: {  	_ =	shalt  }
0x51: {  	_ =	shalt  }
0x52: {  	_ =	shalt  }
0x53: {  	_ =	shalt  }
0x54: {  	_ =	shalt  }
0x55: {  	_ =	shalt  }
0x56: {  	_ =	shalt  }
0x57: {  	_ =	shalt  }
0x58: {  	_ =	shalt  }
0x59: {  	_ =	shalt  }
0x5a: {  	_ =	shalt  }
0x5b: {  	_ =	shalt  }
0x5c: {  	_ =	shalt  }
0x5d: {  	_ =	shalt  }
0x5e: {  	_ =	shalt  }
0x5f: {  	_ =	shalt  }
0x60: {  	_ =	shalt  }
0x61: {  	_ =	shalt  }
0x62: {  	_ =	shalt  }
0x63: {  	_ =	shalt  }
0x64: {  	_ =	shalt  }
0x65: {  	_ =	shalt  }
0x66: {  	_ =	shalt  }
0x67: {  	_ =	shalt  }
0x68: {  	_ =	shalt  }
0x69: {  	_ =	shalt  }
0x6a: {  	_ =	shalt  }
0x6b: {  	_ =	shalt  }
0x6c: {  	_ =	shalt  }
0x6d: {  	_ =	shalt  }
0x6e: {  	_ =	shalt  }
0x6f: {  	_ =	shalt  }
0x70: {  	_ =	shalt  }
0x71: {  	_ =	shalt  }
0x72: {  	_ =	shalt  }
0x73: {  	_ =	shalt  }
0x74: {  	_ =	shalt  }
0x75: {  	_ =	shalt  }
0x76: {  	_ =	shalt  }
0x77: {  	_ =	shalt  }
0x78: {  	_ =	shalt  }
0x79: {  	_ =	shalt  }
0x7a: {  	_ =	shalt  }
0x7b: {  	_ =	shalt  }
0x7c: {  	_ =	shalt  }
0x7d: {  	_ =	shalt  }
0x7e: {  	_ =	shalt  }
0x7f: {  	_ =	shalt  }
0x80: {  	_ =	shalt  }
0x81: {  	_ =	shalt  }
0x82: {  	_ =	shalt  }
0x83: {  	_ =	shalt  }
0x84: {  	_ =	shalt  }
0x85: {  	_ =	shalt  }
0x86: {  	_ =	shalt  }
0x87: {  	_ =	shalt  }
.Lfunc_end0:
.L_simem_size_0:
called_computation.1_lowered:
.L_overlay_start_0:
0x88: {  	s2 =	sld [smem:$0x3FD9]  }
0x89: {  	s3 =	sld [smem:$0x3FFE];
	_ =	sdelay $0x1  }
0x8a: {  	s1 =	srdreg.scid  }
0x8b: {  	s0 =	sand.u32 $0x1, s1  }
0x8c: {  	s16 =	sshll.u32 s0, $0xA;
	s2 =	sadd.s32 s3, s2  }
0x8d: {  	s2 =	sadd.s32 s2, s16  }
0x8e: {  	[smem:$0x3FA8] =	sst s2  }
0x8f: {  	_ = 	snop  }
0x90: {  	(tm) =	ssettm $0x1  }
0x91: {  	s17 =	sld [smem:$0x3FFB];
	_ =	sdelay $0x3  }
0x92: {  	_ =	strace s17  }
0x93: {  	s2 =	sld [smem:$0x3FFC];
	_ =	sdelay $0x3  }
0x94: {  	_ =	strace s2  }
0x95: {  	s2 =	sld [smem:$0x3FFD];
	_ =	sdelay $0x3  }
0x96: {  	_ =	strace s2  }
0x97: {  	_ =	strace $0x8FFFFFFF  }
0x98: {  	s18 =	sld [smem:$0x3FDB];
	_ =	sdelay $0x1  }
0x99: {  	s19 =	simm.s32 $_scs_section_size  }
0x9a: {  	s4 =	simm.s32 $_size__tile_overlayer_lowered;
	s5 =	simm.s32 $_tile_overlayer_lowered  }
0x9b: {  	s22 =	simm.s32 $0x1BFF;
	s21 =	sshll.u32 s5, $0x1;
	s2 =	sadd.s32 s19, s18  }
0x9c: {  	s6 =	simm.s32 $0x0;
	s20 =	sshll.u32 s4, $0x1;
	s4 =	sadd.s32 s21, s2  }
0x9d: {  	[timem:s6], [sflag:s22] =	dma.local [hbm:s4], s20  }
0x9e: {  	_ =	swait.ge [sflag:s22], s20  }
0x9f: {  	s3 =	ssub.s32 $0x0, s20;
	[sflag:s22] =	ssyncset.done $0x0  }
0xa0: {  	[sflag:s22] =	ssyncadd.s32 s3;
	_ =	sdelay $0x1  }
0xa1: {  	s23 =	simm.s32 $0x1B8B  }
0xa2: {  	_ =	swait.ge [sflag:s23], $0x1  }
0xa3: {  	[sflag:s23] =	ssyncset.done $0x0  }
0xa4: {  	s25 =	simm.s32 $0x1B8E;
	s24 =	sld [smem:$0x3FFE];
	[sflag:s23] =	ssyncadd.s32 $0xFFFFFFFF  }
0xa5: {  	s26 =	simm.s32 $execute0_lowered;
	[smem:$0x3FD2] =	sst s25  }
0xa6: {  	s4 =	sshll.u32 s26, $0x1;
	_ =	strace $0x80000046;
	[dreg:$0x1] =	wrdreg $0xFFFFFFFF  }
0xa7: {  	s28 =	simm.s32 $_size_execute0_lowered;
	s2 =	sadd.s32 s2, s4;
	[dreg:$0x0] =	wrdreg $0x0  }
0xa8: {  	s4 =	sshll.u32 s28, $0x1;
	[dreg:$0x2] =	wrdreg s2  }
0xa9: {  	[dreg:$0x3] =	wrdreg s4  }
0xaa: {  	[dreg:$0x4] =	wrdreg $0xC0  }
0xab: {  	_ =	task [dreg:s6], $0x5FFFF  }
0xac: {  	[dreg:$0x1] =	wrdreg $0xFFFFFFFF  }
0xad: {  	[dreg:$0x0] =	wrdreg $0x60  }
0xae: {  	[dreg:$0x2] =	wrdreg s24  }
0xaf: {  	[dreg:$0x3] =	wrdreg $0x41000  }
0xb0: {  	[dreg:$0x4] =	wrdreg $0xA  }
0xb1: {  	_ =	task.clear_ibuf [dreg:s6], $0x5FFFF;
	_ =	strace $0x90000046  }
0xb2: {  	s29 =	simm.s32 $0xA;
	_ =	strace $0x80000048  }
0xb3: {  	_ =	swait.ge [sflag:s29], $0x1  }
0xb4: {  	[sflag:s29] =	ssyncadd.s32 $0xFFFFFFFF  }
0xb5: {  	_ =	strace $0x90000048  }
0xb6: {  	_ =	sfence  }
0xb7: {  	s30 =	sld [smem:$0x0];
	_ =	sdelay $0x2  }
0xb8: {  	s31 =	sshll.u32 s1, $0xD;
	s1 =	sshrl.u32 s1, $0x2  }
0xb9: {  	s3 =	sand.u32 $0x4000, s31;
	s1 =	sadd.s32 s1, s30  }
0xba: {  	s0 =	sor.u32 s3, s0;
	s1 =	sshll.u32 s1, $0x11  }
0xbb: {  	s0 =	sor.u32 s1, s0  }
0xbc: {  	s0 =	sadd.s32 $0x8F2B, s0  }
0xbd: {  	[sflag:s0] =	ssyncadd.remote.s32 $0x1  }
0xbe: {  	_ =	sfence.sel $0xFFFF  }
0xbf: {  	[dreg:$0x0] =	wrdreg $0xFFFFFFFF;
	(pc) =	sbr.abs _section_cstart, $3  }
0xc0: {  	[dreg:$0x1] =	wrdreg $0xFFFFFFFF  }
0xc1: {  	_ =	task.clear_ibuf [dreg:s6], $0x2FFFF;
	_ =	strace $0x9FFFFFFF  }
0xc2: {  	(tm) =	ssettm $0x7FFFFFFF  }
0xc3: {  	_ =	shalt  }
tec
execute0_lowered:
.L_overlay_start_1:
0x0: {  	(tag) =	ssettag $0x1  }
0x1: {  	s5 =	rddreg [dreg:$0x0]  }
0x2: {  	s2 =	rddreg [dreg:$0x1]  }
0x3: {  	s0 =	rddreg [dreg:$0x2]  }
0x4: {  	s3 =	simm.s32 $0x0;
	s1 =	stileid.u32;
	s4 =	srdreg.scid  }
0x5: {  	s16 =	simm.s32 $0x80;
	s17 =	simm.s32 $0x1;
	s20 =	simm.s32 $0x0  }
0x6: {  	[smem:$0x7FF] =	sst s3;
	s10 =	sand.u32 $0x1, s4;
	s6 =	smul.u32 $0x2800, s1  }
0x7: {  	s4 =	sadd.s32 $0x2EE00, s5;
	s8 =	sshll.u32 s1, $0x5;
	s9 =	sshll.u32 s1, $0x4  }
0x8: {  	s11 =	smul.u32 $0x50000, s1;
	s18 =	sshll.u32 s1, $0x6;
	_ =	strace $0x80000047  }
0x9: {  	s7 =	smul.u32 $0x28000, s10;
	s13 =	sadd.s32 s8, s5;
	s12 =	sadd.s32 s9, s5  }
0xa: {  	s28 =	ssub.s32 $0x2, s10;
	s15 =	sshll.u32 s10, $0x4;
	s18 =	sor.u32 $0x1C02, s18  }
0xb: {  	s29 =	sshrl.u32 s28, $0x1;
	s30 =	sshrl.u32 s11, $0x2;
	s12 =	sadd.s32 $0x10E00, s12  }
0xc: {  	s13 =	sadd.s32 s15, s13;
	s15 =	simm.s32 $0x2;
	s6 =	sadd.s32 s6, s7  }
0xd: {  	s14 =	ssub.s32 s28, s29;
	s13 =	sadd.s32 $0x1AE00, s13;
	s31 =	sadd.s32 s6, s5  }
0xe: {  	s5 =	sadd.s32 s30, s2;
	s11 =	smax.u32 s14, $0x1;
	s14 =	simm.s32 $0x100  }
0xf: {  	s6 =	sadd.s32 $0x4000, s5;
	s7 =	sadd.s32 $0x8000, s5;
	s8 =	sadd.s32 $0xC000, s5  }
0x10: {  	v0 =	vimm.f32 $0.0e+00;
	s9 =	sadd.s32 $0x10000, s5;
	s10 =	sadd.s32 $0x7D000, s31;
	s19 =	sshrl.u32 s5, $0x3  }
.LBB2_1:
0x11: {  	s21 =	simm.s32 $0x0;
	s22 =	simm.s32 $0x200  }
.LBB2_2:
0x12: {  	p0 =	sne.s32 s22, $0xFE00;
	[tilespmem:s21+$0x170] =	vst v0  }
0x13: {  	[tilespmem:s21+$0x100] =	vst v0  }
0x14: {  	[tilespmem:s21+$0x110] =	vst v0  }
.Ltmp0:
0x15: {  	[tilespmem:s21+$0x120] =	vst v0;
	(pc) =	sbr.rel @p0 .LBB2_2-.Ltmp0, $4  }
0x16: {  	[tilespmem:s21+$0x130] =	vst v0  }
0x17: {  	[tilespmem:s21+$0x140] =	vst v0  }
0x18: {  	[tilespmem:s21+$0x150] =	vst v0  }
0x19: {  	[tilespmem:s21+$0x160] =	vst v0;
	s21 =	sshra.s32 s22, $0x2;
	s22 =	sadd.s32 $0x200, s22  }
0x1a: {  	[tilespmem:s21+$0x170] =	vst v0  }
0x1b: {  	[tilespmem:s21+$0x100] =	vst v0  }
0x1c: {  	[tilespmem:s21+$0x110] =	vst v0  }
0x1d: {  	[tilespmem:s21+$0x120] =	vst v0  }
0x1e: {  	[tilespmem:s21+$0x130] =	vst v0  }
0x1f: {  	[tilespmem:s21+$0x140] =	vst v0  }
0x20: {  	[tilespmem:s21+$0x150] =	vst v0  }
0x21: {  	[tilespmem:s21+$0x160] =	vst v0  }
0x22: {  	[spmem:s5] =	stream.linear.scatter [tilespmem:s14], [sflag:$0x2], $0x4000, $0x38;
	[tilespmem:$0x18100] =	vst v63  }
0x23: {  	_ =	swait.ge [sflag:s15], $0x4000  }
0x24: {  	[sflag:s15] =	ssyncset.done $0x0  }
0x25: {  	[sflag:s15] =	ssyncadd.s32 $0xFFFFC000  }
0x26: {  	[spmem:s6] =	stream.linear.scatter [tilespmem:s14], [sflag:$0x2], $0x4000, $0x38;
	[tilespmem:$0x18100] =	vst v63  }
0x27: {  	_ =	swait.ge [sflag:s15], $0x4000  }
0x28: {  	[sflag:s15] =	ssyncset.done $0x0  }
0x29: {  	[sflag:s15] =	ssyncadd.s32 $0xFFFFC000  }
0x2a: {  	[spmem:s7] =	stream.linear.scatter [tilespmem:s14], [sflag:$0x2], $0x4000, $0x38;
	[tilespmem:$0x18100] =	vst v63  }
0x2b: {  	_ =	swait.ge [sflag:s15], $0x4000  }
0x2c: {  	[sflag:s15] =	ssyncset.done $0x0  }
0x2d: {  	[sflag:s15] =	ssyncadd.s32 $0xFFFFC000  }
0x2e: {  	[spmem:s8] =	stream.linear.scatter [tilespmem:s14], [sflag:$0x2], $0x4000, $0x38;
	[tilespmem:$0x18100] =	vst v63  }
0x2f: {  	_ =	swait.ge [sflag:s15], $0x4000  }
0x30: {  	[sflag:s15] =	ssyncset.done $0x0  }
0x31: {  	[sflag:s15] =	ssyncadd.s32 $0xFFFFC000  }
0x32: {  	[spmem:s9] =	stream.linear.scatter [tilespmem:s14], [sflag:$0x2], $0x4000, $0x38;
	[tilespmem:$0x18100] =	vst v63  }
0x33: {  	_ =	swait.ge [sflag:s15], $0x4000  }
0x34: {  	[sflag:s15] =	ssyncset.done $0x0  }
0x35: {  	[sflag:s15] =	ssyncadd.s32 $0xFFFFC000  }
0x36: {  	[bflag:$0x0] =	sbarrier.arrive $0xFFFF  }
0x37: {  	[tilespmem:s3], [sflag:$0x2] =	stream.linear.gather [hbm4b:s13+s3], $0x80, $0x38;
	[tilespmem:$0x18100] =	vst v63  }
0x38: {  	_ =	swait.ge [sflag:s15], $0x80  }
0x39: {  	[sflag:s15] =	ssyncset.done $0x0  }
0x3a: {  	s31 =	sadd.s32 $0x0, s12;
	[sflag:s15] =	ssyncadd.s32 $0xFFFFFF80  }
0x3b: {  	[tilespmem:s16], [sflag:$0x2] =	stream.linear.gather [hbm4b:s31+s3], $0x80, $0x38;
	[tilespmem:$0x18100] =	vst v63  }
0x3c: {  	_ =	swait.ge [sflag:s15], $0x80  }
0x3d: {  	[sflag:s15] =	ssyncset.done $0x0  }
0x3e: {  	[sflag:s15] =	ssyncadd.s32 $0xFFFFFF80  }
0x3f: {  	[tilespmem:s14], [sflag:$0x1] =	stream.indirect.gather [hbm4b:s4+s16], $0x80, s3, s16, $0xb8;
	[tilespmem:$0x18100] =	vst v63  }
0x40: {  	_ =	swait.ge [sflag:s17], $0x4000  }
0x41: {  	[sflag:s17] =	ssyncset.done $0x0  }
0x42: {  	[sflag:s17] =	ssyncadd.s32 $0xFFFFC000  }
0x43: {  	[spmem:s2] =	stream.indirect.scatter.add.f32 [tilespmem:s14], [sflag:$0x2], $0x80, s16, s16, $0xb8;
	[tilespmem:$0x18100] =	vst v63  }
0x44: {  	_ =	swait.ge [sflag:s15], $0x4000  }
0x45: {  	s21 =	simm.s32 $0x100;
	s22 =	smov.u32 s13;
	[sflag:s15] =	ssyncset.done $0x0  }
.LBB2_4:
0x46: {  	p0 =	sne.s32 s21, $0x9F00;
	[sflag:s15] =	ssyncadd.s32 $0xFFFFC000;
	s22 =	sadd.s32 $0x200, s22  }
0x47: {  	[tilespmem:s3], [sflag:$0x2] =	stream.linear.gather [hbm4b:s22+s3], $0x80, $0x38;
	[tilespmem:$0x18100] =	vst v63  }
0x48: {  	s23 =	smov.u32 s21;
	s21 =	sadd.s32 $0x100, s21;
	_ =	swait.ge [sflag:s15], $0x80  }
0x49: {  	[sflag:s15] =	ssyncset.done $0x0  }
0x4a: {  	s23 =	sadd.s32 s23, s12;
	[sflag:s15] =	ssyncadd.s32 $0xFFFFFF80  }
0x4b: {  	[tilespmem:s16], [sflag:$0x2] =	stream.linear.gather [hbm4b:s23+s3], $0x80, $0x38;
	[tilespmem:$0x18100] =	vst v63  }
0x4c: {  	_ =	swait.ge [sflag:s15], $0x80  }
0x4d: {  	[sflag:s15] =	ssyncset.done $0x0  }
0x4e: {  	[sflag:s15] =	ssyncadd.s32 $0xFFFFFF80  }
0x4f: {  	[tilespmem:s14], [sflag:$0x1] =	stream.indirect.gather [hbm4b:s4+s16], $0x80, s3, s16, $0xb8;
	[tilespmem:$0x18100] =	vst v63  }
0x50: {  	_ =	swait.ge [sflag:s17], $0x4000  }
.Ltmp1:
0x51: {  	[sflag:s17] =	ssyncset.done $0x0;
	(pc) =	sbr.rel @p0 .LBB2_4-.Ltmp1, $4  }
0x52: {  	[sflag:s17] =	ssyncadd.s32 $0xFFFFC000  }
0x53: {  	[spmem:s2] =	stream.indirect.scatter.add.f32 [tilespmem:s14], [sflag:$0x2], $0x80, s16, s16, $0xb8;
	[tilespmem:$0x18100] =	vst v63  }
0x54: {  	_ =	swait.ge [sflag:s15], $0x4000  }
0x55: {  	[sflag:s15] =	ssyncset.done $0x0  }
0x56: {  	s20 =	sadd.s32 $0x1, s20  }
0x57: {  	[sflag:s15] =	ssyncadd.s32 $0xFFFFC000;
	p0 =	sne.s32 s20, s11  }
.Ltmp2:
0x58: {  	[bflag:$0x0] =	sbarrier.arrive $0xFFFF;
	(pc) =	sbr.rel @p0 .LBB2_1-.Ltmp2, $4  }
0x59: {  	[hbm:s10], [sflag:s18] =	dma.local [spmem:s19], $0x2800  }
0x5a: {  	_ =	swait.ge [sflag:s15], $0x2800  }
0x5b: {  	[sflag:s15] =	ssyncset.done $0x0  }
0x5c: {  	[sflag:s15] =	ssyncadd.s32 $0xFFFFD800  }
0x5d: {  	_ =	sfence.sel $0x180000  }
0x5e: {  	[bflag:$0x0] =	sbarrier.arrive $0xFFFF  }
0x5f: {  	p0 =	sne.s32 s1, $0x0;
	_ =	strace $0x90000047  }
0x60: {  	s0 =	sadd.s32 @!p0 $0x100000, s0;
	[bflag:$0x2] =	sbarrier.arrive $0xFFFF  }
0x61: {  	[sflag:s0] =	ssyncadd.tile.s32 @!p0 $0x1;
	_ =	shalt  }
.Lfunc_end2:
_tile_overlayer_lowered:
.L_overlay_start_2:
0x62: {  	(tag) =	ssettag $0x2  }
0x63: {  	s0 =	rddreg [dreg:$0x0];
	s2 =	stileid.u32  }
0x64: {  	s1 =	rddreg [dreg:$0x1];
	p0 =	sne.s32 s2, $0x0  }
0x65: {  	s3 =	rddreg [dreg:$0x2];
	[bflag:$0x3] =	sbarrier.arrive $0xFFFF;
	s2 =	simm.s32 @!p0 $0x1C02  }
0x66: {  	[timem:s3], [sflag:s2] =	dma.local @!p0 [hbm:s0], s1  }
0x67: {  	s0 =	simm.s32 @!p0 $0x2  }
0x68: {  	_ =	swait.ge @!p0 [sflag:s0], s1  }
0x69: {  	s1 =	ssub.s32 @!p0 $0x0, s1;
	[sflag:s0] =	ssyncset.done @!p0 $0x0  }
0x6a: {  	[sflag:s0] =	ssyncadd.s32 @!p0 s1  }
0x6b: {  	[bflag:$0x3] =	sbarrier.arrive $0xFFFF  }
0x6c: {  	_ =	shalt  }

// kernel: kernel.20.cloned.1.call-start
scs
__scs_entry_jumppad:
0x0: {  	(pc) =	sbr.rel $0x88, $3  }
0x1: {  	(tag) =	ssettag $0x0;
	lr =	simm.s32 $0x1  }
0x2: {  	[smem:$0x3F81] =	sst lr;
	_ =	strace $0xD0000000  }
0x3: {  	_ = 	snop  }
0x4: {  	_ = 	snop  }
0x5: {  	_ = 	snop  }
0x6: {  	_ = 	snop  }
0x7: {  	_ = 	snop  }
__scs_overlays_trampoline_lowered:
0x8: {  	[smem:$0x3F90] =	sst s0  }
0x9: {  	[smem:$0x3F91] =	sst s1  }
0xa: {  	[smem:$0x3F92] =	sst s2  }
0xb: {  	[smem:$0x3F93] =	sst s3  }
0xc: {  	[smem:$0x3F94] =	sst s4  }
0xd: {  	[smem:$0x3F95] =	sst s5  }
0xe: {  	[smem:$0x3F96] =	sst s6  }
0xf: {  	[smem:$0x3F97] =	sst s7  }
0x10: {  	[smem:$0x3F98] =	sst s8  }
0x11: {  	[smem:$0x3F99] =	sst s9;
	s0 =	simm.s32 @!p0 $0x0  }
0x12: {  	s1 =	sld [smem:$0x3F7F];
	s0 =	simm.s32 @p0 $0x1  }
0x13: {  	[smem:$0x3F9A] =	sst s0;
	s0 =	simm.s32 @!p1 $0x0  }
0x14: {  	s2 =	sld [smem:$0x3F7E];
	s0 =	simm.s32 @p1 $0x1  }
0x15: {  	[smem:$0x3F9B] =	sst s0;
	s0 =	simm.s32 @!p2 $0x0  }
0x16: {  	s3 =	sld [smem:$0x3FDB];
	s0 =	simm.s32 @p2 $0x1  }
0x17: {  	s4 =	simm.s32 $0x1BF5;
	[smem:$0x3F9D] =	sst s0  }
0x18: {  	s0 =	sld [smem:$0x3F80];
	_ =	swait.ge [sflag:s4], $0x0  }
0x19: {  	s7 =	sld [smem:$0x3F81]  }
0x1a: {  	s8 =	sadd.s32 $0xFFFFE003, lr  }
0x1b: {  	s9 =	sadd.s32 $0xFFFFFEF7, lr;
	s5 =	simm.s32 $0xFFFFFFFF;
	p2 =	slt.u32 s8, $0xFFFFF086  }
0x1c: {  	p1 =	slt.u32 s9, $0xF7A;
	s5 =	simm.s32 @!p2 $0x0  }
0x1d: {  	s5 =	simm.s32 @p1 $0x1;
	p0 =	seq.s32 s7, s2  }
0x1e: {  	s7 =	smul.u32 @!p0 $0xF7A, s2;
	p2 =	seq.s32 @!p0 s5, $0x0  }
0x1f: {  	s9 =	smul.u32 $0xF7A, s1;
	s8 =	simm.s32 @!p0 $0x1BF5;
	p2 =	por !p2, p0  }
0x20: {  	[sflag:s8] =	ssyncset.s32 @!p0 $0xFFFFF086;
	s6 =	sadd.s32 @!p0 s3, s7;
	s7 =	simm.s32 @!p0 $0x108  }
0x21: {  	s3 =	sadd.s32 s3, s9;
	s6 =	sadd.s32 @!p0 $0x88, s6;
	s7 =	simm.s32 @p2 $0x1082  }
0x22: {  	[simem:s7], [sflag:s8] =	dma.local @!p0 [hbm:s6], $0xF7A  }
0x23: {  	s9 =	sor.u32 $0xD0000000, s2;
	s6 =	simm.s32 $0x108;
	_ =	swait.ge @!p0 [sflag:s8], $0x0  }
0x24: {  	s3 =	sadd.s32 $0x88, s3;
	s6 =	simm.s32 @!p1 $0x1082;
	[sflag:s4] =	ssyncset.s32 $0xFFFFF086  }
0x25: {  	[simem:s6], [sflag:s4] =	dma.local [hbm:s3], $0xF7A  }
0x26: {  	[smem:$0x3F81] =	sst s1;
	(tag) =	ssettag s2;
	_ =	strace s9  }
0x27: {  	s1 =	sld [smem:$0x3F91]  }
0x28: {  	s2 =	sld [smem:$0x3F92]  }
0x29: {  	s4 =	sld [smem:$0x3F94]  }
0x2a: {  	p0 =	seq.s32 s5, $0x0;
	s5 =	sld [smem:$0x3F95]  }
0x2b: {  	s6 =	sld [smem:$0x3F96]  }
0x2c: {  	s7 =	sld [smem:$0x3F97]  }
0x2d: {  	s3 =	simm.s32 $0x108;
	s8 =	sld [smem:$0x3F98]  }
0x2e: {  	s3 =	simm.s32 @!p0 $0x1082;
	s9 =	sld [smem:$0x3F99]  }
0x2f: {  	lr =	sadd.s32 s0, s3;
	s0 =	sld [smem:$0x3F90]  }
0x30: {  	s3 =	sld [smem:$0x3F93]  }
0x31: {  	[smem:$0x3F9C] =	sst s10  }
0x32: {  	s10 =	sld [smem:$0x3F9A];
	_ =	sdelay $0x3  }
0x33: {  	p0 =	seq.s32 s10, $0x1;
	s10 =	sld [smem:$0x3F9C];
	_ =	sdelay $0x3  }
0x34: {  	[smem:$0x3F9C] =	sst s10  }
0x35: {  	s10 =	sld [smem:$0x3F9B];
	_ =	sdelay $0x3  }
0x36: {  	p1 =	seq.s32 s10, $0x1;
	s10 =	sld [smem:$0x3F9C];
	_ =	sdelay $0x3  }
0x37: {  	[smem:$0x3F9C] =	sst s10  }
0x38: {  	s10 =	sld [smem:$0x3F9D]  }
0x39: {  	_ = 	snop;
	(pc) =	sbr.ind lr, $3  }
0x3a: {  	_ = 	snop  }
0x3b: {  	_ = 	snop  }
0x3c: {  	p2 =	seq.s32 s10, $0x1;
	s10 =	sld [smem:$0x3F9C]  }
0x3d: {  	_ =	shalt  }
0x3e: {  	_ =	shalt  }
0x3f: {  	_ =	shalt  }
0x40: {  	_ =	shalt  }
0x41: {  	_ =	shalt  }
0x42: {  	_ =	shalt  }
0x43: {  	_ =	shalt  }
0x44: {  	_ =	shalt  }
0x45: {  	_ =	shalt  }
0x46: {  	_ =	shalt  }
0x47: {  	_ =	shalt  }
0x48: {  	_ =	shalt  }
0x49: {  	_ =	shalt  }
0x4a: {  	_ =	shalt  }
0x4b: {  	_ =	shalt  }
0x4c: {  	_ =	shalt  }
0x4d: {  	_ =	shalt  }
0x4e: {  	_ =	shalt  }
0x4f: {  	_ =	shalt  }
0x50: {  	_ =	shalt  }
0x51: {  	_ =	shalt  }
0x52: {  	_ =	shalt  }
0x53: {  	_ =	shalt  }
0x54: {  	_ =	shalt  }
0x55: {  	_ =	shalt  }
0x56: {  	_ =	shalt  }
0x57: {  	_ =	shalt  }
0x58: {  	_ =	shalt  }
0x59: {  	_ =	shalt  }
0x5a: {  	_ =	shalt  }
0x5b: {  	_ =	shalt  }
0x5c: {  	_ =	shalt  }
0x5d: {  	_ =	shalt  }
0x5e: {  	_ =	shalt  }
0x5f: {  	_ =	shalt  }
0x60: {  	_ =	shalt  }
0x61: {  	_ =	shalt  }
0x62: {  	_ =	shalt  }
0x63: {  	_ =	shalt  }
0x64: {  	_ =	shalt  }
0x65: {  	_ =	shalt  }
0x66: {  	_ =	shalt  }
0x67: {  	_ =	shalt  }
0x68: {  	_ =	shalt  }
0x69: {  	_ =	shalt  }
0x6a: {  	_ =	shalt  }
0x6b: {  	_ =	shalt  }
0x6c: {  	_ =	shalt  }
0x6d: {  	_ =	shalt  }
0x6e: {  	_ =	shalt  }
0x6f: {  	_ =	shalt  }
0x70: {  	_ =	shalt  }
0x71: {  	_ =	shalt  }
0x72: {  	_ =	shalt  }
0x73: {  	_ =	shalt  }
0x74: {  	_ =	shalt  }
0x75: {  	_ =	shalt  }
0x76: {  	_ =	shalt  }
0x77: {  	_ =	shalt  }
0x78: {  	_ =	shalt  }
0x79: {  	_ =	shalt  }
0x7a: {  	_ =	shalt  }
0x7b: {  	_ =	shalt  }
0x7c: {  	_ =	shalt  }
0x7d: {  	_ =	shalt  }
0x7e: {  	_ =	shalt  }
0x7f: {  	_ =	shalt  }
0x80: {  	_ =	shalt  }
0x81: {  	_ =	shalt  }
0x82: {  	_ =	shalt  }
0x83: {  	_ =	shalt  }
0x84: {  	_ =	shalt  }
0x85: {  	_ =	shalt  }
0x86: {  	_ =	shalt  }
0x87: {  	_ =	shalt  }
.Lfunc_end0:
.L_simem_size_0:
called_computation.2_lowered:
.L_overlay_start_0:
0x88: {  	s2 =	sld [smem:$0x3FD9]  }
0x89: {  	s3 =	sld [smem:$0x3FFE];
	_ =	sdelay $0x1  }
0x8a: {  	s1 =	srdreg.scid  }
0x8b: {  	s0 =	sand.u32 $0x1, s1  }
0x8c: {  	s16 =	sshll.u32 s0, $0xA;
	s2 =	sadd.s32 s3, s2  }
0x8d: {  	s2 =	sadd.s32 s2, s16  }
0x8e: {  	[smem:$0x3FA8] =	sst s2  }
0x8f: {  	_ = 	snop  }
0x90: {  	(tm) =	ssettm $0x1  }
0x91: {  	s17 =	sld [smem:$0x3FFB];
	_ =	sdelay $0x3  }
0x92: {  	_ =	strace s17  }
0x93: {  	s2 =	sld [smem:$0x3FFC];
	_ =	sdelay $0x3  }
0x94: {  	_ =	strace s2  }
0x95: {  	s2 =	sld [smem:$0x3FFD];
	_ =	sdelay $0x3  }
0x96: {  	_ =	strace s2  }
0x97: {  	_ =	strace $0x8FFFFFFF  }
0x98: {  	s18 =	sld [smem:$0x3FDB];
	_ =	sdelay $0x1  }
0x99: {  	s19 =	simm.s32 $_scs_section_size  }
0x9a: {  	s4 =	simm.s32 $_size__tile_overlayer_lowered;
	s5 =	simm.s32 $_tile_overlayer_lowered  }
0x9b: {  	s22 =	simm.s32 $0x1BFF;
	s21 =	sshll.u32 s5, $0x1;
	s2 =	sadd.s32 s19, s18  }
0x9c: {  	s6 =	simm.s32 $0x0;
	s20 =	sshll.u32 s4, $0x1;
	s4 =	sadd.s32 s21, s2  }
0x9d: {  	[timem:s6], [sflag:s22] =	dma.local [hbm:s4], s20  }
0x9e: {  	_ =	swait.ge [sflag:s22], s20  }
0x9f: {  	s3 =	ssub.s32 $0x0, s20;
	[sflag:s22] =	ssyncset.done $0x0  }
0xa0: {  	[sflag:s22] =	ssyncadd.s32 s3;
	_ =	sdelay $0x1  }
0xa1: {  	s23 =	simm.s32 $0x1B8B  }
0xa2: {  	_ =	swait.ge [sflag:s23], $0x1  }
0xa3: {  	[sflag:s23] =	ssyncset.done $0x0  }
0xa4: {  	s25 =	simm.s32 $0x1B8E;
	s24 =	sld [smem:$0x3FFE];
	[sflag:s23] =	ssyncadd.s32 $0xFFFFFFFF  }
0xa5: {  	s26 =	simm.s32 $execute0_lowered;
	[smem:$0x3FD2] =	sst s25  }
0xa6: {  	s4 =	sshll.u32 s26, $0x1;
	_ =	strace $0x8000004C;
	[dreg:$0x1] =	wrdreg $0xFFFFFFFF  }
0xa7: {  	s28 =	simm.s32 $_size_execute0_lowered;
	s2 =	sadd.s32 s2, s4;
	[dreg:$0x0] =	wrdreg $0x0  }
0xa8: {  	s4 =	sshll.u32 s28, $0x1;
	[dreg:$0x2] =	wrdreg s2  }
0xa9: {  	[dreg:$0x3] =	wrdreg s4  }
0xaa: {  	[dreg:$0x4] =	wrdreg $0xC0  }
0xab: {  	_ =	task [dreg:s6], $0x5FFFF  }
0xac: {  	[dreg:$0x1] =	wrdreg $0xFFFFFFFF  }
0xad: {  	[dreg:$0x0] =	wrdreg $0x60  }
0xae: {  	[dreg:$0x2] =	wrdreg s24  }
0xaf: {  	[dreg:$0x3] =	wrdreg $0x41000  }
0xb0: {  	[dreg:$0x4] =	wrdreg $0x9  }
0xb1: {  	_ =	task.clear_ibuf [dreg:s6], $0x5FFFF;
	_ =	strace $0x9000004C  }
0xb2: {  	s29 =	simm.s32 $0x9;
	_ =	strace $0x8000004E  }
0xb3: {  	_ =	swait.ge [sflag:s29], $0x1  }
0xb4: {  	[sflag:s29] =	ssyncadd.s32 $0xFFFFFFFF  }
0xb5: {  	_ =	strace $0x9000004E  }
0xb6: {  	_ =	sfence  }
0xb7: {  	s30 =	sld [smem:$0x0];
	_ =	sdelay $0x2  }
0xb8: {  	s31 =	sshll.u32 s1, $0xD;
	s1 =	sshrl.u32 s1, $0x2  }
0xb9: {  	s3 =	sand.u32 $0x4000, s31;
	s1 =	sadd.s32 s1, s30  }
0xba: {  	s0 =	sor.u32 s3, s0;
	s1 =	sshll.u32 s1, $0x11  }
0xbb: {  	s0 =	sor.u32 s1, s0  }
0xbc: {  	s0 =	sadd.s32 $0x8F2B, s0  }
0xbd: {  	[sflag:s0] =	ssyncadd.remote.s32 $0x1  }
0xbe: {  	_ =	sfence.sel $0xFFFF  }
0xbf: {  	[dreg:$0x0] =	wrdreg $0xFFFFFFFF;
	(pc) =	sbr.abs _section_cstart, $3  }
0xc0: {  	[dreg:$0x1] =	wrdreg $0xFFFFFFFF  }
0xc1: {  	_ =	task.clear_ibuf [dreg:s6], $0x2FFFF;
	_ =	strace $0x9FFFFFFF  }
0xc2: {  	(tm) =	ssettm $0x7FFFFFFF  }
0xc3: {  	_ =	shalt  }
tec
execute0_lowered:
.L_overlay_start_1:
0x0: {  	(tag) =	ssettag $0x1  }
0x1: {  	s5 =	rddreg [dreg:$0x0]  }
0x2: {  	s2 =	rddreg [dreg:$0x1]  }
0x3: {  	s0 =	rddreg [dreg:$0x2]  }
0x4: {  	s3 =	simm.s32 $0x0;
	s1 =	stileid.u32;
	s4 =	srdreg.scid  }
0x5: {  	s16 =	simm.s32 $0x80;
	s17 =	simm.s32 $0x1;
	s20 =	simm.s32 $0x0  }
0x6: {  	[smem:$0x7FF] =	sst s3;
	s10 =	sand.u32 $0x1, s4;
	s6 =	smul.u32 $0x2800, s1  }
0x7: {  	s4 =	sadd.s32 $0x2EE00, s5;
	s8 =	sshll.u32 s1, $0x5;
	s9 =	sshll.u32 s1, $0x4  }
0x8: {  	s11 =	smul.u32 $0x50000, s1;
	s18 =	sshll.u32 s1, $0x6;
	_ =	strace $0x8000004D  }
0x9: {  	s7 =	smul.u32 $0x28000, s10;
	s13 =	sadd.s32 s8, s5;
	s12 =	sadd.s32 s9, s5  }
0xa: {  	s28 =	ssub.s32 $0x2, s10;
	s15 =	sshll.u32 s10, $0x4;
	s18 =	sor.u32 $0x1C02, s18  }
0xb: {  	s29 =	sshrl.u32 s28, $0x1;
	s30 =	sshrl.u32 s11, $0x2;
	s12 =	sadd.s32 $0x10E00, s12  }
0xc: {  	s13 =	sadd.s32 s15, s13;
	s15 =	simm.s32 $0x2;
	s6 =	sadd.s32 s6, s7  }
0xd: {  	s14 =	ssub.s32 s28, s29;
	s13 =	sadd.s32 $0x1AE00, s13;
	s31 =	sadd.s32 s6, s5  }
0xe: {  	s5 =	sadd.s32 s30, s2;
	s11 =	smax.u32 s14, $0x1;
	s14 =	simm.s32 $0x100  }
0xf: {  	s6 =	sadd.s32 $0x4000, s5;
	s7 =	sadd.s32 $0x8000, s5;
	s8 =	sadd.s32 $0xC000, s5  }
0x10: {  	v0 =	vimm.f32 $0.0e+00;
	s9 =	sadd.s32 $0x10000, s5;
	s10 =	sadd.s32 $0x7D000, s31;
	s19 =	sshrl.u32 s5, $0x3  }
.LBB2_1:
0x11: {  	s21 =	simm.s32 $0x0;
	s22 =	simm.s32 $0x200  }
.LBB2_2:
0x12: {  	p0 =	sne.s32 s22, $0xFE00;
	[tilespmem:s21+$0x170] =	vst v0  }
0x13: {  	[tilespmem:s21+$0x100] =	vst v0  }
0x14: {  	[tilespmem:s21+$0x110] =	vst v0  }
.Ltmp0:
0x15: {  	[tilespmem:s21+$0x120] =	vst v0;
	(pc) =	sbr.rel @p0 .LBB2_2-.Ltmp0, $4  }
0x16: {  	[tilespmem:s21+$0x130] =	vst v0  }
0x17: {  	[tilespmem:s21+$0x140] =	vst v0  }
0x18: {  	[tilespmem:s21+$0x150] =	vst v0  }
0x19: {  	[tilespmem:s21+$0x160] =	vst v0;
	s21 =	sshra.s32 s22, $0x2;
	s22 =	sadd.s32 $0x200, s22  }
0x1a: {  	[tilespmem:s21+$0x170] =	vst v0  }
0x1b: {  	[tilespmem:s21+$0x100] =	vst v0  }
0x1c: {  	[tilespmem:s21+$0x110] =	vst v0  }
0x1d: {  	[tilespmem:s21+$0x120] =	vst v0  }
0x1e: {  	[tilespmem:s21+$0x130] =	vst v0  }
0x1f: {  	[tilespmem:s21+$0x140] =	vst v0  }
0x20: {  	[tilespmem:s21+$0x150] =	vst v0  }
0x21: {  	[tilespmem:s21+$0x160] =	vst v0  }
0x22: {  	[spmem:s5] =	stream.linear.scatter [tilespmem:s14], [sflag:$0x2], $0x4000, $0x38;
	[tilespmem:$0x18100] =	vst v63  }
0x23: {  	_ =	swait.ge [sflag:s15], $0x4000  }
0x24: {  	[sflag:s15] =	ssyncset.done $0x0  }
0x25: {  	[sflag:s15] =	ssyncadd.s32 $0xFFFFC000  }
0x26: {  	[spmem:s6] =	stream.linear.scatter [tilespmem:s14], [sflag:$0x2], $0x4000, $0x38;
	[tilespmem:$0x18100] =	vst v63  }
0x27: {  	_ =	swait.ge [sflag:s15], $0x4000  }
0x28: {  	[sflag:s15] =	ssyncset.done $0x0  }
0x29: {  	[sflag:s15] =	ssyncadd.s32 $0xFFFFC000  }
0x2a: {  	[spmem:s7] =	stream.linear.scatter [tilespmem:s14], [sflag:$0x2], $0x4000, $0x38;
	[tilespmem:$0x18100] =	vst v63  }
0x2b: {  	_ =	swait.ge [sflag:s15], $0x4000  }
0x2c: {  	[sflag:s15] =	ssyncset.done $0x0  }
0x2d: {  	[sflag:s15] =	ssyncadd.s32 $0xFFFFC000  }
0x2e: {  	[spmem:s8] =	stream.linear.scatter [tilespmem:s14], [sflag:$0x2], $0x4000, $0x38;
	[tilespmem:$0x18100] =	vst v63  }
0x2f: {  	_ =	swait.ge [sflag:s15], $0x4000  }
0x30: {  	[sflag:s15] =	ssyncset.done $0x0  }
0x31: {  	[sflag:s15] =	ssyncadd.s32 $0xFFFFC000  }
0x32: {  	[spmem:s9] =	stream.linear.scatter [tilespmem:s14], [sflag:$0x2], $0x4000, $0x38;
	[tilespmem:$0x18100] =	vst v63  }
0x33: {  	_ =	swait.ge [sflag:s15], $0x4000  }
0x34: {  	[sflag:s15] =	ssyncset.done $0x0  }
0x35: {  	[sflag:s15] =	ssyncadd.s32 $0xFFFFC000  }
0x36: {  	[bflag:$0x0] =	sbarrier.arrive $0xFFFF  }
0x37: {  	[tilespmem:s3], [sflag:$0x2] =	stream.linear.gather [hbm4b:s13+s3], $0x80, $0x38;
	[tilespmem:$0x18100] =	vst v63  }
0x38: {  	_ =	swait.ge [sflag:s15], $0x80  }
0x39: {  	[sflag:s15] =	ssyncset.done $0x0  }
0x3a: {  	s31 =	sadd.s32 $0x0, s12;
	[sflag:s15] =	ssyncadd.s32 $0xFFFFFF80  }
0x3b: {  	[tilespmem:s16], [sflag:$0x2] =	stream.linear.gather [hbm4b:s31+s3], $0x80, $0x38;
	[tilespmem:$0x18100] =	vst v63  }
0x3c: {  	_ =	swait.ge [sflag:s15], $0x80  }
0x3d: {  	[sflag:s15] =	ssyncset.done $0x0  }
0x3e: {  	[sflag:s15] =	ssyncadd.s32 $0xFFFFFF80  }
0x3f: {  	[tilespmem:s14], [sflag:$0x1] =	stream.indirect.gather [hbm4b:s4+s16], $0x80, s3, s16, $0xb8;
	[tilespmem:$0x18100] =	vst v63  }
0x40: {  	_ =	swait.ge [sflag:s17], $0x4000  }
0x41: {  	[sflag:s17] =	ssyncset.done $0x0  }
0x42: {  	[sflag:s17] =	ssyncadd.s32 $0xFFFFC000  }
0x43: {  	[spmem:s2] =	stream.indirect.scatter.add.f32 [tilespmem:s14], [sflag:$0x2], $0x80, s16, s16, $0xb8;
	[tilespmem:$0x18100] =	vst v63  }
0x44: {  	_ =	swait.ge [sflag:s15], $0x4000  }
0x45: {  	s21 =	simm.s32 $0x100;
	s22 =	smov.u32 s13;
	[sflag:s15] =	ssyncset.done $0x0  }
.LBB2_4:
0x46: {  	p0 =	sne.s32 s21, $0x9F00;
	[sflag:s15] =	ssyncadd.s32 $0xFFFFC000;
	s22 =	sadd.s32 $0x200, s22  }
0x47: {  	[tilespmem:s3], [sflag:$0x2] =	stream.linear.gather [hbm4b:s22+s3], $0x80, $0x38;
	[tilespmem:$0x18100] =	vst v63  }
0x48: {  	s23 =	smov.u32 s21;
	s21 =	sadd.s32 $0x100, s21;
	_ =	swait.ge [sflag:s15], $0x80  }
0x49: {  	[sflag:s15] =	ssyncset.done $0x0  }
0x4a: {  	s23 =	sadd.s32 s23, s12;
	[sflag:s15] =	ssyncadd.s32 $0xFFFFFF80  }
0x4b: {  	[tilespmem:s16], [sflag:$0x2] =	stream.linear.gather [hbm4b:s23+s3], $0x80, $0x38;
	[tilespmem:$0x18100] =	vst v63  }
0x4c: {  	_ =	swait.ge [sflag:s15], $0x80  }
0x4d: {  	[sflag:s15] =	ssyncset.done $0x0  }
0x4e: {  	[sflag:s15] =	ssyncadd.s32 $0xFFFFFF80  }
0x4f: {  	[tilespmem:s14], [sflag:$0x1] =	stream.indirect.gather [hbm4b:s4+s16], $0x80, s3, s16, $0xb8;
	[tilespmem:$0x18100] =	vst v63  }
0x50: {  	_ =	swait.ge [sflag:s17], $0x4000  }
.Ltmp1:
0x51: {  	[sflag:s17] =	ssyncset.done $0x0;
	(pc) =	sbr.rel @p0 .LBB2_4-.Ltmp1, $4  }
0x52: {  	[sflag:s17] =	ssyncadd.s32 $0xFFFFC000  }
0x53: {  	[spmem:s2] =	stream.indirect.scatter.add.f32 [tilespmem:s14], [sflag:$0x2], $0x80, s16, s16, $0xb8;
	[tilespmem:$0x18100] =	vst v63  }
0x54: {  	_ =	swait.ge [sflag:s15], $0x4000  }
0x55: {  	[sflag:s15] =	ssyncset.done $0x0  }
0x56: {  	s20 =	sadd.s32 $0x1, s20  }
0x57: {  	[sflag:s15] =	ssyncadd.s32 $0xFFFFC000;
	p0 =	sne.s32 s20, s11  }
.Ltmp2:
0x58: {  	[bflag:$0x0] =	sbarrier.arrive $0xFFFF;
	(pc) =	sbr.rel @p0 .LBB2_1-.Ltmp2, $4  }
0x59: {  	[hbm:s10], [sflag:s18] =	dma.local [spmem:s19], $0x2800  }
0x5a: {  	_ =	swait.ge [sflag:s15], $0x2800  }
0x5b: {  	[sflag:s15] =	ssyncset.done $0x0  }
0x5c: {  	[sflag:s15] =	ssyncadd.s32 $0xFFFFD800  }
0x5d: {  	_ =	sfence.sel $0x180000  }
0x5e: {  	[bflag:$0x0] =	sbarrier.arrive $0xFFFF  }
0x5f: {  	p0 =	sne.s32 s1, $0x0;
	_ =	strace $0x9000004D  }
0x60: {  	s0 =	sadd.s32 @!p0 $0x100000, s0;
	[bflag:$0x2] =	sbarrier.arrive $0xFFFF  }
0x61: {  	[sflag:s0] =	ssyncadd.tile.s32 @!p0 $0x1;
	_ =	shalt  }
.Lfunc_end2:
_tile_overlayer_lowered:
.L_overlay_start_2:
0x62: {  	(tag) =	ssettag $0x2  }
0x63: {  	s0 =	rddreg [dreg:$0x0];
	s2 =	stileid.u32  }
0x64: {  	s1 =	rddreg [dreg:$0x1];
	p0 =	sne.s32 s2, $0x0  }
0x65: {  	s3 =	rddreg [dreg:$0x2];
	[bflag:$0x3] =	sbarrier.arrive $0xFFFF;
	s2 =	simm.s32 @!p0 $0x1C02  }
0x66: {  	[timem:s3], [sflag:s2] =	dma.local @!p0 [hbm:s0], s1  }
0x67: {  	s0 =	simm.s32 @!p0 $0x2  }
0x68: {  	_ =	swait.ge @!p0 [sflag:s0], s1  }
0x69: {  	s1 =	ssub.s32 @!p0 $0x0, s1;
	[sflag:s0] =	ssyncset.done @!p0 $0x0  }
0x6a: {  	[sflag:s0] =	ssyncadd.s32 @!p0 s1  }
0x6b: {  	[bflag:$0x3] =	sbarrier.arrive $0xFFFF  }
0x6c: {  	_ =	shalt  }

// kernel: kernel.23.cloned.1.call-start
scs
__scs_entry_jumppad:
0x0: {  	(pc) =	sbr.rel $0x88, $3  }
0x1: {  	(tag) =	ssettag $0x0;
	lr =	simm.s32 $0x1  }
0x2: {  	[smem:$0x3F81] =	sst lr;
	_ =	strace $0xD0000000  }
0x3: {  	_ = 	snop  }
0x4: {  	_ = 	snop  }
0x5: {  	_ = 	snop  }
0x6: {  	_ = 	snop  }
0x7: {  	_ = 	snop  }
__scs_overlays_trampoline_lowered:
0x8: {  	[smem:$0x3F90] =	sst s0  }
0x9: {  	[smem:$0x3F91] =	sst s1  }
0xa: {  	[smem:$0x3F92] =	sst s2  }
0xb: {  	[smem:$0x3F93] =	sst s3  }
0xc: {  	[smem:$0x3F94] =	sst s4  }
0xd: {  	[smem:$0x3F95] =	sst s5  }
0xe: {  	[smem:$0x3F96] =	sst s6  }
0xf: {  	[smem:$0x3F97] =	sst s7  }
0x10: {  	[smem:$0x3F98] =	sst s8  }
0x11: {  	[smem:$0x3F99] =	sst s9;
	s0 =	simm.s32 @!p0 $0x0  }
0x12: {  	s1 =	sld [smem:$0x3F7F];
	s0 =	simm.s32 @p0 $0x1  }
0x13: {  	[smem:$0x3F9A] =	sst s0;
	s0 =	simm.s32 @!p1 $0x0  }
0x14: {  	s2 =	sld [smem:$0x3F7E];
	s0 =	simm.s32 @p1 $0x1  }
0x15: {  	[smem:$0x3F9B] =	sst s0;
	s0 =	simm.s32 @!p2 $0x0  }
0x16: {  	s3 =	sld [smem:$0x3FDB];
	s0 =	simm.s32 @p2 $0x1  }
0x17: {  	s4 =	simm.s32 $0x1BF5;
	[smem:$0x3F9D] =	sst s0  }
0x18: {  	s0 =	sld [smem:$0x3F80];
	_ =	swait.ge [sflag:s4], $0x0  }
0x19: {  	s7 =	sld [smem:$0x3F81]  }
0x1a: {  	s8 =	sadd.s32 $0xFFFFE003, lr  }
0x1b: {  	s9 =	sadd.s32 $0xFFFFFEF7, lr;
	s5 =	simm.s32 $0xFFFFFFFF;
	p2 =	slt.u32 s8, $0xFFFFF086  }
0x1c: {  	p1 =	slt.u32 s9, $0xF7A;
	s5 =	simm.s32 @!p2 $0x0  }
0x1d: {  	s5 =	simm.s32 @p1 $0x1;
	p0 =	seq.s32 s7, s2  }
0x1e: {  	s7 =	smul.u32 @!p0 $0xF7A, s2;
	p2 =	seq.s32 @!p0 s5, $0x0  }
0x1f: {  	s9 =	smul.u32 $0xF7A, s1;
	s8 =	simm.s32 @!p0 $0x1BF5;
	p2 =	por !p2, p0  }
0x20: {  	[sflag:s8] =	ssyncset.s32 @!p0 $0xFFFFF086;
	s6 =	sadd.s32 @!p0 s3, s7;
	s7 =	simm.s32 @!p0 $0x108  }
0x21: {  	s3 =	sadd.s32 s3, s9;
	s6 =	sadd.s32 @!p0 $0x88, s6;
	s7 =	simm.s32 @p2 $0x1082  }
0x22: {  	[simem:s7], [sflag:s8] =	dma.local @!p0 [hbm:s6], $0xF7A  }
0x23: {  	s9 =	sor.u32 $0xD0000000, s2;
	s6 =	simm.s32 $0x108;
	_ =	swait.ge @!p0 [sflag:s8], $0x0  }
0x24: {  	s3 =	sadd.s32 $0x88, s3;
	s6 =	simm.s32 @!p1 $0x1082;
	[sflag:s4] =	ssyncset.s32 $0xFFFFF086  }
0x25: {  	[simem:s6], [sflag:s4] =	dma.local [hbm:s3], $0xF7A  }
0x26: {  	[smem:$0x3F81] =	sst s1;
	(tag) =	ssettag s2;
	_ =	strace s9  }
0x27: {  	s1 =	sld [smem:$0x3F91]  }
0x28: {  	s2 =	sld [smem:$0x3F92]  }
0x29: {  	s4 =	sld [smem:$0x3F94]  }
0x2a: {  	p0 =	seq.s32 s5, $0x0;
	s5 =	sld [smem:$0x3F95]  }
0x2b: {  	s6 =	sld [smem:$0x3F96]  }
0x2c: {  	s7 =	sld [smem:$0x3F97]  }
0x2d: {  	s3 =	simm.s32 $0x108;
	s8 =	sld [smem:$0x3F98]  }
0x2e: {  	s3 =	simm.s32 @!p0 $0x1082;
	s9 =	sld [smem:$0x3F99]  }
0x2f: {  	lr =	sadd.s32 s0, s3;
	s0 =	sld [smem:$0x3F90]  }
0x30: {  	s3 =	sld [smem:$0x3F93]  }
0x31: {  	[smem:$0x3F9C] =	sst s10  }
0x32: {  	s10 =	sld [smem:$0x3F9A];
	_ =	sdelay $0x3  }
0x33: {  	p0 =	seq.s32 s10, $0x1;
	s10 =	sld [smem:$0x3F9C];
	_ =	sdelay $0x3  }
0x34: {  	[smem:$0x3F9C] =	sst s10  }
0x35: {  	s10 =	sld [smem:$0x3F9B];
	_ =	sdelay $0x3  }
0x36: {  	p1 =	seq.s32 s10, $0x1;
	s10 =	sld [smem:$0x3F9C];
	_ =	sdelay $0x3  }
0x37: {  	[smem:$0x3F9C] =	sst s10  }
0x38: {  	s10 =	sld [smem:$0x3F9D]  }
0x39: {  	_ = 	snop;
	(pc) =	sbr.ind lr, $3  }
0x3a: {  	_ = 	snop  }
0x3b: {  	_ = 	snop  }
0x3c: {  	p2 =	seq.s32 s10, $0x1;
	s10 =	sld [smem:$0x3F9C]  }
0x3d: {  	_ =	shalt  }
0x3e: {  	_ =	shalt  }
0x3f: {  	_ =	shalt  }
0x40: {  	_ =	shalt  }
0x41: {  	_ =	shalt  }
0x42: {  	_ =	shalt  }
0x43: {  	_ =	shalt  }
0x44: {  	_ =	shalt  }
0x45: {  	_ =	shalt  }
0x46: {  	_ =	shalt  }
0x47: {  	_ =	shalt  }
0x48: {  	_ =	shalt  }
0x49: {  	_ =	shalt  }
0x4a: {  	_ =	shalt  }
0x4b: {  	_ =	shalt  }
0x4c: {  	_ =	shalt  }
0x4d: {  	_ =	shalt  }
0x4e: {  	_ =	shalt  }
0x4f: {  	_ =	shalt  }
0x50: {  	_ =	shalt  }
0x51: {  	_ =	shalt  }
0x52: {  	_ =	shalt  }
0x53: {  	_ =	shalt  }
0x54: {  	_ =	shalt  }
0x55: {  	_ =	shalt  }
0x56: {  	_ =	shalt  }
0x57: {  	_ =	shalt  }
0x58: {  	_ =	shalt  }
0x59: {  	_ =	shalt  }
0x5a: {  	_ =	shalt  }
0x5b: {  	_ =	shalt  }
0x5c: {  	_ =	shalt  }
0x5d: {  	_ =	shalt  }
0x5e: {  	_ =	shalt  }
0x5f: {  	_ =	shalt  }
0x60: {  	_ =	shalt  }
0x61: {  	_ =	shalt  }
0x62: {  	_ =	shalt  }
0x63: {  	_ =	shalt  }
0x64: {  	_ =	shalt  }
0x65: {  	_ =	shalt  }
0x66: {  	_ =	shalt  }
0x67: {  	_ =	shalt  }
0x68: {  	_ =	shalt  }
0x69: {  	_ =	shalt  }
0x6a: {  	_ =	shalt  }
0x6b: {  	_ =	shalt  }
0x6c: {  	_ =	shalt  }
0x6d: {  	_ =	shalt  }
0x6e: {  	_ =	shalt  }
0x6f: {  	_ =	shalt  }
0x70: {  	_ =	shalt  }
0x71: {  	_ =	shalt  }
0x72: {  	_ =	shalt  }
0x73: {  	_ =	shalt  }
0x74: {  	_ =	shalt  }
0x75: {  	_ =	shalt  }
0x76: {  	_ =	shalt  }
0x77: {  	_ =	shalt  }
0x78: {  	_ =	shalt  }
0x79: {  	_ =	shalt  }
0x7a: {  	_ =	shalt  }
0x7b: {  	_ =	shalt  }
0x7c: {  	_ =	shalt  }
0x7d: {  	_ =	shalt  }
0x7e: {  	_ =	shalt  }
0x7f: {  	_ =	shalt  }
0x80: {  	_ =	shalt  }
0x81: {  	_ =	shalt  }
0x82: {  	_ =	shalt  }
0x83: {  	_ =	shalt  }
0x84: {  	_ =	shalt  }
0x85: {  	_ =	shalt  }
0x86: {  	_ =	shalt  }
0x87: {  	_ =	shalt  }
.Lfunc_end0:
.L_simem_size_0:
called_computation.3_lowered:
.L_overlay_start_0:
0x88: {  	s2 =	sld [smem:$0x3FD9]  }
0x89: {  	s3 =	sld [smem:$0x3FFE];
	_ =	sdelay $0x1  }
0x8a: {  	s1 =	srdreg.scid  }
0x8b: {  	s0 =	sand.u32 $0x1, s1  }
0x8c: {  	s16 =	sshll.u32 s0, $0xA;
	s2 =	sadd.s32 s3, s2  }
0x8d: {  	s2 =	sadd.s32 s2, s16  }
0x8e: {  	[smem:$0x3FA8] =	sst s2  }
0x8f: {  	_ = 	snop  }
0x90: {  	(tm) =	ssettm $0x1  }
0x91: {  	s17 =	sld [smem:$0x3FFB];
	_ =	sdelay $0x3  }
0x92: {  	_ =	strace s17  }
0x93: {  	s2 =	sld [smem:$0x3FFC];
	_ =	sdelay $0x3  }
0x94: {  	_ =	strace s2  }
0x95: {  	s2 =	sld [smem:$0x3FFD];
	_ =	sdelay $0x3  }
0x96: {  	_ =	strace s2  }
0x97: {  	_ =	strace $0x8FFFFFFF  }
0x98: {  	s18 =	sld [smem:$0x3FDB];
	_ =	sdelay $0x1  }
0x99: {  	s19 =	simm.s32 $_scs_section_size  }
0x9a: {  	s4 =	simm.s32 $_size__tile_overlayer_lowered;
	s5 =	simm.s32 $_tile_overlayer_lowered  }
0x9b: {  	s22 =	simm.s32 $0x1BFF;
	s21 =	sshll.u32 s5, $0x1;
	s2 =	sadd.s32 s19, s18  }
0x9c: {  	s6 =	simm.s32 $0x0;
	s20 =	sshll.u32 s4, $0x1;
	s4 =	sadd.s32 s21, s2  }
0x9d: {  	[timem:s6], [sflag:s22] =	dma.local [hbm:s4], s20  }
0x9e: {  	_ =	swait.ge [sflag:s22], s20  }
0x9f: {  	s3 =	ssub.s32 $0x0, s20;
	[sflag:s22] =	ssyncset.done $0x0  }
0xa0: {  	[sflag:s22] =	ssyncadd.s32 s3;
	_ =	sdelay $0x1  }
0xa1: {  	s23 =	simm.s32 $0x1B8B  }
0xa2: {  	_ =	swait.ge [sflag:s23], $0x1  }
0xa3: {  	[sflag:s23] =	ssyncset.done $0x0  }
0xa4: {  	s25 =	simm.s32 $0x1B8E;
	s24 =	sld [smem:$0x3FFE];
	[sflag:s23] =	ssyncadd.s32 $0xFFFFFFFF  }
0xa5: {  	s26 =	simm.s32 $execute0_lowered;
	[smem:$0x3FD2] =	sst s25  }
0xa6: {  	s4 =	sshll.u32 s26, $0x1;
	_ =	strace $0x8000004F;
	[dreg:$0x1] =	wrdreg $0xFFFFFFFF  }
0xa7: {  	s28 =	simm.s32 $_size_execute0_lowered;
	s2 =	sadd.s32 s2, s4;
	[dreg:$0x0] =	wrdreg $0x0  }
0xa8: {  	s4 =	sshll.u32 s28, $0x1;
	[dreg:$0x2] =	wrdreg s2  }
0xa9: {  	[dreg:$0x3] =	wrdreg s4  }
0xaa: {  	[dreg:$0x4] =	wrdreg $0xC0  }
0xab: {  	_ =	task [dreg:s6], $0x5FFFF  }
0xac: {  	[dreg:$0x1] =	wrdreg $0xFFFFFFFF  }
0xad: {  	[dreg:$0x0] =	wrdreg $0x60  }
0xae: {  	[dreg:$0x2] =	wrdreg s24  }
0xaf: {  	[dreg:$0x3] =	wrdreg $0x41000  }
0xb0: {  	[dreg:$0x4] =	wrdreg $0x9  }
0xb1: {  	_ =	task.clear_ibuf [dreg:s6], $0x5FFFF;
	_ =	strace $0x9000004F  }
0xb2: {  	s29 =	simm.s32 $0x9;
	_ =	strace $0x80000051  }
0xb3: {  	_ =	swait.ge [sflag:s29], $0x1  }
0xb4: {  	[sflag:s29] =	ssyncadd.s32 $0xFFFFFFFF  }
0xb5: {  	_ =	strace $0x90000051  }
0xb6: {  	_ =	sfence  }
0xb7: {  	s30 =	sld [smem:$0x0];
	_ =	sdelay $0x2  }
0xb8: {  	s31 =	sshll.u32 s1, $0xD;
	s1 =	sshrl.u32 s1, $0x2  }
0xb9: {  	s3 =	sand.u32 $0x4000, s31;
	s1 =	sadd.s32 s1, s30  }
0xba: {  	s0 =	sor.u32 s3, s0;
	s1 =	sshll.u32 s1, $0x11  }
0xbb: {  	s0 =	sor.u32 s1, s0  }
0xbc: {  	s0 =	sadd.s32 $0x8F2B, s0  }
0xbd: {  	[sflag:s0] =	ssyncadd.remote.s32 $0x1  }
0xbe: {  	_ =	sfence.sel $0xFFFF  }
0xbf: {  	[dreg:$0x0] =	wrdreg $0xFFFFFFFF;
	(pc) =	sbr.abs _section_cstart, $3  }
0xc0: {  	[dreg:$0x1] =	wrdreg $0xFFFFFFFF  }
0xc1: {  	_ =	task.clear_ibuf [dreg:s6], $0x2FFFF;
	_ =	strace $0x9FFFFFFF  }
0xc2: {  	(tm) =	ssettm $0x7FFFFFFF  }
0xc3: {  	_ =	shalt  }
tec
execute0_lowered:
.L_overlay_start_1:
0x0: {  	(tag) =	ssettag $0x1  }
0x1: {  	s5 =	rddreg [dreg:$0x0]  }
0x2: {  	s2 =	rddreg [dreg:$0x1]  }
0x3: {  	s0 =	rddreg [dreg:$0x2]  }
0x4: {  	s3 =	simm.s32 $0x0;
	s1 =	stileid.u32;
	s4 =	srdreg.scid  }
0x5: {  	s16 =	simm.s32 $0x80;
	s17 =	simm.s32 $0x1;
	s20 =	simm.s32 $0x0  }
0x6: {  	[smem:$0x7FF] =	sst s3;
	s10 =	sand.u32 $0x1, s4;
	s6 =	smul.u32 $0x2800, s1  }
0x7: {  	s4 =	sadd.s32 $0x2EE00, s5;
	s8 =	sshll.u32 s1, $0x5;
	s9 =	sshll.u32 s1, $0x4  }
0x8: {  	s11 =	smul.u32 $0x50000, s1;
	s18 =	sshll.u32 s1, $0x6;
	_ =	strace $0x80000050  }
0x9: {  	s7 =	smul.u32 $0x28000, s10;
	s13 =	sadd.s32 s8, s5;
	s12 =	sadd.s32 s9, s5  }
0xa: {  	s28 =	ssub.s32 $0x2, s10;
	s15 =	sshll.u32 s10, $0x4;
	s18 =	sor.u32 $0x1C02, s18  }
0xb: {  	s29 =	sshrl.u32 s28, $0x1;
	s30 =	sshrl.u32 s11, $0x2;
	s12 =	sadd.s32 $0x10E00, s12  }
0xc: {  	s13 =	sadd.s32 s15, s13;
	s15 =	simm.s32 $0x2;
	s6 =	sadd.s32 s6, s7  }
0xd: {  	s14 =	ssub.s32 s28, s29;
	s13 =	sadd.s32 $0x1AE00, s13;
	s31 =	sadd.s32 s6, s5  }
0xe: {  	s5 =	sadd.s32 s30, s2;
	s11 =	smax.u32 s14, $0x1;
	s14 =	simm.s32 $0x100  }
0xf: {  	s6 =	sadd.s32 $0x4000, s5;
	s7 =	sadd.s32 $0x8000, s5;
	s8 =	sadd.s32 $0xC000, s5  }
0x10: {  	v0 =	vimm.f32 $0.0e+00;
	s9 =	sadd.s32 $0x10000, s5;
	s10 =	sadd.s32 $0x7D000, s31;
	s19 =	sshrl.u32 s5, $0x3  }
.LBB2_1:
0x11: {  	s21 =	simm.s32 $0x0;
	s22 =	simm.s32 $0x200  }
.LBB2_2:
0x12: {  	p0 =	sne.s32 s22, $0xFE00;
	[tilespmem:s21+$0x170] =	vst v0  }
0x13: {  	[tilespmem:s21+$0x100] =	vst v0  }
0x14: {  	[tilespmem:s21+$0x110] =	vst v0  }
.Ltmp0:
0x15: {  	[tilespmem:s21+$0x120] =	vst v0;
	(pc) =	sbr.rel @p0 .LBB2_2-.Ltmp0, $4  }
0x16: {  	[tilespmem:s21+$0x130] =	vst v0  }
0x17: {  	[tilespmem:s21+$0x140] =	vst v0  }
0x18: {  	[tilespmem:s21+$0x150] =	vst v0  }
0x19: {  	[tilespmem:s21+$0x160] =	vst v0;
	s21 =	sshra.s32 s22, $0x2;
	s22 =	sadd.s32 $0x200, s22  }
0x1a: {  	[tilespmem:s21+$0x170] =	vst v0  }
0x1b: {  	[tilespmem:s21+$0x100] =	vst v0  }
0x1c: {  	[tilespmem:s21+$0x110] =	vst v0  }
0x1d: {  	[tilespmem:s21+$0x120] =	vst v0  }
0x1e: {  	[tilespmem:s21+$0x130] =	vst v0  }
0x1f: {  	[tilespmem:s21+$0x140] =	vst v0  }
0x20: {  	[tilespmem:s21+$0x150] =	vst v0  }
0x21: {  	[tilespmem:s21+$0x160] =	vst v0  }
0x22: {  	[spmem:s5] =	stream.linear.scatter [tilespmem:s14], [sflag:$0x2], $0x4000, $0x38;
	[tilespmem:$0x18100] =	vst v63  }
0x23: {  	_ =	swait.ge [sflag:s15], $0x4000  }
0x24: {  	[sflag:s15] =	ssyncset.done $0x0  }
0x25: {  	[sflag:s15] =	ssyncadd.s32 $0xFFFFC000  }
0x26: {  	[spmem:s6] =	stream.linear.scatter [tilespmem:s14], [sflag:$0x2], $0x4000, $0x38;
	[tilespmem:$0x18100] =	vst v63  }
0x27: {  	_ =	swait.ge [sflag:s15], $0x4000  }
0x28: {  	[sflag:s15] =	ssyncset.done $0x0  }
0x29: {  	[sflag:s15] =	ssyncadd.s32 $0xFFFFC000  }
0x2a: {  	[spmem:s7] =	stream.linear.scatter [tilespmem:s14], [sflag:$0x2], $0x4000, $0x38;
	[tilespmem:$0x18100] =	vst v63  }
0x2b: {  	_ =	swait.ge [sflag:s15], $0x4000  }
0x2c: {  	[sflag:s15] =	ssyncset.done $0x0  }
0x2d: {  	[sflag:s15] =	ssyncadd.s32 $0xFFFFC000  }
0x2e: {  	[spmem:s8] =	stream.linear.scatter [tilespmem:s14], [sflag:$0x2], $0x4000, $0x38;
	[tilespmem:$0x18100] =	vst v63  }
0x2f: {  	_ =	swait.ge [sflag:s15], $0x4000  }
0x30: {  	[sflag:s15] =	ssyncset.done $0x0  }
0x31: {  	[sflag:s15] =	ssyncadd.s32 $0xFFFFC000  }
0x32: {  	[spmem:s9] =	stream.linear.scatter [tilespmem:s14], [sflag:$0x2], $0x4000, $0x38;
	[tilespmem:$0x18100] =	vst v63  }
0x33: {  	_ =	swait.ge [sflag:s15], $0x4000  }
0x34: {  	[sflag:s15] =	ssyncset.done $0x0  }
0x35: {  	[sflag:s15] =	ssyncadd.s32 $0xFFFFC000  }
0x36: {  	[bflag:$0x0] =	sbarrier.arrive $0xFFFF  }
0x37: {  	[tilespmem:s3], [sflag:$0x2] =	stream.linear.gather [hbm4b:s13+s3], $0x80, $0x38;
	[tilespmem:$0x18100] =	vst v63  }
0x38: {  	_ =	swait.ge [sflag:s15], $0x80  }
0x39: {  	[sflag:s15] =	ssyncset.done $0x0  }
0x3a: {  	s31 =	sadd.s32 $0x0, s12;
	[sflag:s15] =	ssyncadd.s32 $0xFFFFFF80  }
0x3b: {  	[tilespmem:s16], [sflag:$0x2] =	stream.linear.gather [hbm4b:s31+s3], $0x80, $0x38;
	[tilespmem:$0x18100] =	vst v63  }
0x3c: {  	_ =	swait.ge [sflag:s15], $0x80  }
0x3d: {  	[sflag:s15] =	ssyncset.done $0x0  }
0x3e: {  	[sflag:s15] =	ssyncadd.s32 $0xFFFFFF80  }
0x3f: {  	[tilespmem:s14], [sflag:$0x1] =	stream.indirect.gather [hbm4b:s4+s16], $0x80, s3, s16, $0xb8;
	[tilespmem:$0x18100] =	vst v63  }
0x40: {  	_ =	swait.ge [sflag:s17], $0x4000  }
0x41: {  	[sflag:s17] =	ssyncset.done $0x0  }
0x42: {  	[sflag:s17] =	ssyncadd.s32 $0xFFFFC000  }
0x43: {  	[spmem:s2] =	stream.indirect.scatter.add.f32 [tilespmem:s14], [sflag:$0x2], $0x80, s16, s16, $0xb8;
	[tilespmem:$0x18100] =	vst v63  }
0x44: {  	_ =	swait.ge [sflag:s15], $0x4000  }
0x45: {  	s21 =	simm.s32 $0x100;
	s22 =	smov.u32 s13;
	[sflag:s15] =	ssyncset.done $0x0  }
.LBB2_4:
0x46: {  	p0 =	sne.s32 s21, $0x9F00;
	[sflag:s15] =	ssyncadd.s32 $0xFFFFC000;
	s22 =	sadd.s32 $0x200, s22  }
0x47: {  	[tilespmem:s3], [sflag:$0x2] =	stream.linear.gather [hbm4b:s22+s3], $0x80, $0x38;
	[tilespmem:$0x18100] =	vst v63  }
0x48: {  	s23 =	smov.u32 s21;
	s21 =	sadd.s32 $0x100, s21;
	_ =	swait.ge [sflag:s15], $0x80  }
0x49: {  	[sflag:s15] =	ssyncset.done $0x0  }
0x4a: {  	s23 =	sadd.s32 s23, s12;
	[sflag:s15] =	ssyncadd.s32 $0xFFFFFF80  }
0x4b: {  	[tilespmem:s16], [sflag:$0x2] =	stream.linear.gather [hbm4b:s23+s3], $0x80, $0x38;
	[tilespmem:$0x18100] =	vst v63  }
0x4c: {  	_ =	swait.ge [sflag:s15], $0x80  }
0x4d: {  	[sflag:s15] =	ssyncset.done $0x0  }
0x4e: {  	[sflag:s15] =	ssyncadd.s32 $0xFFFFFF80  }
0x4f: {  	[tilespmem:s14], [sflag:$0x1] =	stream.indirect.gather [hbm4b:s4+s16], $0x80, s3, s16, $0xb8;
	[tilespmem:$0x18100] =	vst v63  }
0x50: {  	_ =	swait.ge [sflag:s17], $0x4000  }
.Ltmp1:
0x51: {  	[sflag:s17] =	ssyncset.done $0x0;
	(pc) =	sbr.rel @p0 .LBB2_4-.Ltmp1, $4  }
0x52: {  	[sflag:s17] =	ssyncadd.s32 $0xFFFFC000  }
0x53: {  	[spmem:s2] =	stream.indirect.scatter.add.f32 [tilespmem:s14], [sflag:$0x2], $0x80, s16, s16, $0xb8;
	[tilespmem:$0x18100] =	vst v63  }
0x54: {  	_ =	swait.ge [sflag:s15], $0x4000  }
0x55: {  	[sflag:s15] =	ssyncset.done $0x0  }
0x56: {  	s20 =	sadd.s32 $0x1, s20  }
0x57: {  	[sflag:s15] =	ssyncadd.s32 $0xFFFFC000;
	p0 =	sne.s32 s20, s11  }
.Ltmp2:
0x58: {  	[bflag:$0x0] =	sbarrier.arrive $0xFFFF;
	(pc) =	sbr.rel @p0 .LBB2_1-.Ltmp2, $4  }
0x59: {  	[hbm:s10], [sflag:s18] =	dma.local [spmem:s19], $0x2800  }
0x5a: {  	_ =	swait.ge [sflag:s15], $0x2800  }
0x5b: {  	[sflag:s15] =	ssyncset.done $0x0  }
0x5c: {  	[sflag:s15] =	ssyncadd.s32 $0xFFFFD800  }
0x5d: {  	_ =	sfence.sel $0x180000  }
0x5e: {  	[bflag:$0x0] =	sbarrier.arrive $0xFFFF  }
0x5f: {  	p0 =	sne.s32 s1, $0x0;
	_ =	strace $0x90000050  }
0x60: {  	s0 =	sadd.s32 @!p0 $0x100000, s0;
	[bflag:$0x2] =	sbarrier.arrive $0xFFFF  }
0x61: {  	[sflag:s0] =	ssyncadd.tile.s32 @!p0 $0x1;
	_ =	shalt  }
.Lfunc_end2:
_tile_overlayer_lowered:
.L_overlay_start_2:
0x62: {  	(tag) =	ssettag $0x2  }
0x63: {  	s0 =	rddreg [dreg:$0x0];
	s2 =	stileid.u32  }
0x64: {  	s1 =	rddreg [dreg:$0x1];
	p0 =	sne.s32 s2, $0x0  }
0x65: {  	s3 =	rddreg [dreg:$0x2];
	[bflag:$0x3] =	sbarrier.arrive $0xFFFF;
	s2 =	simm.s32 @!p0 $0x1C02  }
0x66: {  	[timem:s3], [sflag:s2] =	dma.local @!p0 [hbm:s0], s1  }
0x67: {  	s0 =	simm.s32 @!p0 $0x2  }
0x68: {  	_ =	swait.ge @!p0 [sflag:s0], s1  }
0x69: {  	s1 =	ssub.s32 @!p0 $0x0, s1;
	[sflag:s0] =	ssyncset.done @!p0 $0x0  }
0x6a: {  	[sflag:s0] =	ssyncadd.s32 @!p0 s1  }
0x6b: {  	[bflag:$0x3] =	sbarrier.arrive $0xFFFF  }
0x6c: {  	_ =	shalt  }

// kernel: kernel.26.cloned.1.call-start
scs
__scs_entry_jumppad:
0x0: {  	(pc) =	sbr.rel $0x88, $3  }
0x1: {  	(tag) =	ssettag $0x0;
	lr =	simm.s32 $0x1  }
0x2: {  	[smem:$0x3F81] =	sst lr;
	_ =	strace $0xD0000000  }
0x3: {  	_ = 	snop  }
0x4: {  	_ = 	snop  }
0x5: {  	_ = 	snop  }
0x6: {  	_ = 	snop  }
0x7: {  	_ = 	snop  }
__scs_overlays_trampoline_lowered:
0x8: {  	[smem:$0x3F90] =	sst s0  }
0x9: {  	[smem:$0x3F91] =	sst s1  }
0xa: {  	[smem:$0x3F92] =	sst s2  }
0xb: {  	[smem:$0x3F93] =	sst s3  }
0xc: {  	[smem:$0x3F94] =	sst s4  }
0xd: {  	[smem:$0x3F95] =	sst s5  }
0xe: {  	[smem:$0x3F96] =	sst s6  }
0xf: {  	[smem:$0x3F97] =	sst s7  }
0x10: {  	[smem:$0x3F98] =	sst s8  }
0x11: {  	[smem:$0x3F99] =	sst s9;
	s0 =	simm.s32 @!p0 $0x0  }
0x12: {  	s1 =	sld [smem:$0x3F7F];
	s0 =	simm.s32 @p0 $0x1  }
0x13: {  	[smem:$0x3F9A] =	sst s0;
	s0 =	simm.s32 @!p1 $0x0  }
0x14: {  	s2 =	sld [smem:$0x3F7E];
	s0 =	simm.s32 @p1 $0x1  }
0x15: {  	[smem:$0x3F9B] =	sst s0;
	s0 =	simm.s32 @!p2 $0x0  }
0x16: {  	s3 =	sld [smem:$0x3FDB];
	s0 =	simm.s32 @p2 $0x1  }
0x17: {  	s4 =	simm.s32 $0x1BF5;
	[smem:$0x3F9D] =	sst s0  }
0x18: {  	s0 =	sld [smem:$0x3F80];
	_ =	swait.ge [sflag:s4], $0x0  }
0x19: {  	s7 =	sld [smem:$0x3F81]  }
0x1a: {  	s8 =	sadd.s32 $0xFFFFE003, lr  }
0x1b: {  	s9 =	sadd.s32 $0xFFFFFEF7, lr;
	s5 =	simm.s32 $0xFFFFFFFF;
	p2 =	slt.u32 s8, $0xFFFFF086  }
0x1c: {  	p1 =	slt.u32 s9, $0xF7A;
	s5 =	simm.s32 @!p2 $0x0  }
0x1d: {  	s5 =	simm.s32 @p1 $0x1;
	p0 =	seq.s32 s7, s2  }
0x1e: {  	s7 =	smul.u32 @!p0 $0xF7A, s2;
	p2 =	seq.s32 @!p0 s5, $0x0  }
0x1f: {  	s9 =	smul.u32 $0xF7A, s1;
	s8 =	simm.s32 @!p0 $0x1BF5;
	p2 =	por !p2, p0  }
0x20: {  	[sflag:s8] =	ssyncset.s32 @!p0 $0xFFFFF086;
	s6 =	sadd.s32 @!p0 s3, s7;
	s7 =	simm.s32 @!p0 $0x108  }
0x21: {  	s3 =	sadd.s32 s3, s9;
	s6 =	sadd.s32 @!p0 $0x88, s6;
	s7 =	simm.s32 @p2 $0x1082  }
0x22: {  	[simem:s7], [sflag:s8] =	dma.local @!p0 [hbm:s6], $0xF7A  }
0x23: {  	s9 =	sor.u32 $0xD0000000, s2;
	s6 =	simm.s32 $0x108;
	_ =	swait.ge @!p0 [sflag:s8], $0x0  }
0x24: {  	s3 =	sadd.s32 $0x88, s3;
	s6 =	simm.s32 @!p1 $0x1082;
	[sflag:s4] =	ssyncset.s32 $0xFFFFF086  }
0x25: {  	[simem:s6], [sflag:s4] =	dma.local [hbm:s3], $0xF7A  }
0x26: {  	[smem:$0x3F81] =	sst s1;
	(tag) =	ssettag s2;
	_ =	strace s9  }
0x27: {  	s1 =	sld [smem:$0x3F91]  }
0x28: {  	s2 =	sld [smem:$0x3F92]  }
0x29: {  	s4 =	sld [smem:$0x3F94]  }
0x2a: {  	p0 =	seq.s32 s5, $0x0;
	s5 =	sld [smem:$0x3F95]  }
0x2b: {  	s6 =	sld [smem:$0x3F96]  }
0x2c: {  	s7 =	sld [smem:$0x3F97]  }
0x2d: {  	s3 =	simm.s32 $0x108;
	s8 =	sld [smem:$0x3F98]  }
0x2e: {  	s3 =	simm.s32 @!p0 $0x1082;
	s9 =	sld [smem:$0x3F99]  }
0x2f: {  	lr =	sadd.s32 s0, s3;
	s0 =	sld [smem:$0x3F90]  }
0x30: {  	s3 =	sld [smem:$0x3F93]  }
0x31: {  	[smem:$0x3F9C] =	sst s10  }
0x32: {  	s10 =	sld [smem:$0x3F9A];
	_ =	sdelay $0x3  }
0x33: {  	p0 =	seq.s32 s10, $0x1;
	s10 =	sld [smem:$0x3F9C];
	_ =	sdelay $0x3  }
0x34: {  	[smem:$0x3F9C] =	sst s10  }
0x35: {  	s10 =	sld [smem:$0x3F9B];
	_ =	sdelay $0x3  }
0x36: {  	p1 =	seq.s32 s10, $0x1;
	s10 =	sld [smem:$0x3F9C];
	_ =	sdelay $0x3  }
0x37: {  	[smem:$0x3F9C] =	sst s10  }
0x38: {  	s10 =	sld [smem:$0x3F9D]  }
0x39: {  	_ = 	snop;
	(pc) =	sbr.ind lr, $3  }
0x3a: {  	_ = 	snop  }
0x3b: {  	_ = 	snop  }
0x3c: {  	p2 =	seq.s32 s10, $0x1;
	s10 =	sld [smem:$0x3F9C]  }
0x3d: {  	_ =	shalt  }
0x3e: {  	_ =	shalt  }
0x3f: {  	_ =	shalt  }
0x40: {  	_ =	shalt  }
0x41: {  	_ =	shalt  }
0x42: {  	_ =	shalt  }
0x43: {  	_ =	shalt  }
0x44: {  	_ =	shalt  }
0x45: {  	_ =	shalt  }
0x46: {  	_ =	shalt  }
0x47: {  	_ =	shalt  }
0x48: {  	_ =	shalt  }
0x49: {  	_ =	shalt  }
0x4a: {  	_ =	shalt  }
0x4b: {  	_ =	shalt  }
0x4c: {  	_ =	shalt  }
0x4d: {  	_ =	shalt  }
0x4e: {  	_ =	shalt  }
0x4f: {  	_ =	shalt  }
0x50: {  	_ =	shalt  }
0x51: {  	_ =	shalt  }
0x52: {  	_ =	shalt  }
0x53: {  	_ =	shalt  }
0x54: {  	_ =	shalt  }
0x55: {  	_ =	shalt  }
0x56: {  	_ =	shalt  }
0x57: {  	_ =	shalt  }
0x58: {  	_ =	shalt  }
0x59: {  	_ =	shalt  }
0x5a: {  	_ =	shalt  }
0x5b: {  	_ =	shalt  }
0x5c: {  	_ =	shalt  }
0x5d: {  	_ =	shalt  }
0x5e: {  	_ =	shalt  }
0x5f: {  	_ =	shalt  }
0x60: {  	_ =	shalt  }
0x61: {  	_ =	shalt  }
0x62: {  	_ =	shalt  }
0x63: {  	_ =	shalt  }
0x64: {  	_ =	shalt  }
0x65: {  	_ =	shalt  }
0x66: {  	_ =	shalt  }
0x67: {  	_ =	shalt  }
0x68: {  	_ =	shalt  }
0x69: {  	_ =	shalt  }
0x6a: {  	_ =	shalt  }
0x6b: {  	_ =	shalt  }
0x6c: {  	_ =	shalt  }
0x6d: {  	_ =	shalt  }
0x6e: {  	_ =	shalt  }
0x6f: {  	_ =	shalt  }
0x70: {  	_ =	shalt  }
0x71: {  	_ =	shalt  }
0x72: {  	_ =	shalt  }
0x73: {  	_ =	shalt  }
0x74: {  	_ =	shalt  }
0x75: {  	_ =	shalt  }
0x76: {  	_ =	shalt  }
0x77: {  	_ =	shalt  }
0x78: {  	_ =	shalt  }
0x79: {  	_ =	shalt  }
0x7a: {  	_ =	shalt  }
0x7b: {  	_ =	shalt  }
0x7c: {  	_ =	shalt  }
0x7d: {  	_ =	shalt  }
0x7e: {  	_ =	shalt  }
0x7f: {  	_ =	shalt  }
0x80: {  	_ =	shalt  }
0x81: {  	_ =	shalt  }
0x82: {  	_ =	shalt  }
0x83: {  	_ =	shalt  }
0x84: {  	_ =	shalt  }
0x85: {  	_ =	shalt  }
0x86: {  	_ =	shalt  }
0x87: {  	_ =	shalt  }
.Lfunc_end0:
.L_simem_size_0:
called_computation.4_lowered:
.L_overlay_start_0:
0x88: {  	s2 =	sld [smem:$0x3FD9]  }
0x89: {  	s3 =	sld [smem:$0x3FFE];
	_ =	sdelay $0x1  }
0x8a: {  	s1 =	srdreg.scid  }
0x8b: {  	s0 =	sand.u32 $0x1, s1  }
0x8c: {  	s17 =	sshll.u32 s0, $0xA;
	s2 =	sadd.s32 s3, s2  }
0x8d: {  	s2 =	sadd.s32 s2, s17  }
0x8e: {  	[smem:$0x3FA8] =	sst s2  }
0x8f: {  	_ = 	snop  }
0x90: {  	(tm) =	ssettm $0x1  }
0x91: {  	s18 =	sld [smem:$0x3FFB];
	_ =	sdelay $0x3  }
0x92: {  	_ =	strace s18  }
0x93: {  	s2 =	sld [smem:$0x3FFC];
	_ =	sdelay $0x3  }
0x94: {  	_ =	strace s2  }
0x95: {  	s2 =	sld [smem:$0x3FFD];
	_ =	sdelay $0x3  }
0x96: {  	_ =	strace s2  }
0x97: {  	_ =	strace $0x8FFFFFFF  }
0x98: {  	s19 =	sld [smem:$0x3FDB];
	_ =	sdelay $0x1  }
0x99: {  	s20 =	simm.s32 $_scs_section_size  }
0x9a: {  	s4 =	simm.s32 $_size__tile_overlayer_lowered;
	s5 =	simm.s32 $_tile_overlayer_lowered  }
0x9b: {  	s6 =	simm.s32 $0x1BFF;
	s21 =	sshll.u32 s5, $0x1;
	s3 =	sadd.s32 s20, s19  }
0x9c: {  	s22 =	simm.s32 $0x0;
	s4 =	sshll.u32 s4, $0x1;
	s5 =	sadd.s32 s21, s3  }
0x9d: {  	[timem:s22], [sflag:s6] =	dma.local [hbm:s5], s4  }
0x9e: {  	_ =	swait.ge [sflag:s6], s4  }
0x9f: {  	s4 =	ssub.s32 $0x0, s4;
	[sflag:s6] =	ssyncset.done $0x0  }
0xa0: {  	[sflag:s6] =	ssyncadd.s32 s4;
	_ =	sdelay $0x1  }
0xa1: {  	s23 =	simm.s32 $0x1B8B  }
0xa2: {  	_ =	swait.ge [sflag:s23], $0x1  }
0xa3: {  	[sflag:s23] =	ssyncset.done $0x0  }
0xa4: {  	[sflag:s23] =	ssyncadd.s32 $0xFFFFFFFF  }
0xa5: {  	s4 =	sld [smem:$0x0]  }
0xa6: {  	s5 =	sand.u32 $0xFFFFFFFE, s1  }
0xa7: {  	p0 =	sne.s32 s1, s5  }
0xa8: {  	s5 =	sshll.u32 @p0 s5, $0xE  }
0xa9: {  	s5 =	sadd.s32 @p0 $0x11B8D, s5;
	s6 =	sshll.u32 @p0 s4, $0x11  }
0xaa: {  	s5 =	sor.u32 @p0 s6, s5  }
0xab: {  	[sflag:s5] =	ssyncadd.remote.s32 @p0 $0x1;
	_ =	sdelay $0x1  }
0xac: {  	s5 =	simm.s32 @p0 $0x1B8D  }
0xad: {  	_ =	swait.eq @p0 [sflag:s5], $0x1  }
0xae: {  	[sflag:s5] =	ssyncadd.s32 @p0 $0xFFFFFFFF  }
0xaf: {  	s6 =	sshll.u32 @!p0 s1, $0xE  }
0xb0: {  	s6 =	sor.u32 @!p0 $0x4000, s6;
	s5 =	simm.s32 @!p0 $0x1B8D  }
0xb1: {  	s4 =	sshll.u32 @!p0 s4, $0x11;
	s6 =	sadd.s32 @!p0 $0x11B8D, s6;
	_ =	swait.eq @!p0 [sflag:s5], $0x1  }
0xb2: {  	s4 =	sor.u32 @!p0 s4, s6;
	[sflag:s5] =	ssyncadd.s32 @!p0 $0xFFFFFFFF  }
0xb3: {  	s25 =	simm.s32 $0x1B8E;
	s24 =	sld [smem:$0x3FFE];
	[sflag:s4] =	ssyncadd.remote.s32 @!p0 $0x1  }
0xb4: {  	s26 =	simm.s32 $execute0_lowered;
	[smem:$0x3FD2] =	sst s25  }
0xb5: {  	s5 =	sshll.u32 s26, $0x1;
	_ =	strace $0x80000055;
	[dreg:$0x1] =	wrdreg $0xFFFFFFFF  }
0xb6: {  	s28 =	simm.s32 $_size_execute0_lowered;
	s3 =	sadd.s32 s3, s5;
	[dreg:$0x0] =	wrdreg $0x0  }
0xb7: {  	s5 =	sshll.u32 s28, $0x1;
	[dreg:$0x2] =	wrdreg s3  }
0xb8: {  	[dreg:$0x3] =	wrdreg s5  }
0xb9: {  	[dreg:$0x4] =	wrdreg $0xC0  }
0xba: {  	_ =	task [dreg:s22], $0x5FFFF  }
0xbb: {  	[dreg:$0x1] =	wrdreg $0xFFFFFFFF  }
0xbc: {  	[dreg:$0x0] =	wrdreg $0x60  }
0xbd: {  	[dreg:$0x2] =	wrdreg s24  }
0xbe: {  	[dreg:$0x3] =	wrdreg $0x9  }
0xbf: {  	_ =	task.clear_ibuf [dreg:s22], $0x4FFFF;
	_ =	strace $0x90000055  }
0xc0: {  	s29 =	simm.s32 $0x9;
	_ =	strace $0x80000057  }
0xc1: {  	_ =	swait.ge [sflag:s29], $0x1  }
0xc2: {  	[sflag:s29] =	ssyncadd.s32 $0xFFFFFFFF  }
0xc3: {  	_ =	strace $0x90000057  }
0xc4: {  	_ =	sfence  }
0xc5: {  	s30 =	sld [smem:$0x0];
	_ =	sdelay $0x2  }
0xc6: {  	s31 =	sshll.u32 s1, $0xD;
	s1 =	sshrl.u32 s1, $0x2  }
0xc7: {  	s4 =	sand.u32 $0x4000, s31;
	s1 =	sadd.s32 s1, s30  }
0xc8: {  	s0 =	sor.u32 s4, s0;
	s1 =	sshll.u32 s1, $0x11  }
0xc9: {  	s0 =	sor.u32 s1, s0  }
0xca: {  	s0 =	sadd.s32 $0x8F2B, s0  }
0xcb: {  	[sflag:s0] =	ssyncadd.remote.s32 $0x1  }
0xcc: {  	_ =	sfence.sel $0xFFFF  }
0xcd: {  	[dreg:$0x0] =	wrdreg $0xFFFFFFFF;
	(pc) =	sbr.abs _section_cstart, $3  }
0xce: {  	[dreg:$0x1] =	wrdreg $0xFFFFFFFF  }
0xcf: {  	_ =	task.clear_ibuf [dreg:s22], $0x2FFFF;
	_ =	strace $0x9FFFFFFF  }
0xd0: {  	(tm) =	ssettm $0x7FFFFFFF  }
0xd1: {  	_ =	shalt  }
tec
execute0_lowered:
.L_overlay_start_1:
0x0: {  	(tag) =	ssettag $0x1  }
0x1: {  	s4 =	rddreg [dreg:$0x0]  }
0x2: {  	s0 =	rddreg [dreg:$0x1];
	s3 =	srdreg.scid  }
0x3: {  	s2 =	simm.s32 $0x0;
	s1 =	stileid.u32;
	s11 =	simm.s32 $0x100  }
0x4: {  	s12 =	simm.s32 $0x4100;
	s13 =	simm.s32 $0x1;
	s14 =	simm.s32 $0x2  }
0x5: {  	s15 =	simm.s32 $0x0;
	s5 =	sand.u32 $0x1, s3;
	[smem:$0x7FF] =	sst s2  }
0x6: {  	s6 =	sshll.u32 s1, $0x8;
	s9 =	sshll.u32 s1, $0xB;
	s3 =	sshll.u32 s5, $0x7  }
0x7: {  	_ =	strace $0x80000056;
	s7 =	smul.u32 $0xD0000, s5;
	s5 =	ssub.s32 $0x2, s5  }
0x8: {  	s6 =	sor.u32 s3, s6;
	s3 =	sadd.s32 $0xD800, s4;
	s8 =	sshrl.u32 s5, $0x1  }
0x9: {  	s6 =	sshrl.u32 s6, $0x3;
	s7 =	sadd.s32 s7, s4;
	s30 =	ssub.s32 s5, s8  }
0xa: {  	s10 =	sadd.s32 s6, s4;
	s31 =	sadd.s32 s9, s7;
	s4 =	smax.u32 s30, $0x1  }
0xb: {  	s9 =	simm.s32 $0x3;
	s5 =	sadd.s32 $0x463800, s31;
	s6 =	sadd.s32 $0x603800, s31  }
0xc: {  	s7 =	sadd.s32 $0x11D000, s10;
	s8 =	sadd.s32 $0x7000, s10;
	s10 =	simm.s32 $0x80  }
.LBB2_1:
0xd: {  	s16 =	sadd.s32 $0x0, s8  }
0xe: {  	[tilespmem:s2], [sflag:$0x3] =	stream.linear.gather [hbm4b:s16+s2], $0x80, $0x38;
	[tilespmem:$0x8100] =	vst v63  }
0xf: {  	_ =	swait.ge [sflag:s9], $0x80  }
0x10: {  	[sflag:s9] =	ssyncset.done $0x0  }
0x11: {  	s31 =	sadd.s32 $0x0, s7;
	[sflag:s9] =	ssyncadd.s32 $0xFFFFFF80  }
0x12: {  	[tilespmem:s10], [sflag:$0x3] =	stream.linear.gather [hbm4b:s31+s2], $0x80, $0x38;
	[tilespmem:$0x8100] =	vst v63  }
0x13: {  	_ =	swait.ge [sflag:s9], $0x80  }
0x14: {  	[sflag:s9] =	ssyncset.done $0x0  }
0x15: {  	[sflag:s9] =	ssyncadd.s32 $0xFFFFFF80  }
0x16: {  	[tilespmem:s11], [sflag:$0x1] =	stream.indirect.gather [hbm4b:s3+s10], $0x80, s2, s10, $0xb8;
	[tilespmem:$0x8100] =	vst v63  }
0x17: {  	_ = 	snop  }
0x18: {  	[tilespmem:s12], [sflag:$0x2] =	stream.indirect.gather [hbm4b:s3+s10], $0x80, s10, s10, $0xb8;
	[tilespmem:$0x8100] =	vst v63  }
0x19: {  	_ =	swait.ge [sflag:s13], $0x4000  }
0x1a: {  	[sflag:s13] =	ssyncset.done $0x0  }
0x1b: {  	[sflag:s13] =	ssyncadd.s32 $0xFFFFC000  }
0x1c: {  	_ =	swait.ge [sflag:s14], $0x4000  }
0x1d: {  	[sflag:s14] =	ssyncset.done $0x0  }
0x1e: {  	[sflag:s14] =	ssyncadd.s32 $0xFFFFC000  }
0x1f: {  	[hbm4b:s5+s2] =	stream.linear.scatter [tilespmem:s11], [sflag:$0x3], $0x4000, $0x38;
	[tilespmem:$0x8100] =	vst v63  }
0x20: {  	_ =	swait.ge [sflag:s9], $0x4000  }
0x21: {  	[sflag:s9] =	ssyncset.done $0x0  }
0x22: {  	[sflag:s9] =	ssyncadd.s32 $0xFFFFC000  }
0x23: {  	[hbm4b:s6+s2] =	stream.linear.scatter [tilespmem:s12], [sflag:$0x3], $0x4000, $0x38;
	[tilespmem:$0x8100] =	vst v63  }
0x24: {  	s18 =	simm.s32 $0x200;
	s19 =	simm.s32 $0x400;
	_ =	swait.ge [sflag:s9], $0x4000  }
0x25: {  	s17 =	sadd.s32 $0x8000, s5;
	s16 =	sadd.s32 $0x8000, s6;
	[sflag:s9] =	ssyncset.done $0x0  }
.LBB2_2:
0x26: {  	s20 =	sadd.s32 s18, s8  }
0x27: {  	[sflag:s9] =	ssyncadd.s32 $0xFFFFC000;
	s21 =	smov.u32 s19;
	s22 =	sadd.s32 $0x200, s19  }
0x28: {  	[tilespmem:s2], [sflag:$0x3] =	stream.linear.gather [hbm4b:s20+s2], $0x80, $0x38;
	[tilespmem:$0x8100] =	vst v63  }
0x29: {  	p0 =	sne.s32 s19, $0x3200;
	_ =	swait.ge [sflag:s9], $0x80  }
0x2a: {  	[sflag:s9] =	ssyncset.done $0x0  }
0x2b: {  	s19 =	sadd.s32 s18, s7;
	s18 =	smov.u32 s21;
	[sflag:s9] =	ssyncadd.s32 $0xFFFFFF80  }
0x2c: {  	[tilespmem:s10], [sflag:$0x3] =	stream.linear.gather [hbm4b:s19+s2], $0x80, $0x38;
	[tilespmem:$0x8100] =	vst v63  }
0x2d: {  	_ =	swait.ge [sflag:s9], $0x80  }
0x2e: {  	[sflag:s9] =	ssyncset.done $0x0  }
0x2f: {  	[sflag:s9] =	ssyncadd.s32 $0xFFFFFF80  }
0x30: {  	[tilespmem:s11], [sflag:$0x1] =	stream.indirect.gather [hbm4b:s3+s10], $0x80, s2, s10, $0xb8;
	[tilespmem:$0x8100] =	vst v63  }
0x31: {  	_ = 	snop  }
0x32: {  	[tilespmem:s12], [sflag:$0x2] =	stream.indirect.gather [hbm4b:s3+s10], $0x80, s10, s10, $0xb8;
	[tilespmem:$0x8100] =	vst v63  }
0x33: {  	_ =	swait.ge [sflag:s13], $0x4000  }
0x34: {  	[sflag:s13] =	ssyncset.done $0x0  }
0x35: {  	[sflag:s13] =	ssyncadd.s32 $0xFFFFC000  }
0x36: {  	_ =	swait.ge [sflag:s14], $0x4000  }
0x37: {  	[sflag:s14] =	ssyncset.done $0x0  }
0x38: {  	[sflag:s14] =	ssyncadd.s32 $0xFFFFC000  }
0x39: {  	[hbm4b:s17+s2] =	stream.linear.scatter [tilespmem:s11], [sflag:$0x3], $0x4000, $0x38;
	[tilespmem:$0x8100] =	vst v63  }
0x3a: {  	_ =	swait.ge [sflag:s9], $0x4000  }
.Ltmp0:
0x3b: {  	[sflag:s9] =	ssyncset.done $0x0;
	(pc) =	sbr.rel @p0 .LBB2_2-.Ltmp0, $4  }
0x3c: {  	[sflag:s9] =	ssyncadd.s32 $0xFFFFC000  }
0x3d: {  	[hbm4b:s16+s2] =	stream.linear.scatter [tilespmem:s12], [sflag:$0x3], $0x4000, $0x38;
	[tilespmem:$0x8100] =	vst v63  }
0x3e: {  	s19 =	smov.u32 s22;
	_ =	swait.ge [sflag:s9], $0x4000  }
0x3f: {  	s17 =	sadd.s32 $0x8000, s17;
	s16 =	sadd.s32 $0x8000, s16;
	[sflag:s9] =	ssyncset.done $0x0  }
0x40: {  	s19 =	sadd.s32 s18, s8;
	[sflag:s9] =	ssyncadd.s32 $0xFFFFC000  }
0x41: {  	[tilespmem:s2], [sflag:$0x3] =	stream.linear.gather [hbm4b:s19+s2], $0x80, $0x38;
	[tilespmem:$0x8100] =	vst v63  }
0x42: {  	_ =	swait.ge [sflag:s9], $0x80  }
0x43: {  	[sflag:s9] =	ssyncset.done $0x0  }
0x44: {  	s31 =	sadd.s32 s18, s7;
	[sflag:s9] =	ssyncadd.s32 $0xFFFFFF80  }
0x45: {  	[tilespmem:s10], [sflag:$0x3] =	stream.linear.gather [hbm4b:s31+s2], $0x80, $0x38;
	[tilespmem:$0x8100] =	vst v63  }
0x46: {  	_ =	swait.ge [sflag:s9], $0x80  }
0x47: {  	[sflag:s9] =	ssyncset.done $0x0  }
0x48: {  	[sflag:s9] =	ssyncadd.s32 $0xFFFFFF80  }
0x49: {  	[tilespmem:s11], [sflag:$0x1] =	stream.indirect.gather [hbm4b:s3+s10], $0x80, s2, s10, $0xb8;
	[tilespmem:$0x8100] =	vst v63  }
0x4a: {  	_ = 	snop  }
0x4b: {  	[tilespmem:s12], [sflag:$0x2] =	stream.indirect.gather [hbm4b:s3+s10], $0x80, s10, s10, $0xb8;
	[tilespmem:$0x8100] =	vst v63  }
0x4c: {  	_ =	swait.ge [sflag:s13], $0x4000  }
0x4d: {  	[sflag:s13] =	ssyncset.done $0x0  }
0x4e: {  	[sflag:s13] =	ssyncadd.s32 $0xFFFFC000  }
0x4f: {  	_ =	swait.ge [sflag:s14], $0x4000  }
0x50: {  	[sflag:s14] =	ssyncset.done $0x0  }
0x51: {  	[sflag:s14] =	ssyncadd.s32 $0xFFFFC000  }
0x52: {  	[hbm4b:s17+s2] =	stream.linear.scatter [tilespmem:s11], [sflag:$0x3], $0x4000, $0x38;
	[tilespmem:$0x8100] =	vst v63  }
0x53: {  	s15 =	sadd.s32 $0x1, s15;
	_ =	swait.ge [sflag:s9], $0x4000  }
0x54: {  	p0 =	sne.s32 s15, s4;
	[sflag:s9] =	ssyncset.done $0x0  }
.Ltmp1:
0x55: {  	[sflag:s9] =	ssyncadd.s32 $0xFFFFC000;
	(pc) =	sbr.rel @p0 .LBB2_1-.Ltmp1, $4  }
0x56: {  	[hbm4b:s16+s2] =	stream.linear.scatter [tilespmem:s12], [sflag:$0x3], $0x4000, $0x38;
	[tilespmem:$0x8100] =	vst v63  }
0x57: {  	_ =	swait.ge [sflag:s9], $0x4000  }
0x58: {  	[sflag:s9] =	ssyncset.done $0x0  }
0x59: {  	[sflag:s9] =	ssyncadd.s32 $0xFFFFC000  }
0x5a: {  	_ =	sfence.sel $0x180000  }
0x5b: {  	[bflag:$0x0] =	sbarrier.arrive $0xFFFF  }
0x5c: {  	p0 =	sne.s32 s1, $0x0;
	_ =	strace $0x90000056  }
0x5d: {  	s0 =	sadd.s32 @!p0 $0x100000, s0;
	[bflag:$0x2] =	sbarrier.arrive $0xFFFF  }
0x5e: {  	[sflag:s0] =	ssyncadd.tile.s32 @!p0 $0x1;
	_ =	shalt  }
.Lfunc_end2:
_tile_overlayer_lowered:
.L_overlay_start_2:
0x5f: {  	(tag) =	ssettag $0x2  }
0x60: {  	s0 =	rddreg [dreg:$0x0];
	s2 =	stileid.u32  }
0x61: {  	s1 =	rddreg [dreg:$0x1];
	p0 =	sne.s32 s2, $0x0  }
0x62: {  	s3 =	rddreg [dreg:$0x2];
	[bflag:$0x3] =	sbarrier.arrive $0xFFFF;
	s2 =	simm.s32 @!p0 $0x1C03  }
0x63: {  	[timem:s3], [sflag:s2] =	dma.local @!p0 [hbm:s0], s1  }
0x64: {  	s0 =	simm.s32 @!p0 $0x3  }
0x65: {  	_ =	swait.ge @!p0 [sflag:s0], s1  }
0x66: {  	s1 =	ssub.s32 @!p0 $0x0, s1;
	[sflag:s0] =	ssyncset.done @!p0 $0x0  }
0x67: {  	[sflag:s0] =	ssyncadd.s32 @!p0 s1  }
0x68: {  	[bflag:$0x3] =	sbarrier.arrive $0xFFFF  }
0x69: {  	_ =	shalt  }

// kernel: kernel.29.cloned.1.call-start
scs
__scs_entry_jumppad:
0x0: {  	(pc) =	sbr.rel $0x88, $3  }
0x1: {  	(tag) =	ssettag $0x0;
	lr =	simm.s32 $0x1  }
0x2: {  	[smem:$0x3F81] =	sst lr;
	_ =	strace $0xD0000000  }
0x3: {  	_ = 	snop  }
0x4: {  	_ = 	snop  }
0x5: {  	_ = 	snop  }
0x6: {  	_ = 	snop  }
0x7: {  	_ = 	snop  }
__scs_overlays_trampoline_lowered:
0x8: {  	[smem:$0x3F90] =	sst s0  }
0x9: {  	[smem:$0x3F91] =	sst s1  }
0xa: {  	[smem:$0x3F92] =	sst s2  }
0xb: {  	[smem:$0x3F93] =	sst s3  }
0xc: {  	[smem:$0x3F94] =	sst s4  }
0xd: {  	[smem:$0x3F95] =	sst s5  }
0xe: {  	[smem:$0x3F96] =	sst s6  }
0xf: {  	[smem:$0x3F97] =	sst s7  }
0x10: {  	[smem:$0x3F98] =	sst s8  }
0x11: {  	[smem:$0x3F99] =	sst s9;
	s0 =	simm.s32 @!p0 $0x0  }
0x12: {  	s1 =	sld [smem:$0x3F7F];
	s0 =	simm.s32 @p0 $0x1  }
0x13: {  	[smem:$0x3F9A] =	sst s0;
	s0 =	simm.s32 @!p1 $0x0  }
0x14: {  	s2 =	sld [smem:$0x3F7E];
	s0 =	simm.s32 @p1 $0x1  }
0x15: {  	[smem:$0x3F9B] =	sst s0;
	s0 =	simm.s32 @!p2 $0x0  }
0x16: {  	s3 =	sld [smem:$0x3FDB];
	s0 =	simm.s32 @p2 $0x1  }
0x17: {  	s4 =	simm.s32 $0x1BF5;
	[smem:$0x3F9D] =	sst s0  }
0x18: {  	s0 =	sld [smem:$0x3F80];
	_ =	swait.ge [sflag:s4], $0x0  }
0x19: {  	s7 =	sld [smem:$0x3F81]  }
0x1a: {  	s8 =	sadd.s32 $0xFFFFE003, lr  }
0x1b: {  	s9 =	sadd.s32 $0xFFFFFEF7, lr;
	s5 =	simm.s32 $0xFFFFFFFF;
	p2 =	slt.u32 s8, $0xFFFFF086  }
0x1c: {  	p1 =	slt.u32 s9, $0xF7A;
	s5 =	simm.s32 @!p2 $0x0  }
0x1d: {  	s5 =	simm.s32 @p1 $0x1;
	p0 =	seq.s32 s7, s2  }
0x1e: {  	s7 =	smul.u32 @!p0 $0xF7A, s2;
	p2 =	seq.s32 @!p0 s5, $0x0  }
0x1f: {  	s9 =	smul.u32 $0xF7A, s1;
	s8 =	simm.s32 @!p0 $0x1BF5;
	p2 =	por !p2, p0  }
0x20: {  	[sflag:s8] =	ssyncset.s32 @!p0 $0xFFFFF086;
	s6 =	sadd.s32 @!p0 s3, s7;
	s7 =	simm.s32 @!p0 $0x108  }
0x21: {  	s3 =	sadd.s32 s3, s9;
	s6 =	sadd.s32 @!p0 $0x88, s6;
	s7 =	simm.s32 @p2 $0x1082  }
0x22: {  	[simem:s7], [sflag:s8] =	dma.local @!p0 [hbm:s6], $0xF7A  }
0x23: {  	s9 =	sor.u32 $0xD0000000, s2;
	s6 =	simm.s32 $0x108;
	_ =	swait.ge @!p0 [sflag:s8], $0x0  }
0x24: {  	s3 =	sadd.s32 $0x88, s3;
	s6 =	simm.s32 @!p1 $0x1082;
	[sflag:s4] =	ssyncset.s32 $0xFFFFF086  }
0x25: {  	[simem:s6], [sflag:s4] =	dma.local [hbm:s3], $0xF7A  }
0x26: {  	[smem:$0x3F81] =	sst s1;
	(tag) =	ssettag s2;
	_ =	strace s9  }
0x27: {  	s1 =	sld [smem:$0x3F91]  }
0x28: {  	s2 =	sld [smem:$0x3F92]  }
0x29: {  	s4 =	sld [smem:$0x3F94]  }
0x2a: {  	p0 =	seq.s32 s5, $0x0;
	s5 =	sld [smem:$0x3F95]  }
0x2b: {  	s6 =	sld [smem:$0x3F96]  }
0x2c: {  	s7 =	sld [smem:$0x3F97]  }
0x2d: {  	s3 =	simm.s32 $0x108;
	s8 =	sld [smem:$0x3F98]  }
0x2e: {  	s3 =	simm.s32 @!p0 $0x1082;
	s9 =	sld [smem:$0x3F99]  }
0x2f: {  	lr =	sadd.s32 s0, s3;
	s0 =	sld [smem:$0x3F90]  }
0x30: {  	s3 =	sld [smem:$0x3F93]  }
0x31: {  	[smem:$0x3F9C] =	sst s10  }
0x32: {  	s10 =	sld [smem:$0x3F9A];
	_ =	sdelay $0x3  }
0x33: {  	p0 =	seq.s32 s10, $0x1;
	s10 =	sld [smem:$0x3F9C];
	_ =	sdelay $0x3  }
0x34: {  	[smem:$0x3F9C] =	sst s10  }
0x35: {  	s10 =	sld [smem:$0x3F9B];
	_ =	sdelay $0x3  }
0x36: {  	p1 =	seq.s32 s10, $0x1;
	s10 =	sld [smem:$0x3F9C];
	_ =	sdelay $0x3  }
0x37: {  	[smem:$0x3F9C] =	sst s10  }
0x38: {  	s10 =	sld [smem:$0x3F9D]  }
0x39: {  	_ = 	snop;
	(pc) =	sbr.ind lr, $3  }
0x3a: {  	_ = 	snop  }
0x3b: {  	_ = 	snop  }
0x3c: {  	p2 =	seq.s32 s10, $0x1;
	s10 =	sld [smem:$0x3F9C]  }
0x3d: {  	_ =	shalt  }
0x3e: {  	_ =	shalt  }
0x3f: {  	_ =	shalt  }
0x40: {  	_ =	shalt  }
0x41: {  	_ =	shalt  }
0x42: {  	_ =	shalt  }
0x43: {  	_ =	shalt  }
0x44: {  	_ =	shalt  }
0x45: {  	_ =	shalt  }
0x46: {  	_ =	shalt  }
0x47: {  	_ =	shalt  }
0x48: {  	_ =	shalt  }
0x49: {  	_ =	shalt  }
0x4a: {  	_ =	shalt  }
0x4b: {  	_ =	shalt  }
0x4c: {  	_ =	shalt  }
0x4d: {  	_ =	shalt  }
0x4e: {  	_ =	shalt  }
0x4f: {  	_ =	shalt  }
0x50: {  	_ =	shalt  }
0x51: {  	_ =	shalt  }
0x52: {  	_ =	shalt  }
0x53: {  	_ =	shalt  }
0x54: {  	_ =	shalt  }
0x55: {  	_ =	shalt  }
0x56: {  	_ =	shalt  }
0x57: {  	_ =	shalt  }
0x58: {  	_ =	shalt  }
0x59: {  	_ =	shalt  }
0x5a: {  	_ =	shalt  }
0x5b: {  	_ =	shalt  }
0x5c: {  	_ =	shalt  }
0x5d: {  	_ =	shalt  }
0x5e: {  	_ =	shalt  }
0x5f: {  	_ =	shalt  }
0x60: {  	_ =	shalt  }
0x61: {  	_ =	shalt  }
0x62: {  	_ =	shalt  }
0x63: {  	_ =	shalt  }
0x64: {  	_ =	shalt  }
0x65: {  	_ =	shalt  }
0x66: {  	_ =	shalt  }
0x67: {  	_ =	shalt  }
0x68: {  	_ =	shalt  }
0x69: {  	_ =	shalt  }
0x6a: {  	_ =	shalt  }
0x6b: {  	_ =	shalt  }
0x6c: {  	_ =	shalt  }
0x6d: {  	_ =	shalt  }
0x6e: {  	_ =	shalt  }
0x6f: {  	_ =	shalt  }
0x70: {  	_ =	shalt  }
0x71: {  	_ =	shalt  }
0x72: {  	_ =	shalt  }
0x73: {  	_ =	shalt  }
0x74: {  	_ =	shalt  }
0x75: {  	_ =	shalt  }
0x76: {  	_ =	shalt  }
0x77: {  	_ =	shalt  }
0x78: {  	_ =	shalt  }
0x79: {  	_ =	shalt  }
0x7a: {  	_ =	shalt  }
0x7b: {  	_ =	shalt  }
0x7c: {  	_ =	shalt  }
0x7d: {  	_ =	shalt  }
0x7e: {  	_ =	shalt  }
0x7f: {  	_ =	shalt  }
0x80: {  	_ =	shalt  }
0x81: {  	_ =	shalt  }
0x82: {  	_ =	shalt  }
0x83: {  	_ =	shalt  }
0x84: {  	_ =	shalt  }
0x85: {  	_ =	shalt  }
0x86: {  	_ =	shalt  }
0x87: {  	_ =	shalt  }
.Lfunc_end0:
.L_simem_size_0:
called_computation.5_lowered:
.L_overlay_start_0:
0x88: {  	s2 =	sld [smem:$0x3FD9]  }
0x89: {  	s3 =	sld [smem:$0x3FFE];
	_ =	sdelay $0x1  }
0x8a: {  	s1 =	srdreg.scid  }
0x8b: {  	s0 =	sand.u32 $0x1, s1  }
0x8c: {  	s16 =	sshll.u32 s0, $0xA;
	s2 =	sadd.s32 s3, s2  }
0x8d: {  	s2 =	sadd.s32 s2, s16  }
0x8e: {  	[smem:$0x3FA8] =	sst s2  }
0x8f: {  	_ = 	snop  }
0x90: {  	(tm) =	ssettm $0x1  }
0x91: {  	s17 =	sld [smem:$0x3FFB];
	_ =	sdelay $0x3  }
0x92: {  	_ =	strace s17  }
0x93: {  	s2 =	sld [smem:$0x3FFC];
	_ =	sdelay $0x3  }
0x94: {  	_ =	strace s2  }
0x95: {  	s2 =	sld [smem:$0x3FFD];
	_ =	sdelay $0x3  }
0x96: {  	_ =	strace s2  }
0x97: {  	_ =	strace $0x8FFFFFFF  }
0x98: {  	s18 =	sld [smem:$0x3FDB];
	_ =	sdelay $0x1  }
0x99: {  	s19 =	simm.s32 $_scs_section_size  }
0x9a: {  	s4 =	simm.s32 $_size__tile_overlayer_lowered;
	s5 =	simm.s32 $_tile_overlayer_lowered  }
0x9b: {  	s22 =	simm.s32 $0x1BFF;
	s21 =	sshll.u32 s5, $0x1;
	s2 =	sadd.s32 s19, s18  }
0x9c: {  	s6 =	simm.s32 $0x0;
	s20 =	sshll.u32 s4, $0x1;
	s4 =	sadd.s32 s21, s2  }
0x9d: {  	[timem:s6], [sflag:s22] =	dma.local [hbm:s4], s20  }
0x9e: {  	_ =	swait.ge [sflag:s22], s20  }
0x9f: {  	s3 =	ssub.s32 $0x0, s20;
	[sflag:s22] =	ssyncset.done $0x0  }
0xa0: {  	[sflag:s22] =	ssyncadd.s32 s3;
	_ =	sdelay $0x1  }
0xa1: {  	s23 =	simm.s32 $0x1B8B  }
0xa2: {  	_ =	swait.ge [sflag:s23], $0x1  }
0xa3: {  	[sflag:s23] =	ssyncset.done $0x0  }
0xa4: {  	s25 =	simm.s32 $0x1B8E;
	s24 =	sld [smem:$0x3FFE];
	[sflag:s23] =	ssyncadd.s32 $0xFFFFFFFF  }
0xa5: {  	s26 =	simm.s32 $execute0_lowered;
	[smem:$0x3FD2] =	sst s25  }
0xa6: {  	s4 =	sshll.u32 s26, $0x1;
	_ =	strace $0x80000052;
	[dreg:$0x1] =	wrdreg $0xFFFFFFFF  }
0xa7: {  	s28 =	simm.s32 $_size_execute0_lowered;
	s2 =	sadd.s32 s2, s4;
	[dreg:$0x0] =	wrdreg $0x0  }
0xa8: {  	s4 =	sshll.u32 s28, $0x1;
	[dreg:$0x2] =	wrdreg s2  }
0xa9: {  	[dreg:$0x3] =	wrdreg s4  }
0xaa: {  	[dreg:$0x4] =	wrdreg $0xC0  }
0xab: {  	_ =	task [dreg:s6], $0x5FFFF  }
0xac: {  	[dreg:$0x1] =	wrdreg $0xFFFFFFFF  }
0xad: {  	[dreg:$0x0] =	wrdreg $0x60  }
0xae: {  	[dreg:$0x2] =	wrdreg s24  }
0xaf: {  	[dreg:$0x3] =	wrdreg $0xA  }
0xb0: {  	_ =	task.clear_ibuf [dreg:s6], $0x4FFFF;
	_ =	strace $0x90000052  }
0xb1: {  	s29 =	simm.s32 $0xA;
	_ =	strace $0x80000054  }
0xb2: {  	_ =	swait.ge [sflag:s29], $0x1  }
0xb3: {  	[sflag:s29] =	ssyncadd.s32 $0xFFFFFFFF  }
0xb4: {  	_ =	strace $0x90000054  }
0xb5: {  	_ =	sfence  }
0xb6: {  	s30 =	sld [smem:$0x0];
	_ =	sdelay $0x2  }
0xb7: {  	s31 =	sshll.u32 s1, $0xD;
	s1 =	sshrl.u32 s1, $0x2  }
0xb8: {  	s3 =	sand.u32 $0x4000, s31;
	s1 =	sadd.s32 s1, s30  }
0xb9: {  	s0 =	sor.u32 s3, s0;
	s1 =	sshll.u32 s1, $0x11  }
0xba: {  	s0 =	sor.u32 s1, s0  }
0xbb: {  	s0 =	sadd.s32 $0x8F2B, s0  }
0xbc: {  	[sflag:s0] =	ssyncadd.remote.s32 $0x1  }
0xbd: {  	_ =	sfence.sel $0xFFFF  }
0xbe: {  	[dreg:$0x0] =	wrdreg $0xFFFFFFFF;
	(pc) =	sbr.abs _section_cstart, $3  }
0xbf: {  	[dreg:$0x1] =	wrdreg $0xFFFFFFFF  }
0xc0: {  	_ =	task.clear_ibuf [dreg:s6], $0x2FFFF;
	_ =	strace $0x9FFFFFFF  }
0xc1: {  	(tm) =	ssettm $0x7FFFFFFF  }
tec
execute0_lowered:
.L_overlay_start_1:
0x0: {  	(tag) =	ssettag $0x1  }
0x1: {  	s4 =	rddreg [dreg:$0x0]  }
0x2: {  	s0 =	rddreg [dreg:$0x1];
	s1 =	simm.s32 $0x0  }
0x3: {  	s2 =	srdreg.scid;
	s10 =	simm.s32 $0x80;
	s11 =	simm.s32 $0x100  }
0x4: {  	s12 =	simm.s32 $0x4100;
	s13 =	simm.s32 $0x1;
	s14 =	simm.s32 $0x2  }
0x5: {  	s15 =	simm.s32 $0x0;
	[smem:$0x7FF] =	sst s1;
	s5 =	sand.u32 $0x1, s2  }
0x6: {  	s2 =	stileid.u32;
	s3 =	sadd.s32 $0xD800, s4;
	s6 =	smul.u32 $0x680000, s5  }
0x7: {  	_ =	strace $0x80000053;
	s7 =	sshll.u32 s2, $0xE;
	s8 =	ssub.s32 $0x2, s5  }
0x8: {  	s9 =	sshll.u32 s2, $0x5;
	s31 =	sshll.u32 s5, $0x4;
	s6 =	sor.u32 s7, s6  }
0x9: {  	s30 =	sshrl.u32 s8, $0x1;
	s9 =	sadd.s32 s9, s4;
	s6 =	sshrl.u32 s6, $0x3  }
0xa: {  	s7 =	ssub.s32 s8, s30;
	s8 =	sadd.s32 s31, s9;
	s6 =	sadd.s32 s6, s4  }
0xb: {  	s4 =	smax.u32 s7, $0x1;
	s7 =	sadd.s32 $0xA400, s8;
	s8 =	sadd.s32 $0x120400, s8  }
0xc: {  	s9 =	simm.s32 $0x3;
	s5 =	sadd.s32 $0x2C3800, s6;
	s6 =	sadd.s32 $0x123800, s6  }
.LBB2_1:
0xd: {  	s16 =	sadd.s32 $0x0, s7  }
0xe: {  	[tilespmem:s1], [sflag:$0x3] =	stream.linear.gather [hbm4b:s16+s1], $0x80, $0x38;
	[tilespmem:$0x8100] =	vst v63  }
0xf: {  	_ =	swait.ge [sflag:s9], $0x80  }
0x10: {  	[sflag:s9] =	ssyncset.done $0x0  }
0x11: {  	s31 =	sadd.s32 $0x0, s8;
	[sflag:s9] =	ssyncadd.s32 $0xFFFFFF80  }
0x12: {  	[tilespmem:s10], [sflag:$0x3] =	stream.linear.gather [hbm4b:s31+s1], $0x80, $0x38;
	[tilespmem:$0x8100] =	vst v63  }
0x13: {  	_ =	swait.ge [sflag:s9], $0x80  }
0x14: {  	[sflag:s9] =	ssyncset.done $0x0  }
0x15: {  	[sflag:s9] =	ssyncadd.s32 $0xFFFFFF80  }
0x16: {  	[tilespmem:s11], [sflag:$0x1] =	stream.indirect.gather [hbm4b:s3+s10], $0x80, s1, s10, $0xb8;
	[tilespmem:$0x8100] =	vst v63  }
0x17: {  	_ = 	snop  }
0x18: {  	[tilespmem:s12], [sflag:$0x2] =	stream.indirect.gather [hbm4b:s3+s10], $0x80, s10, s10, $0xb8;
	[tilespmem:$0x8100] =	vst v63  }
0x19: {  	_ =	swait.ge [sflag:s13], $0x4000  }
0x1a: {  	[sflag:s13] =	ssyncset.done $0x0  }
0x1b: {  	[sflag:s13] =	ssyncadd.s32 $0xFFFFC000  }
0x1c: {  	_ =	swait.ge [sflag:s14], $0x4000  }
0x1d: {  	[sflag:s14] =	ssyncset.done $0x0  }
0x1e: {  	[sflag:s14] =	ssyncadd.s32 $0xFFFFC000  }
0x1f: {  	[hbm4b:s6+s1] =	stream.linear.scatter [tilespmem:s11], [sflag:$0x3], $0x4000, $0x38;
	[tilespmem:$0x8100] =	vst v63  }
0x20: {  	_ =	swait.ge [sflag:s9], $0x4000  }
0x21: {  	[sflag:s9] =	ssyncset.done $0x0  }
0x22: {  	[sflag:s9] =	ssyncadd.s32 $0xFFFFC000  }
0x23: {  	[hbm4b:s5+s1] =	stream.linear.scatter [tilespmem:s12], [sflag:$0x3], $0x4000, $0x38;
	[tilespmem:$0x8100] =	vst v63  }
0x24: {  	s18 =	simm.s32 $0x200;
	s19 =	simm.s32 $0x400;
	_ =	swait.ge [sflag:s9], $0x4000  }
0x25: {  	s17 =	sadd.s32 $0x8000, s6;
	s16 =	sadd.s32 $0x8000, s5;
	[sflag:s9] =	ssyncset.done $0x0  }
.LBB2_2:
0x26: {  	s20 =	sadd.s32 s18, s7  }
0x27: {  	[sflag:s9] =	ssyncadd.s32 $0xFFFFC000;
	s21 =	smov.u32 s19;
	s22 =	sadd.s32 $0x200, s19  }
0x28: {  	[tilespmem:s1], [sflag:$0x3] =	stream.linear.gather [hbm4b:s20+s1], $0x80, $0x38;
	[tilespmem:$0x8100] =	vst v63  }
0x29: {  	p0 =	sne.s32 s19, $0x3200;
	_ =	swait.ge [sflag:s9], $0x80  }
0x2a: {  	[sflag:s9] =	ssyncset.done $0x0  }
0x2b: {  	s19 =	sadd.s32 s18, s8;
	s18 =	smov.u32 s21;
	[sflag:s9] =	ssyncadd.s32 $0xFFFFFF80  }
0x2c: {  	[tilespmem:s10], [sflag:$0x3] =	stream.linear.gather [hbm4b:s19+s1], $0x80, $0x38;
	[tilespmem:$0x8100] =	vst v63  }
0x2d: {  	_ =	swait.ge [sflag:s9], $0x80  }
0x2e: {  	[sflag:s9] =	ssyncset.done $0x0  }
0x2f: {  	[sflag:s9] =	ssyncadd.s32 $0xFFFFFF80  }
0x30: {  	[tilespmem:s11], [sflag:$0x1] =	stream.indirect.gather [hbm4b:s3+s10], $0x80, s1, s10, $0xb8;
	[tilespmem:$0x8100] =	vst v63  }
0x31: {  	_ = 	snop  }
0x32: {  	[tilespmem:s12], [sflag:$0x2] =	stream.indirect.gather [hbm4b:s3+s10], $0x80, s10, s10, $0xb8;
	[tilespmem:$0x8100] =	vst v63  }
0x33: {  	_ =	swait.ge [sflag:s13], $0x4000  }
0x34: {  	[sflag:s13] =	ssyncset.done $0x0  }
0x35: {  	[sflag:s13] =	ssyncadd.s32 $0xFFFFC000  }
0x36: {  	_ =	swait.ge [sflag:s14], $0x4000  }
0x37: {  	[sflag:s14] =	ssyncset.done $0x0  }
0x38: {  	[sflag:s14] =	ssyncadd.s32 $0xFFFFC000  }
0x39: {  	[hbm4b:s17+s1] =	stream.linear.scatter [tilespmem:s11], [sflag:$0x3], $0x4000, $0x38;
	[tilespmem:$0x8100] =	vst v63  }
0x3a: {  	_ =	swait.ge [sflag:s9], $0x4000  }
.Ltmp0:
0x3b: {  	[sflag:s9] =	ssyncset.done $0x0;
	(pc) =	sbr.rel @p0 .LBB2_2-.Ltmp0, $4  }
0x3c: {  	[sflag:s9] =	ssyncadd.s32 $0xFFFFC000  }
0x3d: {  	[hbm4b:s16+s1] =	stream.linear.scatter [tilespmem:s12], [sflag:$0x3], $0x4000, $0x38;
	[tilespmem:$0x8100] =	vst v63  }
0x3e: {  	s19 =	smov.u32 s22;
	_ =	swait.ge [sflag:s9], $0x4000  }
0x3f: {  	s17 =	sadd.s32 $0x8000, s17;
	s16 =	sadd.s32 $0x8000, s16;
	[sflag:s9] =	ssyncset.done $0x0  }
0x40: {  	s19 =	sadd.s32 s18, s7;
	[sflag:s9] =	ssyncadd.s32 $0xFFFFC000  }
0x41: {  	[tilespmem:s1], [sflag:$0x3] =	stream.linear.gather [hbm4b:s19+s1], $0x80, $0x38;
	[tilespmem:$0x8100] =	vst v63  }
0x42: {  	_ =	swait.ge [sflag:s9], $0x80  }
0x43: {  	[sflag:s9] =	ssyncset.done $0x0  }
0x44: {  	s31 =	sadd.s32 s18, s8;
	[sflag:s9] =	ssyncadd.s32 $0xFFFFFF80  }
0x45: {  	[tilespmem:s10], [sflag:$0x3] =	stream.linear.gather [hbm4b:s31+s1], $0x80, $0x38;
	[tilespmem:$0x8100] =	vst v63  }
0x46: {  	_ =	swait.ge [sflag:s9], $0x80  }
0x47: {  	[sflag:s9] =	ssyncset.done $0x0  }
0x48: {  	[sflag:s9] =	ssyncadd.s32 $0xFFFFFF80  }
0x49: {  	[tilespmem:s11], [sflag:$0x1] =	stream.indirect.gather [hbm4b:s3+s10], $0x80, s1, s10, $0xb8;
	[tilespmem:$0x8100] =	vst v63  }
0x4a: {  	_ = 	snop  }
0x4b: {  	[tilespmem:s12], [sflag:$0x2] =	stream.indirect.gather [hbm4b:s3+s10], $0x80, s10, s10, $0xb8;
	[tilespmem:$0x8100] =	vst v63  }
0x4c: {  	_ =	swait.ge [sflag:s13], $0x4000  }
0x4d: {  	[sflag:s13] =	ssyncset.done $0x0  }
0x4e: {  	[sflag:s13] =	ssyncadd.s32 $0xFFFFC000  }
0x4f: {  	_ =	swait.ge [sflag:s14], $0x4000  }
0x50: {  	[sflag:s14] =	ssyncset.done $0x0  }
0x51: {  	[sflag:s14] =	ssyncadd.s32 $0xFFFFC000  }
0x52: {  	[hbm4b:s17+s1] =	stream.linear.scatter [tilespmem:s11], [sflag:$0x3], $0x4000, $0x38;
	[tilespmem:$0x8100] =	vst v63  }
0x53: {  	s15 =	sadd.s32 $0x1, s15;
	_ =	swait.ge [sflag:s9], $0x4000  }
0x54: {  	p0 =	sne.s32 s15, s4;
	[sflag:s9] =	ssyncset.done $0x0  }
.Ltmp1:
0x55: {  	[sflag:s9] =	ssyncadd.s32 $0xFFFFC000;
	(pc) =	sbr.rel @p0 .LBB2_1-.Ltmp1, $4  }
0x56: {  	[hbm4b:s16+s1] =	stream.linear.scatter [tilespmem:s12], [sflag:$0x3], $0x4000, $0x38;
	[tilespmem:$0x8100] =	vst v63  }
0x57: {  	_ =	swait.ge [sflag:s9], $0x4000  }
0x58: {  	[sflag:s9] =	ssyncset.done $0x0  }
0x59: {  	[sflag:s9] =	ssyncadd.s32 $0xFFFFC000  }
0x5a: {  	_ =	sfence.sel $0x180000  }
0x5b: {  	[bflag:$0x0] =	sbarrier.arrive $0xFFFF  }
0x5c: {  	p0 =	sne.s32 s2, $0x0;
	_ =	strace $0x90000053  }
0x5d: {  	s0 =	sadd.s32 @!p0 $0x100000, s0;
	[bflag:$0x2] =	sbarrier.arrive $0xFFFF  }
0x5e: {  	[sflag:s0] =	ssyncadd.tile.s32 @!p0 $0x1;
	_ =	shalt  }
.Lfunc_end2:
_tile_overlayer_lowered:
.L_overlay_start_2:
0x5f: {  	(tag) =	ssettag $0x2  }
0x60: {  	s0 =	rddreg [dreg:$0x0];
	s2 =	stileid.u32  }
0x61: {  	s1 =	rddreg [dreg:$0x1];
	p0 =	sne.s32 s2, $0x0  }
0x62: {  	s3 =	rddreg [dreg:$0x2];
	[bflag:$0x3] =	sbarrier.arrive $0xFFFF;
	s2 =	simm.s32 @!p0 $0x1C03  }
0x63: {  	[timem:s3], [sflag:s2] =	dma.local @!p0 [hbm:s0], s1  }
0x64: {  	s0 =	simm.s32 @!p0 $0x3  }
0x65: {  	_ =	swait.ge @!p0 [sflag:s0], s1  }
0x66: {  	s1 =	ssub.s32 @!p0 $0x0, s1;
	[sflag:s0] =	ssyncset.done @!p0 $0x0  }
0x67: {  	[sflag:s0] =	ssyncadd.s32 @!p0 s1  }
0x68: {  	[bflag:$0x3] =	sbarrier.arrive $0xFFFF  }
0x69: {  	_ =	shalt  }

</sc_bundles>
